<compile_context>
chip_gen: v7x
topology: tpu7x:2x2x1
jax: 0.10.2.dev20260603
libtpu: 0.0.44.dev20260713+nightly
codegen_flags: <defaults>
</compile_context>

<pallas_src>
import dataclasses
import functools

import jax
import jax.numpy as jnp
from jax import lax
from jax.experimental import pallas as pl
from jax.experimental.pallas import tpu as pltpu
from jax.experimental.pallas import tpu_sc as plsc

_N = 10000
_NP = 10112
_NW = 32
_NCHUNK = 81
_CHW = 128
_EP = _NW * _NCHUNK * _CHW


def _compiler_params():
    cp = pltpu.CompilerParams()
    if "needs_layout_passes" in pltpu.CompilerParams.__dataclass_fields__:
        cp = dataclasses.replace(cp, needs_layout_passes=False)
    return cp


def _sc_attention(srcr, dstr, asrc_p, adst_p):
    nr = _NP // 16
    mesh = plsc.VectorSubcoreMesh(core_axis_name="c", subcore_axis_name="s")
    zeros_den = jnp.zeros((_NP, 16), jnp.float32)

    @functools.partial(
        pl.kernel,
        compiler_params=_compiler_params(),
        out_type=(
            jax.ShapeDtypeStruct((_NW, _NCHUNK, _CHW), jnp.float32),
            jax.ShapeDtypeStruct((2, _NP, 16), jnp.float32),
        ),
        mesh=mesh,
        scratch_types=[
            pltpu.VMEM((_NP,), jnp.float32),
            pltpu.VMEM((_NP,), jnp.float32),
            pltpu.VMEM((_CHW,), jnp.int32),
            pltpu.VMEM((_CHW,), jnp.int32),
            pltpu.VMEM((_CHW,), jnp.float32),
            pltpu.VMEM((_CHW, 16), jnp.float32),
            pltpu.VMEM_SHARED((_NP, 16), jnp.float32),
        ],
    )
    def k(srch, dsth, asrch, adsth, zdh, ee_out, den_out,
          asv, adv, srcj, dstj, eec, denrows, dens):
        c = lax.axis_index("c")
        s = lax.axis_index("s")
        w = c * 16 + s
        base = s * nr

        pltpu.sync_copy(asrch, asv)
        pltpu.sync_copy(adsth, adv)
        pltpu.sync_copy(zdh.at[pl.ds(base, nr)], dens.at[pl.ds(base, nr)])
        plsc.subcore_barrier()

        @pl.loop(0, _NCHUNK)
        def _(j):
            pltpu.sync_copy(srch.at[w, j], srcj)
            pltpu.sync_copy(dsth.at[w, j], dstj)
            for g in range(8):
                sv = srcj[pl.ds(g * 16, 16)]
                dv = dstj[pl.ds(g * 16, 16)]
                e = plsc.load_gather(asv, [sv]) + plsc.load_gather(adv, [dv])
                e = jnp.where(e >= 0.0, e, e * jnp.float32(0.2))
                eec[pl.ds(g * 16, 16)] = jnp.exp(e)

            @pl.loop(0, _CHW)
            def _(r):
                bc = plsc.load_gather(eec, [jnp.full((16,), r, jnp.int32)])
                denrows[r, :] = bc

            pltpu.sync_copy(denrows, dens.at[dstj], add=True)
            pltpu.sync_copy(eec, ee_out.at[w, j])

        plsc.subcore_barrier()
        pltpu.sync_copy(dens.at[pl.ds(base, nr)], den_out.at[c, pl.ds(base, nr)])

    return k(srcr, dstr, asrc_p, adst_p, zeros_den)


def _sc_aggregate(tables, srcr, dstr, eer):
    DC = tables[0].shape[1]
    n_t = len(tables)
    nr = _NP // 16
    mesh = plsc.VectorSubcoreMesh(core_axis_name="c", subcore_axis_name="s")
    zeros_acc = jnp.zeros((_NP, DC), jnp.float32)

    @functools.partial(
        pl.kernel,
        compiler_params=_compiler_params(),
        out_type=jax.ShapeDtypeStruct((2, n_t, _NP, DC), jnp.float32),
        mesh=mesh,
        scratch_types=[
            pltpu.VMEM((_CHW,), jnp.int32),
            pltpu.VMEM((_CHW,), jnp.int32),
            pltpu.VMEM((_CHW,), jnp.float32),
            pltpu.VMEM((_CHW, DC), jnp.float32),
            pltpu.VMEM_SHARED((_NP, DC), jnp.float32),
            pltpu.SemaphoreType.DMA,
        ],
    )
    def k(*refs):
        t_refs = refs[:n_t]
        (srch, dsth, eeh, zah, acc_out,
         srcj, dstj, eej, rows, accs, sem) = refs[n_t:]
        c = lax.axis_index("c")
        s = lax.axis_index("s")
        w = c * 16 + s
        base = s * nr

        pltpu.sync_copy(zah.at[pl.ds(base, nr)], accs.at[pl.ds(base, nr)])
        plsc.subcore_barrier()

        for cc in range(n_t):
            tbl = t_refs[cc]

            @pl.loop(0, _NCHUNK)
            def _(j, tbl=tbl):
                pltpu.sync_copy(srch.at[w, j], srcj)
                pltpu.sync_copy(dsth.at[w, j], dstj)
                pltpu.sync_copy(eeh.at[w, j], eej)
                pltpu.async_copy(tbl.at[srcj], rows, sem).wait()

                @pl.loop(0, _CHW)
                def _(r):
                    bc = plsc.load_gather(eej, [jnp.full((16,), r, jnp.int32)])
                    for d in range(DC // 16):
                        sl = pl.ds(d * 16, 16)
                        rows[r, sl] = rows[r, sl] * bc

                pltpu.sync_copy(rows, accs.at[dstj], add=True)

            plsc.subcore_barrier()
            pltpu.sync_copy(accs.at[pl.ds(base, nr)],
                            acc_out.at[c, cc, pl.ds(base, nr)])
            if cc + 1 < n_t:
                pltpu.sync_copy(zah.at[pl.ds(base, nr)],
                                accs.at[pl.ds(base, nr)])
                plsc.subcore_barrier()

    return k(*tables, srcr, dstr, eer, zeros_acc)


def _k1(x, W1, att_s, att_d):
    R = 1000

    def body(x_ref, w_ref, as_ref, ad_ref, h_ref, s_ref, d_ref):
        h = jnp.dot(x_ref[...], w_ref[...], preferred_element_type=jnp.float32)
        h_ref[...] = h
        s_ref[...] = (h * as_ref[...]).sum(axis=1, keepdims=True)
        d_ref[...] = (h * ad_ref[...]).sum(axis=1, keepdims=True)

    return pl.pallas_call(
        body,
        grid=(10,),
        in_specs=[
            pl.BlockSpec((R, 128), lambda i: (i, 0)),
            pl.BlockSpec((128, 512), lambda i: (0, 0)),
            pl.BlockSpec((1, 512), lambda i: (0, 0)),
            pl.BlockSpec((1, 512), lambda i: (0, 0)),
        ],
        out_specs=[
            pl.BlockSpec((R, 512), lambda i: (i, 0)),
            pl.BlockSpec((R, 1), lambda i: (i, 0)),
            pl.BlockSpec((R, 1), lambda i: (i, 0)),
        ],
        out_shape=[
            jax.ShapeDtypeStruct((_N, 512), jnp.float32),
            jax.ShapeDtypeStruct((_N, 1), jnp.float32),
            jax.ShapeDtypeStruct((_N, 1), jnp.float32),
        ],
    )(x, W1, att_s, att_d)


def _k2a(acc, den, b1):
    R = 1000

    def body(a_ref, d_ref, b_ref, o_ref, st_ref):
        i = pl.program_id(0)
        a = a_ref[...]
        asum = a[0] + a[1]
        cat = jnp.concatenate([asum[c] for c in range(4)], axis=1)
        dn = d_ref[0, :, 0] + d_ref[1, :, 0]
        o = cat / (dn[:, None] + 1e-16) + b_ref[...]
        o_ref[...] = o
        st = jnp.concatenate(
            [o.sum(axis=0, keepdims=True), (o * o).sum(axis=0, keepdims=True)],
            axis=0)

        @pl.when(i == 0)
        def _():
            st_ref[...] = st

        @pl.when(i != 0)
        def _():
            st_ref[...] += st

    return pl.pallas_call(
        body,
        grid=(10,),
        in_specs=[
            pl.BlockSpec((2, 4, R, 128), lambda i: (0, 0, i, 0)),
            pl.BlockSpec((2, R, 16), lambda i: (0, i, 0)),
            pl.BlockSpec((1, 512), lambda i: (0, 0)),
        ],
        out_specs=[
            pl.BlockSpec((R, 512), lambda i: (i, 0)),
            pl.BlockSpec((2, 512), lambda i: (0, 0)),
        ],
        out_shape=[
            jax.ShapeDtypeStruct((_N, 512), jnp.float32),
            jax.ShapeDtypeStruct((2, 512), jnp.float32),
        ],
    )(acc, den, b1)


def _k2b(o1, st, gamma, beta, W2p, as2, ad2):
    R = 1000

    def body(o_ref, st_ref, g_ref, b_ref, w_ref, s_ref, d_ref,
             h2_ref, s2_ref, d2_ref):
        st = st_ref[...]
        mu = st[0:1] / _N
        var = st[1:2] / _N - mu * mu
        xb = (o_ref[...] - mu) * lax.rsqrt(var + 1e-5) * g_ref[...] + b_ref[...]
        h = jnp.where(xb > 0, xb, jnp.exp(jnp.minimum(xb, 0.0)) - 1.0)
        h2 = jnp.dot(h, w_ref[...], preferred_element_type=jnp.float32)
        h2_ref[...] = h2
        s2_ref[...] = (h2 * s_ref[...]).sum(axis=1, keepdims=True)
        d2_ref[...] = (h2 * d_ref[...]).sum(axis=1, keepdims=True)

    return pl.pallas_call(
        body,
        grid=(10,),
        in_specs=[
            pl.BlockSpec((R, 512), lambda i: (i, 0)),
            pl.BlockSpec((2, 512), lambda i: (0, 0)),
            pl.BlockSpec((1, 512), lambda i: (0, 0)),
            pl.BlockSpec((1, 512), lambda i: (0, 0)),
            pl.BlockSpec((512, 128), lambda i: (0, 0)),
            pl.BlockSpec((1, 128), lambda i: (0, 0)),
            pl.BlockSpec((1, 128), lambda i: (0, 0)),
        ],
        out_specs=[
            pl.BlockSpec((R, 128), lambda i: (i, 0)),
            pl.BlockSpec((R, 1), lambda i: (i, 0)),
            pl.BlockSpec((R, 1), lambda i: (i, 0)),
        ],
        out_shape=[
            jax.ShapeDtypeStruct((_N, 128), jnp.float32),
            jax.ShapeDtypeStruct((_N, 1), jnp.float32),
            jax.ShapeDtypeStruct((_N, 1), jnp.float32),
        ],
    )(o1, st, gamma, beta, W2p, as2, ad2)


def _k3(acc2, den2, b2p, Wdp, bd):
    R = 1000

    def body(a_ref, d_ref, b_ref, w_ref, bd_ref, z_ref, x_ref):
        a = a_ref[0] + a_ref[1]
        dn = d_ref[0, :, 0] + d_ref[1, :, 0]
        z = a / (dn[:, None] + 1e-16) + b_ref[...]
        z_ref[...] = z
        x_ref[...] = (jnp.dot(z, w_ref[...], preferred_element_type=jnp.float32)
                      + bd_ref[...])

    return pl.pallas_call(
        body,
        grid=(10,),
        in_specs=[
            pl.BlockSpec((2, R, 128), lambda i: (0, i, 0)),
            pl.BlockSpec((2, R, 16), lambda i: (0, i, 0)),
            pl.BlockSpec((1, 128), lambda i: (0, 0)),
            pl.BlockSpec((128, 128), lambda i: (0, 0)),
            pl.BlockSpec((1, 128), lambda i: (0, 0)),
        ],
        out_specs=[
            pl.BlockSpec((R, 128), lambda i: (i, 0)),
            pl.BlockSpec((R, 128), lambda i: (i, 0)),
        ],
        out_shape=[
            jax.ShapeDtypeStruct((_N, 128), jnp.float32),
            jax.ShapeDtypeStruct((_N, 128), jnp.float32),
        ],
    )(acc2, den2, b2p, Wdp, bd)


def kernel(x, edge_index, W1, att_src1, att_dst1, b1, gamma1, beta1,
           W2, att_src2, att_dst2, b2, Wd, bd):
    loop = jnp.arange(_N, dtype=jnp.int32)
    src = jnp.concatenate([edge_index[0].astype(jnp.int32), loop])
    dst = jnp.concatenate([edge_index[1].astype(jnp.int32), loop])
    pad = _EP - src.shape[0]
    src = jnp.concatenate([src, jnp.zeros((pad,), jnp.int32)])
    dst = jnp.concatenate([dst, jnp.full((pad,), _N, jnp.int32)])
    srcr = src.reshape(_NW, _NCHUNK, _CHW)
    dstr = dst.reshape(_NW, _NCHUNK, _CHW)
    zpad = jnp.zeros((_NP - _N,), jnp.float32)

    h1, a_s1, a_d1 = _k1(x, W1, att_src1, att_dst1)
    asp = jnp.concatenate([a_s1[:, 0], zpad])
    adp = jnp.concatenate([a_d1[:, 0], zpad])
    h1c = h1.reshape(_N, 4, 128).transpose(1, 0, 2)
    tables1 = tuple(h1c[c] for c in range(4))
    ee1, den1 = _sc_attention(srcr, dstr, asp, adp)
    acc1 = _sc_aggregate(tables1, srcr, dstr, ee1)

    o1, st1 = _k2a(acc1, den1, b1.reshape(1, 512))
    W2p = jnp.concatenate([W2, jnp.zeros((512, 98), jnp.float32)], axis=1)
    as2p = jnp.concatenate([att_src2, jnp.zeros((1, 98), jnp.float32)], axis=1)
    ad2p = jnp.concatenate([att_dst2, jnp.zeros((1, 98), jnp.float32)], axis=1)
    h2p, a_s2, a_d2 = _k2b(o1, st1, gamma1.reshape(1, 512),
                           beta1.reshape(1, 512), W2p, as2p, ad2p)
    asp2 = jnp.concatenate([a_s2[:, 0], zpad])
    adp2 = jnp.concatenate([a_d2[:, 0], zpad])
    ee2, den2 = _sc_attention(srcr, dstr, asp2, adp2)
    acc2 = _sc_aggregate((h2p,), srcr, dstr, ee2)

    b2p = jnp.concatenate([b2, jnp.zeros((98,), jnp.float32)]).reshape(1, 128)
    Wdp = jnp.concatenate([Wd, jnp.zeros((98, 128), jnp.float32)], axis=0)
    zp, xr = _k3(acc2.reshape(2, _NP, 128), den2, b2p, Wdp, bd.reshape(1, 128))
    return zp[:, :30], xr

# --- scband reference (transcript-rebuilt; emitter-appended) ---
"""Pipeline reference for scband-spatial-autoencoder-21586505630143 (READ-ONLY COPY).

The authoritative reference and input builder live on the scoring server;
editing this copy changes nothing except your own understanding.
"""

import jax, jax.numpy as jnp
import numpy as np

N_NODES = 10000
N_EDGES = 320000
IN_DIM = 128
HIDDEN = 512
LATENT = 30
HEADS = 1


def gat_conv(x, edge_index, W, att_src, att_dst, bias, heads, out_dim, num_nodes):
    # PyG-style GATConv with add_self_loops=True, concat=False (mean over heads)
    src = edge_index[0]
    dst = edge_index[1]
    loop = jnp.arange(num_nodes, dtype=src.dtype)
    src = jnp.concatenate([src, loop])
    dst = jnp.concatenate([dst, loop])
    h = (x @ W).reshape(num_nodes, heads, out_dim)
    a_src = (h * att_src[None, :, :]).sum(-1)  # [N, H]
    a_dst = (h * att_dst[None, :, :]).sum(-1)  # [N, H]
    e = a_src[src] + a_dst[dst]                # [E, H]
    e = jax.nn.leaky_relu(e, negative_slope=0.2)
    emax = jax.ops.segment_max(e, dst, num_segments=num_nodes)
    emax = jnp.where(jnp.isfinite(emax), emax, 0.0)
    ee = jnp.exp(e - emax[dst])
    denom = jax.ops.segment_sum(ee, dst, num_segments=num_nodes)
    alpha = ee / (denom[dst] + 1e-16)          # softmax over incoming edges per dst
    msg = h[src] * alpha[:, :, None]           # [E, H, out]
    out = jax.ops.segment_sum(msg, dst, num_segments=num_nodes)  # [N, H, out]
    out = out.mean(axis=1)                     # concat=False -> average heads
    return out + bias


def batch_norm(x, gamma, beta, eps=1e-5):
    mu = x.mean(axis=0)
    var = x.var(axis=0)
    return (x - mu) / jnp.sqrt(var + eps) * gamma + beta


def setup_inputs(seed: int = 0) -> dict:
    key = jax.random.key(seed)
    ks = jax.random.split(key, 16)
    x = jax.random.normal(ks[0], (N_NODES, IN_DIM), dtype=jnp.float32)
    edge_index = jax.random.randint(ks[1], (2, N_EDGES), 0, N_NODES, dtype=jnp.int64 if jax.config.jax_enable_x64 else jnp.int32).astype(jnp.int32)
    s1 = 1.0 / np.sqrt(IN_DIM)
    W1 = jax.random.normal(ks[2], (IN_DIM, HEADS * HIDDEN), dtype=jnp.float32) * s1
    att_src1 = jax.random.normal(ks[3], (HEADS, HIDDEN), dtype=jnp.float32) * 0.1
    att_dst1 = jax.random.normal(ks[4], (HEADS, HIDDEN), dtype=jnp.float32) * 0.1
    b1 = jnp.zeros((HIDDEN,), dtype=jnp.float32)
    gamma1 = jnp.ones((HIDDEN,), dtype=jnp.float32)
    beta1 = jnp.zeros((HIDDEN,), dtype=jnp.float32)
    s2 = 1.0 / np.sqrt(HIDDEN)
    W2 = jax.random.normal(ks[5], (HIDDEN, 1 * LATENT), dtype=jnp.float32) * s2
    att_src2 = jax.random.normal(ks[6], (1, LATENT), dtype=jnp.float32) * 0.1
    att_dst2 = jax.random.normal(ks[7], (1, LATENT), dtype=jnp.float32) * 0.1
    b2 = jnp.zeros((LATENT,), dtype=jnp.float32)
    sd = 1.0 / np.sqrt(LATENT)
    Wd = jax.random.normal(ks[8], (LATENT, IN_DIM), dtype=jnp.float32) * sd
    bd = jnp.zeros((IN_DIM,), dtype=jnp.float32)
    return {"x": x, "edge_index": edge_index, "W1": W1, "att_src1": att_src1,
            "att_dst1": att_dst1, "b1": b1, "gamma1": gamma1, "beta1": beta1,
            "W2": W2, "att_src2": att_src2, "att_dst2": att_dst2, "b2": b2,
            "Wd": Wd, "bd": bd}


def reference(x, edge_index, W1, att_src1, att_dst1, b1, gamma1, beta1,
              W2, att_src2, att_dst2, b2, Wd, bd):
    n = x.shape[0]
    h = gat_conv(x, edge_index, W1, att_src1, att_dst1, b1, HEADS, HIDDEN, n)
    h = batch_norm(h, gamma1, beta1)
    h = jax.nn.elu(h)
    z = gat_conv(h, edge_index, W2, att_src2, att_dst2, b2, 1, LATENT, n)
    x_recon = z @ Wd + bd
    return (z, x_recon)

if __name__ == "__main__":
    import jax
    _d = setup_inputs()
    print(jax.jit(kernel)(*tuple(_d.values())))

</pallas_src>

<mosaic_0001>
#map = affine_map<(d0, d1) -> (0, 0, 0)>
#map1 = affine_map<(d0, d1) -> (0)>
#map2 = affine_map<(d0, d1) -> (0, 0)>
module attributes {stable_mosaic.version = 14 : i64} {
  func.func @k(%arg0: i32, %arg1: i32, %arg2: memref<32x81x128xi32, #tpu.memory_space<hbm>>, %arg3: memref<32x81x128xi32, #tpu.memory_space<hbm>>, %arg4: memref<10112xf32, #tpu.memory_space<hbm>>, %arg5: memref<10112xf32, #tpu.memory_space<hbm>>, %arg6: memref<10112x16xf32, #tpu.memory_space<hbm>>, %arg7: memref<32x81x128xf32, #tpu.memory_space<hbm>>, %arg8: memref<2x10112x16xf32, #tpu.memory_space<hbm>>, %arg9: memref<10112xf32, #tpu.memory_space<vmem>>, %arg10: memref<10112xf32, #tpu.memory_space<vmem>>, %arg11: memref<128xi32, #tpu.memory_space<vmem>>, %arg12: memref<128xi32, #tpu.memory_space<vmem>>, %arg13: memref<128xf32, #tpu.memory_space<vmem>>, %arg14: memref<128x16xf32, #tpu.memory_space<vmem>>, %arg15: memref<10112x16xf32, #tpu.memory_space<vmem_shared>>) attributes {dimension_semantics = [#tpu.dimension_semantics<core_parallel>, #tpu.dimension_semantics<subcore_parallel>], iteration_bounds = array<i64: 2, 16>, scalar_prefetch = 0 : i64, scratch_operands = 7 : i64, tpu.core_type = #tpu.core_type<sc_vector_subcore>, window_params = [{transform_indices = #map}, {transform_indices = #map}, {transform_indices = #map1}, {transform_indices = #map1}, {transform_indices = #map2}, {transform_indices = #map}, {transform_indices = #map}]} {
    %mul3A = arith.constant 16 : i32
    %mul3A_0 = arith.muli %arg0, %mul3A : i32
    %add3A = arith.addi %mul3A_0, %arg1 : i32
    %mul3A_1 = arith.constant 632 : i32
    %mul3A_2 = arith.muli %arg1, %mul3A_1 : i32
    "tpu.region"() ({
      %run_scoped3A = tpu.sem_alloc : memref<!tpu.dma_semaphore, #tpu.memory_space<semaphore_mem>>
      tpu.enqueue_dma source(%arg4 : memref<10112xf32, #tpu.memory_space<hbm>>) target(%arg9 : memref<10112xf32, #tpu.memory_space<vmem>>) target_semaphore(%run_scoped3A : memref<!tpu.dma_semaphore, #tpu.memory_space<semaphore_mem>>)
      tpu.wait_dma2 semaphore(%run_scoped3A : memref<!tpu.dma_semaphore, #tpu.memory_space<semaphore_mem>>) src(%arg4 : memref<10112xf32, #tpu.memory_space<hbm>>) dst(%arg9 : memref<10112xf32, #tpu.memory_space<vmem>>)
      tpu.yield
    }) : () -> ()
    "tpu.region"() ({
      %run_scoped3A = tpu.sem_alloc : memref<!tpu.dma_semaphore, #tpu.memory_space<semaphore_mem>>
      tpu.enqueue_dma source(%arg5 : memref<10112xf32, #tpu.memory_space<hbm>>) target(%arg10 : memref<10112xf32, #tpu.memory_space<vmem>>) target_semaphore(%run_scoped3A : memref<!tpu.dma_semaphore, #tpu.memory_space<semaphore_mem>>)
      tpu.wait_dma2 semaphore(%run_scoped3A : memref<!tpu.dma_semaphore, #tpu.memory_space<semaphore_mem>>) src(%arg5 : memref<10112xf32, #tpu.memory_space<hbm>>) dst(%arg10 : memref<10112xf32, #tpu.memory_space<vmem>>)
      tpu.yield
    }) : () -> ()
    "tpu.region"() ({
      %run_scoped3A = tpu.sem_alloc : memref<!tpu.dma_semaphore, #tpu.memory_space<semaphore_mem>>
      %dma_start3A = arith.constant 0 : i32
      %dma_start3A_8 = tpu.memref_slice %arg15[%mul3A_2, %dma_start3A] : memref<10112x16xf32, #tpu.memory_space<vmem_shared>> -> memref<632x16xf32, #tpu.memory_space<vmem_shared>>
      %dma_start3A_9 = arith.constant 0 : i32
      %dma_start3A_10 = tpu.memref_slice %arg6[%mul3A_2, %dma_start3A_9] : memref<10112x16xf32, #tpu.memory_space<hbm>> -> memref<632x16xf32, #tpu.memory_space<hbm>>
      tpu.enqueue_dma source(%dma_start3A_10 : memref<632x16xf32, #tpu.memory_space<hbm>>) target(%dma_start3A_8 : memref<632x16xf32, #tpu.memory_space<vmem_shared>>) target_semaphore(%run_scoped3A : memref<!tpu.dma_semaphore, #tpu.memory_space<semaphore_mem>>)
      %dma_wait3A = arith.constant 0 : i32
      %dma_wait3A_11 = tpu.memref_slice %arg15[%mul3A_2, %dma_wait3A] : memref<10112x16xf32, #tpu.memory_space<vmem_shared>> -> memref<632x16xf32, #tpu.memory_space<vmem_shared>>
      %dma_wait3A_12 = arith.constant 0 : i32
      %dma_wait3A_13 = tpu.memref_slice %arg6[%mul3A_2, %dma_wait3A_12] : memref<10112x16xf32, #tpu.memory_space<hbm>> -> memref<632x16xf32, #tpu.memory_space<hbm>>
      tpu.wait_dma2 semaphore(%run_scoped3A : memref<!tpu.dma_semaphore, #tpu.memory_space<semaphore_mem>>) src(%dma_wait3A_13 : memref<632x16xf32, #tpu.memory_space<hbm>>) dst(%dma_wait3A_11 : memref<632x16xf32, #tpu.memory_space<vmem_shared>>)
      tpu.yield
    }) : () -> ()
    %barrier3A = arith.constant 0 : index
    tpu.barrier barrier_id(%barrier3A)
    %scan3A = arith.constant 0 : i32
    %scan3A_3 = arith.constant 81 : i32
    %scan3A_4 = arith.addi %scan3A, %scan3A_3 : i32
    %scan3A_5 = arith.constant 1 : i32
    scf.for %scan3A_8 = %scan3A to %scan3A_4 step %scan3A_5  : i32 {
      %mul3A_9 = arith.constant 1 : i32
      %mul3A_10 = arith.muli %scan3A_8, %mul3A_9 : i32
      %add3A_11 = arith.constant 0 : i32
      %add3A_12 = arith.addi %add3A_11, %mul3A_10 : i32
      "tpu.region"() ({
        %run_scoped3A = tpu.sem_alloc : memref<!tpu.dma_semaphore, #tpu.memory_space<semaphore_mem>>
        %dma_start3A = arith.constant 0 : i32
        %dma_start3A_148 = tpu.memref_slice %arg2[%add3A, %add3A_12, %dma_start3A] : memref<32x81x128xi32, #tpu.memory_space<hbm>> -> memref<1x1x128xi32, #tpu.memory_space<hbm>>
        %dma_start3A_149 = tpu.memref_squeeze %dma_start3A_148 : memref<1x1x128xi32, #tpu.memory_space<hbm>> -> memref<128xi32, #tpu.memory_space<hbm>>
        %dma_start3A_150 = arith.constant 0 : i32
        %dma_start3A_151 = tpu.memref_slice %arg2[%add3A, %add3A_12, %dma_start3A_150] : memref<32x81x128xi32, #tpu.memory_space<hbm>> -> memref<1x1x128xi32, #tpu.memory_space<hbm>>
        %dma_start3A_152 = tpu.memref_squeeze %dma_start3A_151 : memref<1x1x128xi32, #tpu.memory_space<hbm>> -> memref<128xi32, #tpu.memory_space<hbm>>
        tpu.enqueue_dma source(%dma_start3A_152 : memref<128xi32, #tpu.memory_space<hbm>>) target(%arg11 : memref<128xi32, #tpu.memory_space<vmem>>) target_semaphore(%run_scoped3A : memref<!tpu.dma_semaphore, #tpu.memory_space<semaphore_mem>>)
        %dma_wait3A = arith.constant 0 : i32
        %dma_wait3A_153 = tpu.memref_slice %arg2[%add3A, %add3A_12, %dma_wait3A] : memref<32x81x128xi32, #tpu.memory_space<hbm>> -> memref<1x1x128xi32, #tpu.memory_space<hbm>>
        %dma_wait3A_154 = tpu.memref_squeeze %dma_wait3A_153 : memref<1x1x128xi32, #tpu.memory_space<hbm>> -> memref<128xi32, #tpu.memory_space<hbm>>
        %dma_wait3A_155 = arith.constant 0 : i32
        %dma_wait3A_156 = tpu.memref_slice %arg2[%add3A, %add3A_12, %dma_wait3A_155] : memref<32x81x128xi32, #tpu.memory_space<hbm>> -> memref<1x1x128xi32, #tpu.memory_space<hbm>>
        %dma_wait3A_157 = tpu.memref_squeeze %dma_wait3A_156 : memref<1x1x128xi32, #tpu.memory_space<hbm>> -> memref<128xi32, #tpu.memory_space<hbm>>
        tpu.wait_dma2 semaphore(%run_scoped3A : memref<!tpu.dma_semaphore, #tpu.memory_space<semaphore_mem>>) src(%dma_wait3A_157 : memref<128xi32, #tpu.memory_space<hbm>>) dst(%arg11 : memref<128xi32, #tpu.memory_space<vmem>>)
        tpu.yield
      }) : () -> ()
      "tpu.region"() ({
        %run_scoped3A = tpu.sem_alloc : memref<!tpu.dma_semaphore, #tpu.memory_space<semaphore_mem>>
        %dma_start3A = arith.constant 0 : i32
        %dma_start3A_148 = tpu.memref_slice %arg3[%add3A, %add3A_12, %dma_start3A] : memref<32x81x128xi32, #tpu.memory_space<hbm>> -> memref<1x1x128xi32, #tpu.memory_space<hbm>>
        %dma_start3A_149 = tpu.memref_squeeze %dma_start3A_148 : memref<1x1x128xi32, #tpu.memory_space<hbm>> -> memref<128xi32, #tpu.memory_space<hbm>>
        %dma_start3A_150 = arith.constant 0 : i32
        %dma_start3A_151 = tpu.memref_slice %arg3[%add3A, %add3A_12, %dma_start3A_150] : memref<32x81x128xi32, #tpu.memory_space<hbm>> -> memref<1x1x128xi32, #tpu.memory_space<hbm>>
        %dma_start3A_152 = tpu.memref_squeeze %dma_start3A_151 : memref<1x1x128xi32, #tpu.memory_space<hbm>> -> memref<128xi32, #tpu.memory_space<hbm>>
        tpu.enqueue_dma source(%dma_start3A_152 : memref<128xi32, #tpu.memory_space<hbm>>) target(%arg12 : memref<128xi32, #tpu.memory_space<vmem>>) target_semaphore(%run_scoped3A : memref<!tpu.dma_semaphore, #tpu.memory_space<semaphore_mem>>)
        %dma_wait3A = arith.constant 0 : i32
        %dma_wait3A_153 = tpu.memref_slice %arg3[%add3A, %add3A_12, %dma_wait3A] : memref<32x81x128xi32, #tpu.memory_space<hbm>> -> memref<1x1x128xi32, #tpu.memory_space<hbm>>
        %dma_wait3A_154 = tpu.memref_squeeze %dma_wait3A_153 : memref<1x1x128xi32, #tpu.memory_space<hbm>> -> memref<128xi32, #tpu.memory_space<hbm>>
        %dma_wait3A_155 = arith.constant 0 : i32
        %dma_wait3A_156 = tpu.memref_slice %arg3[%add3A, %add3A_12, %dma_wait3A_155] : memref<32x81x128xi32, #tpu.memory_space<hbm>> -> memref<1x1x128xi32, #tpu.memory_space<hbm>>
        %dma_wait3A_157 = tpu.memref_squeeze %dma_wait3A_156 : memref<1x1x128xi32, #tpu.memory_space<hbm>> -> memref<128xi32, #tpu.memory_space<hbm>>
        tpu.wait_dma2 semaphore(%run_scoped3A : memref<!tpu.dma_semaphore, #tpu.memory_space<semaphore_mem>>) src(%dma_wait3A_157 : memref<128xi32, #tpu.memory_space<hbm>>) dst(%arg12 : memref<128xi32, #tpu.memory_space<vmem>>)
        tpu.yield
      }) : () -> ()
      %get3A = arith.constant 0 : index
      %get3A_13 = tpu.vector_load %arg11[%get3A] {strides = array<i32>} : memref<128xi32, #tpu.memory_space<vmem>>, vector<16xi32>,
      %get3A_14 = arith.constant 0 : index
      %get3A_15 = tpu.vector_load %arg12[%get3A_14] {strides = array<i32>} : memref<128xi32, #tpu.memory_space<vmem>>, vector<16xi32>,
      %gather3A = tpu.vector_load_idx %arg9[%get3A_13] : memref<10112xf32, #tpu.memory_space<vmem>>[vector<16xi32>], vector<16xf32>,
      %gather3A_16 = tpu.vector_load_idx %arg10[%get3A_15] : memref<10112xf32, #tpu.memory_space<vmem>>[vector<16xi32>], vector<16xf32>,
      %add3A_17 = arith.addf %gather3A, %gather3A_16 : vector<16xf32>
      %ge3A = arith.constant 0.000000e+00 : f32
      %ge3A_18 = vector.broadcast %ge3A : f32 to vector<16xf32>
      %ge3A_19 = arith.cmpf oge, %add3A_17, %ge3A_18 : vector<16xf32>
      %mul3A_20 = arith.constant 2.000000e-01 : f32
      %mul3A_21 = vector.broadcast %mul3A_20 : f32 to vector<16xf32>
      %mul3A_22 = arith.mulf %add3A_17, %mul3A_21 : vector<16xf32>
      %select_n3A = arith.select %ge3A_19, %add3A_17, %mul3A_22 : vector<16xi1>, vector<16xf32>
      %exp3A = math.exp %select_n3A : vector<16xf32>
      %swap3A = arith.constant 0 : index
      %swap3A_23 = tpu.vector_load %arg13[%swap3A] {strides = array<i32>} : memref<128xf32, #tpu.memory_space<vmem>>, vector<16xf32>,
      tpu.vector_store %arg13[%swap3A], %exp3A {strides = array<i32>} : memref<128xf32, #tpu.memory_space<vmem>>, vector<16xf32>,
      %get3A_24 = arith.constant 16 : index
      %get3A_25 = tpu.vector_load %arg11[%get3A_24] {strides = array<i32>} : memref<128xi32, #tpu.memory_space<vmem>>, vector<16xi32>,
      %get3A_26 = arith.constant 16 : index
      %get3A_27 = tpu.vector_load %arg12[%get3A_26] {strides = array<i32>} : memref<128xi32, #tpu.memory_space<vmem>>, vector<16xi32>,
      %gather3A_28 = tpu.vector_load_idx %arg9[%get3A_25] : memref<10112xf32, #tpu.memory_space<vmem>>[vector<16xi32>], vector<16xf32>,
      %gather3A_29 = tpu.vector_load_idx %arg10[%get3A_27] : memref<10112xf32, #tpu.memory_space<vmem>>[vector<16xi32>], vector<16xf32>,
      %add3A_30 = arith.addf %gather3A_28, %gather3A_29 : vector<16xf32>
      %ge3A_31 = arith.constant 0.000000e+00 : f32
      %ge3A_32 = vector.broadcast %ge3A_31 : f32 to vector<16xf32>
      %ge3A_33 = arith.cmpf oge, %add3A_30, %ge3A_32 : vector<16xf32>
      %mul3A_34 = arith.constant 2.000000e-01 : f32
      %mul3A_35 = vector.broadcast %mul3A_34 : f32 to vector<16xf32>
      %mul3A_36 = arith.mulf %add3A_30, %mul3A_35 : vector<16xf32>
      %select_n3A_37 = arith.select %ge3A_33, %add3A_30, %mul3A_36 : vector<16xi1>, vector<16xf32>
      %exp3A_38 = math.exp %select_n3A_37 : vector<16xf32>
      %swap3A_39 = arith.constant 16 : index
      %swap3A_40 = tpu.vector_load %arg13[%swap3A_39] {strides = array<i32>} : memref<128xf32, #tpu.memory_space<vmem>>, vector<16xf32>,
      tpu.vector_store %arg13[%swap3A_39], %exp3A_38 {strides = array<i32>} : memref<128xf32, #tpu.memory_space<vmem>>, vector<16xf32>,
      %get3A_41 = arith.constant 32 : index
      %get3A_42 = tpu.vector_load %arg11[%get3A_41] {strides = array<i32>} : memref<128xi32, #tpu.memory_space<vmem>>, vector<16xi32>,
      %get3A_43 = arith.constant 32 : index
      %get3A_44 = tpu.vector_load %arg12[%get3A_43] {strides = array<i32>} : memref<128xi32, #tpu.memory_space<vmem>>, vector<16xi32>,
      %gather3A_45 = tpu.vector_load_idx %arg9[%get3A_42] : memref<10112xf32, #tpu.memory_space<vmem>>[vector<16xi32>], vector<16xf32>,
      %gather3A_46 = tpu.vector_load_idx %arg10[%get3A_44] : memref<10112xf32, #tpu.memory_space<vmem>>[vector<16xi32>], vector<16xf32>,
      %add3A_47 = arith.addf %gather3A_45, %gather3A_46 : vector<16xf32>
      %ge3A_48 = arith.constant 0.000000e+00 : f32
      %ge3A_49 = vector.broadcast %ge3A_48 : f32 to vector<16xf32>
      %ge3A_50 = arith.cmpf oge, %add3A_47, %ge3A_49 : vector<16xf32>
      %mul3A_51 = arith.constant 2.000000e-01 : f32
      %mul3A_52 = vector.broadcast %mul3A_51 : f32 to vector<16xf32>
      %mul3A_53 = arith.mulf %add3A_47, %mul3A_52 : vector<16xf32>
      %select_n3A_54 = arith.select %ge3A_50, %add3A_47, %mul3A_53 : vector<16xi1>, vector<16xf32>
      %exp3A_55 = math.exp %select_n3A_54 : vector<16xf32>
      %swap3A_56 = arith.constant 32 : index
      %swap3A_57 = tpu.vector_load %arg13[%swap3A_56] {strides = array<i32>} : memref<128xf32, #tpu.memory_space<vmem>>, vector<16xf32>,
      tpu.vector_store %arg13[%swap3A_56], %exp3A_55 {strides = array<i32>} : memref<128xf32, #tpu.memory_space<vmem>>, vector<16xf32>,
      %get3A_58 = arith.constant 48 : index
      %get3A_59 = tpu.vector_load %arg11[%get3A_58] {strides = array<i32>} : memref<128xi32, #tpu.memory_space<vmem>>, vector<16xi32>,
      %get3A_60 = arith.constant 48 : index
      %get3A_61 = tpu.vector_load %arg12[%get3A_60] {strides = array<i32>} : memref<128xi32, #tpu.memory_space<vmem>>, vector<16xi32>,
      %gather3A_62 = tpu.vector_load_idx %arg9[%get3A_59] : memref<10112xf32, #tpu.memory_space<vmem>>[vector<16xi32>], vector<16xf32>,
      %gather3A_63 = tpu.vector_load_idx %arg10[%get3A_61] : memref<10112xf32, #tpu.memory_space<vmem>>[vector<16xi32>], vector<16xf32>,
      %add3A_64 = arith.addf %gather3A_62, %gather3A_63 : vector<16xf32>
      %ge3A_65 = arith.constant 0.000000e+00 : f32
      %ge3A_66 = vector.broadcast %ge3A_65 : f32 to vector<16xf32>
      %ge3A_67 = arith.cmpf oge, %add3A_64, %ge3A_66 : vector<16xf32>
      %mul3A_68 = arith.constant 2.000000e-01 : f32
      %mul3A_69 = vector.broadcast %mul3A_68 : f32 to vector<16xf32>
      %mul3A_70 = arith.mulf %add3A_64, %mul3A_69 : vector<16xf32>
      %select_n3A_71 = arith.select %ge3A_67, %add3A_64, %mul3A_70 : vector<16xi1>, vector<16xf32>
      %exp3A_72 = math.exp %select_n3A_71 : vector<16xf32>
      %swap3A_73 = arith.constant 48 : index
      %swap3A_74 = tpu.vector_load %arg13[%swap3A_73] {strides = array<i32>} : memref<128xf32, #tpu.memory_space<vmem>>, vector<16xf32>,
      tpu.vector_store %arg13[%swap3A_73], %exp3A_72 {strides = array<i32>} : memref<128xf32, #tpu.memory_space<vmem>>, vector<16xf32>,
      %get3A_75 = arith.constant 64 : index
      %get3A_76 = tpu.vector_load %arg11[%get3A_75] {strides = array<i32>} : memref<128xi32, #tpu.memory_space<vmem>>, vector<16xi32>,
      %get3A_77 = arith.constant 64 : index
      %get3A_78 = tpu.vector_load %arg12[%get3A_77] {strides = array<i32>} : memref<128xi32, #tpu.memory_space<vmem>>, vector<16xi32>,
      %gather3A_79 = tpu.vector_load_idx %arg9[%get3A_76] : memref<10112xf32, #tpu.memory_space<vmem>>[vector<16xi32>], vector<16xf32>,
      %gather3A_80 = tpu.vector_load_idx %arg10[%get3A_78] : memref<10112xf32, #tpu.memory_space<vmem>>[vector<16xi32>], vector<16xf32>,
      %add3A_81 = arith.addf %gather3A_79, %gather3A_80 : vector<16xf32>
      %ge3A_82 = arith.constant 0.000000e+00 : f32
      %ge3A_83 = vector.broadcast %ge3A_82 : f32 to vector<16xf32>
      %ge3A_84 = arith.cmpf oge, %add3A_81, %ge3A_83 : vector<16xf32>
      %mul3A_85 = arith.constant 2.000000e-01 : f32
      %mul3A_86 = vector.broadcast %mul3A_85 : f32 to vector<16xf32>
      %mul3A_87 = arith.mulf %add3A_81, %mul3A_86 : vector<16xf32>
      %select_n3A_88 = arith.select %ge3A_84, %add3A_81, %mul3A_87 : vector<16xi1>, vector<16xf32>
      %exp3A_89 = math.exp %select_n3A_88 : vector<16xf32>
      %swap3A_90 = arith.constant 64 : index
      %swap3A_91 = tpu.vector_load %arg13[%swap3A_90] {strides = array<i32>} : memref<128xf32, #tpu.memory_space<vmem>>, vector<16xf32>,
      tpu.vector_store %arg13[%swap3A_90], %exp3A_89 {strides = array<i32>} : memref<128xf32, #tpu.memory_space<vmem>>, vector<16xf32>,
      %get3A_92 = arith.constant 80 : index
      %get3A_93 = tpu.vector_load %arg11[%get3A_92] {strides = array<i32>} : memref<128xi32, #tpu.memory_space<vmem>>, vector<16xi32>,
      %get3A_94 = arith.constant 80 : index
      %get3A_95 = tpu.vector_load %arg12[%get3A_94] {strides = array<i32>} : memref<128xi32, #tpu.memory_space<vmem>>, vector<16xi32>,
      %gather3A_96 = tpu.vector_load_idx %arg9[%get3A_93] : memref<10112xf32, #tpu.memory_space<vmem>>[vector<16xi32>], vector<16xf32>,
      %gather3A_97 = tpu.vector_load_idx %arg10[%get3A_95] : memref<10112xf32, #tpu.memory_space<vmem>>[vector<16xi32>], vector<16xf32>,
      %add3A_98 = arith.addf %gather3A_96, %gather3A_97 : vector<16xf32>
      %ge3A_99 = arith.constant 0.000000e+00 : f32
      %ge3A_100 = vector.broadcast %ge3A_99 : f32 to vector<16xf32>
      %ge3A_101 = arith.cmpf oge, %add3A_98, %ge3A_100 : vector<16xf32>
      %mul3A_102 = arith.constant 2.000000e-01 : f32
      %mul3A_103 = vector.broadcast %mul3A_102 : f32 to vector<16xf32>
      %mul3A_104 = arith.mulf %add3A_98, %mul3A_103 : vector<16xf32>
      %select_n3A_105 = arith.select %ge3A_101, %add3A_98, %mul3A_104 : vector<16xi1>, vector<16xf32>
      %exp3A_106 = math.exp %select_n3A_105 : vector<16xf32>
      %swap3A_107 = arith.constant 80 : index
      %swap3A_108 = tpu.vector_load %arg13[%swap3A_107] {strides = array<i32>} : memref<128xf32, #tpu.memory_space<vmem>>, vector<16xf32>,
      tpu.vector_store %arg13[%swap3A_107], %exp3A_106 {strides = array<i32>} : memref<128xf32, #tpu.memory_space<vmem>>, vector<16xf32>,
      %get3A_109 = arith.constant 96 : index
      %get3A_110 = tpu.vector_load %arg11[%get3A_109] {strides = array<i32>} : memref<128xi32, #tpu.memory_space<vmem>>, vector<16xi32>,
      %get3A_111 = arith.constant 96 : index
      %get3A_112 = tpu.vector_load %arg12[%get3A_111] {strides = array<i32>} : memref<128xi32, #tpu.memory_space<vmem>>, vector<16xi32>,
      %gather3A_113 = tpu.vector_load_idx %arg9[%get3A_110] : memref<10112xf32, #tpu.memory_space<vmem>>[vector<16xi32>], vector<16xf32>,
      %gather3A_114 = tpu.vector_load_idx %arg10[%get3A_112] : memref<10112xf32, #tpu.memory_space<vmem>>[vector<16xi32>], vector<16xf32>,
      %add3A_115 = arith.addf %gather3A_113, %gather3A_114 : vector<16xf32>
      %ge3A_116 = arith.constant 0.000000e+00 : f32
      %ge3A_117 = vector.broadcast %ge3A_116 : f32 to vector<16xf32>
      %ge3A_118 = arith.cmpf oge, %add3A_115, %ge3A_117 : vector<16xf32>
      %mul3A_119 = arith.constant 2.000000e-01 : f32
      %mul3A_120 = vector.broadcast %mul3A_119 : f32 to vector<16xf32>
      %mul3A_121 = arith.mulf %add3A_115, %mul3A_120 : vector<16xf32>
      %select_n3A_122 = arith.select %ge3A_118, %add3A_115, %mul3A_121 : vector<16xi1>, vector<16xf32>
      %exp3A_123 = math.exp %select_n3A_122 : vector<16xf32>
      %swap3A_124 = arith.constant 96 : index
      %swap3A_125 = tpu.vector_load %arg13[%swap3A_124] {strides = array<i32>} : memref<128xf32, #tpu.memory_space<vmem>>, vector<16xf32>,
      tpu.vector_store %arg13[%swap3A_124], %exp3A_123 {strides = array<i32>} : memref<128xf32, #tpu.memory_space<vmem>>, vector<16xf32>,
      %get3A_126 = arith.constant 112 : index
      %get3A_127 = tpu.vector_load %arg11[%get3A_126] {strides = array<i32>} : memref<128xi32, #tpu.memory_space<vmem>>, vector<16xi32>,
      %get3A_128 = arith.constant 112 : index
      %get3A_129 = tpu.vector_load %arg12[%get3A_128] {strides = array<i32>} : memref<128xi32, #tpu.memory_space<vmem>>, vector<16xi32>,
      %gather3A_130 = tpu.vector_load_idx %arg9[%get3A_127] : memref<10112xf32, #tpu.memory_space<vmem>>[vector<16xi32>], vector<16xf32>,
      %gather3A_131 = tpu.vector_load_idx %arg10[%get3A_129] : memref<10112xf32, #tpu.memory_space<vmem>>[vector<16xi32>], vector<16xf32>,
      %add3A_132 = arith.addf %gather3A_130, %gather3A_131 : vector<16xf32>
      %ge3A_133 = arith.constant 0.000000e+00 : f32
      %ge3A_134 = vector.broadcast %ge3A_133 : f32 to vector<16xf32>
      %ge3A_135 = arith.cmpf oge, %add3A_132, %ge3A_134 : vector<16xf32>
      %mul3A_136 = arith.constant 2.000000e-01 : f32
      %mul3A_137 = vector.broadcast %mul3A_136 : f32 to vector<16xf32>
      %mul3A_138 = arith.mulf %add3A_132, %mul3A_137 : vector<16xf32>
      %select_n3A_139 = arith.select %ge3A_135, %add3A_132, %mul3A_138 : vector<16xi1>, vector<16xf32>
      %exp3A_140 = math.exp %select_n3A_139 : vector<16xf32>
      %swap3A_141 = arith.constant 112 : index
      %swap3A_142 = tpu.vector_load %arg13[%swap3A_141] {strides = array<i32>} : memref<128xf32, #tpu.memory_space<vmem>>, vector<16xf32>,
      tpu.vector_store %arg13[%swap3A_141], %exp3A_140 {strides = array<i32>} : memref<128xf32, #tpu.memory_space<vmem>>, vector<16xf32>,
      %scan3A_143 = arith.constant 0 : i32
      %scan3A_144 = arith.constant 128 : i32
      %scan3A_145 = arith.addi %scan3A_143, %scan3A_144 : i32
      %scan3A_146 = arith.constant 1 : i32
      scf.for %scan3A_148 = %scan3A_143 to %scan3A_145 step %scan3A_146  : i32 {
        %mul3A_149 = arith.constant 1 : i32
        %mul3A_150 = arith.muli %scan3A_148, %mul3A_149 : i32
        %add3A_151 = arith.constant 0 : i32
        %add3A_152 = arith.addi %add3A_151, %mul3A_150 : i32
        %broadcast_in_dim3A = vector.broadcast %add3A_152 : i32 to vector<16xi32>
        %gather3A_153 = tpu.vector_load_idx %arg13[%broadcast_in_dim3A] : memref<128xf32, #tpu.memory_space<vmem>>[vector<16xi32>], vector<16xf32>,
        %swap3A_154 = arith.index_cast %add3A_152 : i32 to index
        %swap3A_155 = arith.constant 0 : index
        %swap3A_156 = tpu.vector_load %arg14[%swap3A_154, %swap3A_155] {strides = array<i32>} : memref<128x16xf32, #tpu.memory_space<vmem>>, vector<16xf32>,
        tpu.vector_store %arg14[%swap3A_154, %swap3A_155], %gather3A_153 {strides = array<i32>} : memref<128x16xf32, #tpu.memory_space<vmem>>, vector<16xf32>,
      }
      %scan3A_147 = arith.constant 128 : i32
      "tpu.region"() ({
        %run_scoped3A = tpu.sem_alloc : memref<!tpu.dma_semaphore, #tpu.memory_space<semaphore_mem>>
        %dma_start3A = arith.constant 0 : i32
        %dma_start3A_148 = arith.constant 0 : i32
        %dma_start3A_149 = tpu.memref_slice %arg15[%dma_start3A, %dma_start3A_148] : memref<10112x16xf32, #tpu.memory_space<vmem_shared>> -> memref<10112x16xf32, #tpu.memory_space<vmem_shared>>
        tpu.enqueue_indirect_dma source(%arg14 : memref<128x16xf32, #tpu.memory_space<vmem>>) target(%dma_start3A_149 : memref<10112x16xf32, #tpu.memory_space<vmem_shared>>) offsets(%arg12 : memref<128xi32, #tpu.memory_space<vmem>>) semaphore(%run_scoped3A : memref<!tpu.dma_semaphore, #tpu.memory_space<semaphore_mem>>) {add = true}
        %dma_wait3A = arith.constant 0 : i32
        %dma_wait3A_150 = arith.constant 0 : i32
        %dma_wait3A_151 = tpu.memref_slice %arg15[%dma_wait3A, %dma_wait3A_150] : memref<10112x16xf32, #tpu.memory_space<vmem_shared>> -> memref<10112x16xf32, #tpu.memory_space<vmem_shared>>
        tpu.wait_indirect_dma semaphore(%run_scoped3A : memref<!tpu.dma_semaphore, #tpu.memory_space<semaphore_mem>>) src(%arg14 : memref<128x16xf32, #tpu.memory_space<vmem>>) dst(%dma_wait3A_151 : memref<10112x16xf32, #tpu.memory_space<vmem_shared>>)
        tpu.yield
      }) : () -> ()
      "tpu.region"() ({
        %run_scoped3A = tpu.sem_alloc : memref<!tpu.dma_semaphore, #tpu.memory_space<semaphore_mem>>
        %dma_start3A = arith.constant 0 : i32
        %dma_start3A_148 = tpu.memref_slice %arg7[%add3A, %add3A_12, %dma_start3A] : memref<32x81x128xf32, #tpu.memory_space<hbm>> -> memref<1x1x128xf32, #tpu.memory_space<hbm>>
        %dma_start3A_149 = tpu.memref_squeeze %dma_start3A_148 : memref<1x1x128xf32, #tpu.memory_space<hbm>> -> memref<128xf32, #tpu.memory_space<hbm>>
        %dma_start3A_150 = arith.constant 0 : i32
        %dma_start3A_151 = tpu.memref_slice %arg7[%add3A, %add3A_12, %dma_start3A_150] : memref<32x81x128xf32, #tpu.memory_space<hbm>> -> memref<1x1x128xf32, #tpu.memory_space<hbm>>
        %dma_start3A_152 = tpu.memref_squeeze %dma_start3A_151 : memref<1x1x128xf32, #tpu.memory_space<hbm>> -> memref<128xf32, #tpu.memory_space<hbm>>
        tpu.enqueue_dma source(%arg13 : memref<128xf32, #tpu.memory_space<vmem>>) target(%dma_start3A_152 : memref<128xf32, #tpu.memory_space<hbm>>) target_semaphore(%run_scoped3A : memref<!tpu.dma_semaphore, #tpu.memory_space<semaphore_mem>>)
        %dma_wait3A = arith.constant 0 : i32
        %dma_wait3A_153 = tpu.memref_slice %arg7[%add3A, %add3A_12, %dma_wait3A] : memref<32x81x128xf32, #tpu.memory_space<hbm>> -> memref<1x1x128xf32, #tpu.memory_space<hbm>>
        %dma_wait3A_154 = tpu.memref_squeeze %dma_wait3A_153 : memref<1x1x128xf32, #tpu.memory_space<hbm>> -> memref<128xf32, #tpu.memory_space<hbm>>
        %dma_wait3A_155 = arith.constant 0 : i32
        %dma_wait3A_156 = tpu.memref_slice %arg7[%add3A, %add3A_12, %dma_wait3A_155] : memref<32x81x128xf32, #tpu.memory_space<hbm>> -> memref<1x1x128xf32, #tpu.memory_space<hbm>>
        %dma_wait3A_157 = tpu.memref_squeeze %dma_wait3A_156 : memref<1x1x128xf32, #tpu.memory_space<hbm>> -> memref<128xf32, #tpu.memory_space<hbm>>
        tpu.wait_dma2 semaphore(%run_scoped3A : memref<!tpu.dma_semaphore, #tpu.memory_space<semaphore_mem>>) src(%arg13 : memref<128xf32, #tpu.memory_space<vmem>>) dst(%dma_wait3A_157 : memref<128xf32, #tpu.memory_space<hbm>>)
        tpu.yield
      }) : () -> ()
    }
    %scan3A_6 = arith.constant 81 : i32
    %barrier3A_7 = arith.constant 0 : index
    tpu.barrier barrier_id(%barrier3A_7)
    "tpu.region"() ({
      %run_scoped3A = tpu.sem_alloc : memref<!tpu.dma_semaphore, #tpu.memory_space<semaphore_mem>>
      %dma_start3A = arith.constant 0 : i32
      %dma_start3A_8 = tpu.memref_slice %arg8[%arg0, %mul3A_2, %dma_start3A] : memref<2x10112x16xf32, #tpu.memory_space<hbm>> -> memref<1x632x16xf32, #tpu.memory_space<hbm>>
      %dma_start3A_9 = tpu.memref_squeeze %dma_start3A_8 : memref<1x632x16xf32, #tpu.memory_space<hbm>> -> memref<632x16xf32, #tpu.memory_space<hbm>>
      %dma_start3A_10 = arith.constant 0 : i32
      %dma_start3A_11 = tpu.memref_slice %arg15[%mul3A_2, %dma_start3A_10] : memref<10112x16xf32, #tpu.memory_space<vmem_shared>> -> memref<632x16xf32, #tpu.memory_space<vmem_shared>>
      tpu.enqueue_dma source(%dma_start3A_11 : memref<632x16xf32, #tpu.memory_space<vmem_shared>>) target(%dma_start3A_9 : memref<632x16xf32, #tpu.memory_space<hbm>>) target_semaphore(%run_scoped3A : memref<!tpu.dma_semaphore, #tpu.memory_space<semaphore_mem>>)
      %dma_wait3A = arith.constant 0 : i32
      %dma_wait3A_12 = tpu.memref_slice %arg8[%arg0, %mul3A_2, %dma_wait3A] : memref<2x10112x16xf32, #tpu.memory_space<hbm>> -> memref<1x632x16xf32, #tpu.memory_space<hbm>>
      %dma_wait3A_13 = tpu.memref_squeeze %dma_wait3A_12 : memref<1x632x16xf32, #tpu.memory_space<hbm>> -> memref<632x16xf32, #tpu.memory_space<hbm>>
      %dma_wait3A_14 = arith.constant 0 : i32
      %dma_wait3A_15 = tpu.memref_slice %arg15[%mul3A_2, %dma_wait3A_14] : memref<10112x16xf32, #tpu.memory_space<vmem_shared>> -> memref<632x16xf32, #tpu.memory_space<vmem_shared>>
      tpu.wait_dma2 semaphore(%run_scoped3A : memref<!tpu.dma_semaphore, #tpu.memory_space<semaphore_mem>>) src(%dma_wait3A_15 : memref<632x16xf32, #tpu.memory_space<vmem_shared>>) dst(%dma_wait3A_13 : memref<632x16xf32, #tpu.memory_space<hbm>>)
      tpu.yield
    }) : () -> ()
    return
  }
}

#map = affine_map<(d0, d1) -> (0, 0, 0)>
#map1 = affine_map<(d0, d1) -> (0)>
#map2 = affine_map<(d0, d1) -> (0, 0)>
module attributes {stable_mosaic.version = 14 : i64} {
  func.func @k(%arg0: i32, %arg1: i32, %arg2: memref<32x81x128xi32, #tpu.memory_space<hbm>>, %arg3: memref<32x81x128xi32, #tpu.memory_space<hbm>>, %arg4: memref<10112xf32, #tpu.memory_space<hbm>>, %arg5: memref<10112xf32, #tpu.memory_space<hbm>>, %arg6: memref<10112x16xf32, #tpu.memory_space<hbm>>, %arg7: memref<32x81x128xf32, #tpu.memory_space<hbm>>, %arg8: memref<2x10112x16xf32, #tpu.memory_space<hbm>>, %arg9: memref<10112xf32, #tpu.memory_space<vmem>>, %arg10: memref<10112xf32, #tpu.memory_space<vmem>>, %arg11: memref<128xi32, #tpu.memory_space<vmem>>, %arg12: memref<128xi32, #tpu.memory_space<vmem>>, %arg13: memref<128xf32, #tpu.memory_space<vmem>>, %arg14: memref<128x16xf32, #tpu.memory_space<vmem>>, %arg15: memref<10112x16xf32, #tpu.memory_space<vmem_shared>>) attributes {dimension_semantics = [#tpu.dimension_semantics<core_parallel>, #tpu.dimension_semantics<subcore_parallel>], iteration_bounds = array<i64: 2, 16>, scalar_prefetch = 0 : i64, scratch_operands = 7 : i64, tpu.core_type = #tpu.core_type<sc_vector_subcore>, window_params = [{transform_indices = #map}, {transform_indices = #map}, {transform_indices = #map1}, {transform_indices = #map1}, {transform_indices = #map2}, {transform_indices = #map}, {transform_indices = #map}]} {
    %mul3A = arith.constant 16 : i32
    %mul3A_0 = arith.muli %arg0, %mul3A : i32
    %add3A = arith.addi %mul3A_0, %arg1 : i32
    %mul3A_1 = arith.constant 632 : i32
    %mul3A_2 = arith.muli %arg1, %mul3A_1 : i32
    "tpu.region"() ({
      %run_scoped3A = tpu.sem_alloc : memref<!tpu.dma_semaphore, #tpu.memory_space<semaphore_mem>>
      tpu.enqueue_dma source(%arg4 : memref<10112xf32, #tpu.memory_space<hbm>>) target(%arg9 : memref<10112xf32, #tpu.memory_space<vmem>>) target_semaphore(%run_scoped3A : memref<!tpu.dma_semaphore, #tpu.memory_space<semaphore_mem>>)
      tpu.wait_dma2 semaphore(%run_scoped3A : memref<!tpu.dma_semaphore, #tpu.memory_space<semaphore_mem>>) src(%arg4 : memref<10112xf32, #tpu.memory_space<hbm>>) dst(%arg9 : memref<10112xf32, #tpu.memory_space<vmem>>)
      tpu.yield
    }) : () -> ()
    "tpu.region"() ({
      %run_scoped3A = tpu.sem_alloc : memref<!tpu.dma_semaphore, #tpu.memory_space<semaphore_mem>>
      tpu.enqueue_dma source(%arg5 : memref<10112xf32, #tpu.memory_space<hbm>>) target(%arg10 : memref<10112xf32, #tpu.memory_space<vmem>>) target_semaphore(%run_scoped3A : memref<!tpu.dma_semaphore, #tpu.memory_space<semaphore_mem>>)
      tpu.wait_dma2 semaphore(%run_scoped3A : memref<!tpu.dma_semaphore, #tpu.memory_space<semaphore_mem>>) src(%arg5 : memref<10112xf32, #tpu.memory_space<hbm>>) dst(%arg10 : memref<10112xf32, #tpu.memory_space<vmem>>)
      tpu.yield
    }) : () -> ()
    "tpu.region"() ({
      %run_scoped3A = tpu.sem_alloc : memref<!tpu.dma_semaphore, #tpu.memory_space<semaphore_mem>>
      %dma_start3A = arith.constant 0 : i32
      %dma_start3A_8 = tpu.memref_slice %arg15[%mul3A_2, %dma_start3A] : memref<10112x16xf32, #tpu.memory_space<vmem_shared>> -> memref<632x16xf32, #tpu.memory_space<vmem_shared>>
      %dma_start3A_9 = arith.constant 0 : i32
      %dma_start3A_10 = tpu.memref_slice %arg6[%mul3A_2, %dma_start3A_9] : memref<10112x16xf32, #tpu.memory_space<hbm>> -> memref<632x16xf32, #tpu.memory_space<hbm>>
      tpu.enqueue_dma source(%dma_start3A_10 : memref<632x16xf32, #tpu.memory_space<hbm>>) target(%dma_start3A_8 : memref<632x16xf32, #tpu.memory_space<vmem_shared>>) target_semaphore(%run_scoped3A : memref<!tpu.dma_semaphore, #tpu.memory_space<semaphore_mem>>)
      %dma_wait3A = arith.constant 0 : i32
      %dma_wait3A_11 = tpu.memref_slice %arg15[%mul3A_2, %dma_wait3A] : memref<10112x16xf32, #tpu.memory_space<vmem_shared>> -> memref<632x16xf32, #tpu.memory_space<vmem_shared>>
      %dma_wait3A_12 = arith.constant 0 : i32
      %dma_wait3A_13 = tpu.memref_slice %arg6[%mul3A_2, %dma_wait3A_12] : memref<10112x16xf32, #tpu.memory_space<hbm>> -> memref<632x16xf32, #tpu.memory_space<hbm>>
      tpu.wait_dma2 semaphore(%run_scoped3A : memref<!tpu.dma_semaphore, #tpu.memory_space<semaphore_mem>>) src(%dma_wait3A_13 : memref<632x16xf32, #tpu.memory_space<hbm>>) dst(%dma_wait3A_11 : memref<632x16xf32, #tpu.memory_space<vmem_shared>>)
      tpu.yield
    }) : () -> ()
    %barrier3A = arith.constant 0 : index
    tpu.barrier barrier_id(%barrier3A)
    %scan3A = arith.constant 0 : i32
    %scan3A_3 = arith.constant 81 : i32
    %scan3A_4 = arith.addi %scan3A, %scan3A_3 : i32
    %scan3A_5 = arith.constant 1 : i32
    scf.for %scan3A_8 = %scan3A to %scan3A_4 step %scan3A_5  : i32 {
      %mul3A_9 = arith.constant 1 : i32
      %mul3A_10 = arith.muli %scan3A_8, %mul3A_9 : i32
      %add3A_11 = arith.constant 0 : i32
      %add3A_12 = arith.addi %add3A_11, %mul3A_10 : i32
      "tpu.region"() ({
        %run_scoped3A = tpu.sem_alloc : memref<!tpu.dma_semaphore, #tpu.memory_space<semaphore_mem>>
        %dma_start3A = arith.constant 0 : i32
        %dma_start3A_148 = tpu.memref_slice %arg2[%add3A, %add3A_12, %dma_start3A] : memref<32x81x128xi32, #tpu.memory_space<hbm>> -> memref<1x1x128xi32, #tpu.memory_space<hbm>>
        %dma_start3A_149 = tpu.memref_squeeze %dma_start3A_148 : memref<1x1x128xi32, #tpu.memory_space<hbm>> -> memref<128xi32, #tpu.memory_space<hbm>>
        %dma_start3A_150 = arith.constant 0 : i32
        %dma_start3A_151 = tpu.memref_slice %arg2[%add3A, %add3A_12, %dma_start3A_150] : memref<32x81x128xi32, #tpu.memory_space<hbm>> -> memref<1x1x128xi32, #tpu.memory_space<hbm>>
        %dma_start3A_152 = tpu.memref_squeeze %dma_start3A_151 : memref<1x1x128xi32, #tpu.memory_space<hbm>> -> memref<128xi32, #tpu.memory_space<hbm>>
        tpu.enqueue_dma source(%dma_start3A_152 : memref<128xi32, #tpu.memory_space<hbm>>) target(%arg11 : memref<128xi32, #tpu.memory_space<vmem>>) target_semaphore(%run_scoped3A : memref<!tpu.dma_semaphore, #tpu.memory_space<semaphore_mem>>)
        %dma_wait3A = arith.constant 0 : i32
        %dma_wait3A_153 = tpu.memref_slice %arg2[%add3A, %add3A_12, %dma_wait3A] : memref<32x81x128xi32, #tpu.memory_space<hbm>> -> memref<1x1x128xi32, #tpu.memory_space<hbm>>
        %dma_wait3A_154 = tpu.memref_squeeze %dma_wait3A_153 : memref<1x1x128xi32, #tpu.memory_space<hbm>> -> memref<128xi32, #tpu.memory_space<hbm>>
        %dma_wait3A_155 = arith.constant 0 : i32
        %dma_wait3A_156 = tpu.memref_slice %arg2[%add3A, %add3A_12, %dma_wait3A_155] : memref<32x81x128xi32, #tpu.memory_space<hbm>> -> memref<1x1x128xi32, #tpu.memory_space<hbm>>
        %dma_wait3A_157 = tpu.memref_squeeze %dma_wait3A_156 : memref<1x1x128xi32, #tpu.memory_space<hbm>> -> memref<128xi32, #tpu.memory_space<hbm>>
        tpu.wait_dma2 semaphore(%run_scoped3A : memref<!tpu.dma_semaphore, #tpu.memory_space<semaphore_mem>>) src(%dma_wait3A_157 : memref<128xi32, #tpu.memory_space<hbm>>) dst(%arg11 : memref<128xi32, #tpu.memory_space<vmem>>)
        tpu.yield
      }) : () -> ()
      "tpu.region"() ({
        %run_scoped3A = tpu.sem_alloc : memref<!tpu.dma_semaphore, #tpu.memory_space<semaphore_mem>>
        %dma_start3A = arith.constant 0 : i32
        %dma_start3A_148 = tpu.memref_slice %arg3[%add3A, %add3A_12, %dma_start3A] : memref<32x81x128xi32, #tpu.memory_space<hbm>> -> memref<1x1x128xi32, #tpu.memory_space<hbm>>
        %dma_start3A_149 = tpu.memref_squeeze %dma_start3A_148 : memref<1x1x128xi32, #tpu.memory_space<hbm>> -> memref<128xi32, #tpu.memory_space<hbm>>
        %dma_start3A_150 = arith.constant 0 : i32
        %dma_start3A_151 = tpu.memref_slice %arg3[%add3A, %add3A_12, %dma_start3A_150] : memref<32x81x128xi32, #tpu.memory_space<hbm>> -> memref<1x1x128xi32, #tpu.memory_space<hbm>>
        %dma_start3A_152 = tpu.memref_squeeze %dma_start3A_151 : memref<1x1x128xi32, #tpu.memory_space<hbm>> -> memref<128xi32, #tpu.memory_space<hbm>>
        tpu.enqueue_dma source(%dma_start3A_152 : memref<128xi32, #tpu.memory_space<hbm>>) target(%arg12 : memref<128xi32, #tpu.memory_space<vmem>>) target_semaphore(%run_scoped3A : memref<!tpu.dma_semaphore, #tpu.memory_space<semaphore_mem>>)
        %dma_wait3A = arith.constant 0 : i32
        %dma_wait3A_153 = tpu.memref_slice %arg3[%add3A, %add3A_12, %dma_wait3A] : memref<32x81x128xi32, #tpu.memory_space<hbm>> -> memref<1x1x128xi32, #tpu.memory_space<hbm>>
        %dma_wait3A_154 = tpu.memref_squeeze %dma_wait3A_153 : memref<1x1x128xi32, #tpu.memory_space<hbm>> -> memref<128xi32, #tpu.memory_space<hbm>>
        %dma_wait3A_155 = arith.constant 0 : i32
        %dma_wait3A_156 = tpu.memref_slice %arg3[%add3A, %add3A_12, %dma_wait3A_155] : memref<32x81x128xi32, #tpu.memory_space<hbm>> -> memref<1x1x128xi32, #tpu.memory_space<hbm>>
        %dma_wait3A_157 = tpu.memref_squeeze %dma_wait3A_156 : memref<1x1x128xi32, #tpu.memory_space<hbm>> -> memref<128xi32, #tpu.memory_space<hbm>>
        tpu.wait_dma2 semaphore(%run_scoped3A : memref<!tpu.dma_semaphore, #tpu.memory_space<semaphore_mem>>) src(%dma_wait3A_157 : memref<128xi32, #tpu.memory_space<hbm>>) dst(%arg12 : memref<128xi32, #tpu.memory_space<vmem>>)
        tpu.yield
      }) : () -> ()
      %get3A = arith.constant 0 : index
      %get3A_13 = tpu.vector_load %arg11[%get3A] {strides = array<i32>} : memref<128xi32, #tpu.memory_space<vmem>>, vector<16xi32>,
      %get3A_14 = arith.constant 0 : index
      %get3A_15 = tpu.vector_load %arg12[%get3A_14] {strides = array<i32>} : memref<128xi32, #tpu.memory_space<vmem>>, vector<16xi32>,
      %gather3A = tpu.vector_load_idx %arg9[%get3A_13] : memref<10112xf32, #tpu.memory_space<vmem>>[vector<16xi32>], vector<16xf32>,
      %gather3A_16 = tpu.vector_load_idx %arg10[%get3A_15] : memref<10112xf32, #tpu.memory_space<vmem>>[vector<16xi32>], vector<16xf32>,
      %add3A_17 = arith.addf %gather3A, %gather3A_16 : vector<16xf32>
      %ge3A = arith.constant 0.000000e+00 : f32
      %ge3A_18 = vector.broadcast %ge3A : f32 to vector<16xf32>
      %ge3A_19 = arith.cmpf oge, %add3A_17, %ge3A_18 : vector<16xf32>
      %mul3A_20 = arith.constant 2.000000e-01 : f32
      %mul3A_21 = vector.broadcast %mul3A_20 : f32 to vector<16xf32>
      %mul3A_22 = arith.mulf %add3A_17, %mul3A_21 : vector<16xf32>
      %select_n3A = arith.select %ge3A_19, %add3A_17, %mul3A_22 : vector<16xi1>, vector<16xf32>
      %exp3A = math.exp %select_n3A : vector<16xf32>
      %swap3A = arith.constant 0 : index
      %swap3A_23 = tpu.vector_load %arg13[%swap3A] {strides = array<i32>} : memref<128xf32, #tpu.memory_space<vmem>>, vector<16xf32>,
      tpu.vector_store %arg13[%swap3A], %exp3A {strides = array<i32>} : memref<128xf32, #tpu.memory_space<vmem>>, vector<16xf32>,
      %get3A_24 = arith.constant 16 : index
      %get3A_25 = tpu.vector_load %arg11[%get3A_24] {strides = array<i32>} : memref<128xi32, #tpu.memory_space<vmem>>, vector<16xi32>,
      %get3A_26 = arith.constant 16 : index
      %get3A_27 = tpu.vector_load %arg12[%get3A_26] {strides = array<i32>} : memref<128xi32, #tpu.memory_space<vmem>>, vector<16xi32>,
      %gather3A_28 = tpu.vector_load_idx %arg9[%get3A_25] : memref<10112xf32, #tpu.memory_space<vmem>>[vector<16xi32>], vector<16xf32>,
      %gather3A_29 = tpu.vector_load_idx %arg10[%get3A_27] : memref<10112xf32, #tpu.memory_space<vmem>>[vector<16xi32>], vector<16xf32>,
      %add3A_30 = arith.addf %gather3A_28, %gather3A_29 : vector<16xf32>
      %ge3A_31 = arith.constant 0.000000e+00 : f32
      %ge3A_32 = vector.broadcast %ge3A_31 : f32 to vector<16xf32>
      %ge3A_33 = arith.cmpf oge, %add3A_30, %ge3A_32 : vector<16xf32>
      %mul3A_34 = arith.constant 2.000000e-01 : f32
      %mul3A_35 = vector.broadcast %mul3A_34 : f32 to vector<16xf32>
      %mul3A_36 = arith.mulf %add3A_30, %mul3A_35 : vector<16xf32>
      %select_n3A_37 = arith.select %ge3A_33, %add3A_30, %mul3A_36 : vector<16xi1>, vector<16xf32>
      %exp3A_38 = math.exp %select_n3A_37 : vector<16xf32>
      %swap3A_39 = arith.constant 16 : index
      %swap3A_40 = tpu.vector_load %arg13[%swap3A_39] {strides = array<i32>} : memref<128xf32, #tpu.memory_space<vmem>>, vector<16xf32>,
      tpu.vector_store %arg13[%swap3A_39], %exp3A_38 {strides = array<i32>} : memref<128xf32, #tpu.memory_space<vmem>>, vector<16xf32>,
      %get3A_41 = arith.constant 32 : index
      %get3A_42 = tpu.vector_load %arg11[%get3A_41] {strides = array<i32>} : memref<128xi32, #tpu.memory_space<vmem>>, vector<16xi32>,
      %get3A_43 = arith.constant 32 : index
      %get3A_44 = tpu.vector_load %arg12[%get3A_43] {strides = array<i32>} : memref<128xi32, #tpu.memory_space<vmem>>, vector<16xi32>,
      %gather3A_45 = tpu.vector_load_idx %arg9[%get3A_42] : memref<10112xf32, #tpu.memory_space<vmem>>[vector<16xi32>], vector<16xf32>,
      %gather3A_46 = tpu.vector_load_idx %arg10[%get3A_44] : memref<10112xf32, #tpu.memory_space<vmem>>[vector<16xi32>], vector<16xf32>,
      %add3A_47 = arith.addf %gather3A_45, %gather3A_46 : vector<16xf32>
      %ge3A_48 = arith.constant 0.000000e+00 : f32
      %ge3A_49 = vector.broadcast %ge3A_48 : f32 to vector<16xf32>
      %ge3A_50 = arith.cmpf oge, %add3A_47, %ge3A_49 : vector<16xf32>
      %mul3A_51 = arith.constant 2.000000e-01 : f32
      %mul3A_52 = vector.broadcast %mul3A_51 : f32 to vector<16xf32>
      %mul3A_53 = arith.mulf %add3A_47, %mul3A_52 : vector<16xf32>
      %select_n3A_54 = arith.select %ge3A_50, %add3A_47, %mul3A_53 : vector<16xi1>, vector<16xf32>
      %exp3A_55 = math.exp %select_n3A_54 : vector<16xf32>
      %swap3A_56 = arith.constant 32 : index
      %swap3A_57 = tpu.vector_load %arg13[%swap3A_56] {strides = array<i32>} : memref<128xf32, #tpu.memory_space<vmem>>, vector<16xf32>,
      tpu.vector_store %arg13[%swap3A_56], %exp3A_55 {strides = array<i32>} : memref<128xf32, #tpu.memory_space<vmem>>, vector<16xf32>,
      %get3A_58 = arith.constant 48 : index
      %get3A_59 = tpu.vector_load %arg11[%get3A_58] {strides = array<i32>} : memref<128xi32, #tpu.memory_space<vmem>>, vector<16xi32>,
      %get3A_60 = arith.constant 48 : index
      %get3A_61 = tpu.vector_load %arg12[%get3A_60] {strides = array<i32>} : memref<128xi32, #tpu.memory_space<vmem>>, vector<16xi32>,
      %gather3A_62 = tpu.vector_load_idx %arg9[%get3A_59] : memref<10112xf32, #tpu.memory_space<vmem>>[vector<16xi32>], vector<16xf32>,
      %gather3A_63 = tpu.vector_load_idx %arg10[%get3A_61] : memref<10112xf32, #tpu.memory_space<vmem>>[vector<16xi32>], vector<16xf32>,
      %add3A_64 = arith.addf %gather3A_62, %gather3A_63 : vector<16xf32>
      %ge3A_65 = arith.constant 0.000000e+00 : f32
      %ge3A_66 = vector.broadcast %ge3A_65 : f32 to vector<16xf32>
      %ge3A_67 = arith.cmpf oge, %add3A_64, %ge3A_66 : vector<16xf32>
      %mul3A_68 = arith.constant 2.000000e-01 : f32
      %mul3A_69 = vector.broadcast %mul3A_68 : f32 to vector<16xf32>
      %mul3A_70 = arith.mulf %add3A_64, %mul3A_69 : vector<16xf32>
      %select_n3A_71 = arith.select %ge3A_67, %add3A_64, %mul3A_70 : vector<16xi1>, vector<16xf32>
      %exp3A_72 = math.exp %select_n3A_71 : vector<16xf32>
      %swap3A_73 = arith.constant 48 : index
      %swap3A_74 = tpu.vector_load %arg13[%swap3A_73] {strides = array<i32>} : memref<128xf32, #tpu.memory_space<vmem>>, vector<16xf32>,
      tpu.vector_store %arg13[%swap3A_73], %exp3A_72 {strides = array<i32>} : memref<128xf32, #tpu.memory_space<vmem>>, vector<16xf32>,
      %get3A_75 = arith.constant 64 : index
      %get3A_76 = tpu.vector_load %arg11[%get3A_75] {strides = array<i32>} : memref<128xi32, #tpu.memory_space<vmem>>, vector<16xi32>,
      %get3A_77 = arith.constant 64 : index
      %get3A_78 = tpu.vector_load %arg12[%get3A_77] {strides = array<i32>} : memref<128xi32, #tpu.memory_space<vmem>>, vector<16xi32>,
      %gather3A_79 = tpu.vector_load_idx %arg9[%get3A_76] : memref<10112xf32, #tpu.memory_space<vmem>>[vector<16xi32>], vector<16xf32>,
      %gather3A_80 = tpu.vector_load_idx %arg10[%get3A_78] : memref<10112xf32, #tpu.memory_space<vmem>>[vector<16xi32>], vector<16xf32>,
      %add3A_81 = arith.addf %gather3A_79, %gather3A_80 : vector<16xf32>
      %ge3A_82 = arith.constant 0.000000e+00 : f32
      %ge3A_83 = vector.broadcast %ge3A_82 : f32 to vector<16xf32>
      %ge3A_84 = arith.cmpf oge, %add3A_81, %ge3A_83 : vector<16xf32>
      %mul3A_85 = arith.constant 2.000000e-01 : f32
      %mul3A_86 = vector.broadcast %mul3A_85 : f32 to vector<16xf32>
      %mul3A_87 = arith.mulf %add3A_81, %mul3A_86 : vector<16xf32>
      %select_n3A_88 = arith.select %ge3A_84, %add3A_81, %mul3A_87 : vector<16xi1>, vector<16xf32>
      %exp3A_89 = math.exp %select_n3A_88 : vector<16xf32>
      %swap3A_90 = arith.constant 64 : index
      %swap3A_91 = tpu.vector_load %arg13[%swap3A_90] {strides = array<i32>} : memref<128xf32, #tpu.memory_space<vmem>>, vector<16xf32>,
      tpu.vector_store %arg13[%swap3A_90], %exp3A_89 {strides = array<i32>} : memref<128xf32, #tpu.memory_space<vmem>>, vector<16xf32>,
      %get3A_92 = arith.constant 80 : index
      %get3A_93 = tpu.vector_load %arg11[%get3A_92] {strides = array<i32>} : memref<128xi32, #tpu.memory_space<vmem>>, vector<16xi32>,
      %get3A_94 = arith.constant 80 : index
      %get3A_95 = tpu.vector_load %arg12[%get3A_94] {strides = array<i32>} : memref<128xi32, #tpu.memory_space<vmem>>, vector<16xi32>,
      %gather3A_96 = tpu.vector_load_idx %arg9[%get3A_93] : memref<10112xf32, #tpu.memory_space<vmem>>[vector<16xi32>], vector<16xf32>,
      %gather3A_97 = tpu.vector_load_idx %arg10[%get3A_95] : memref<10112xf32, #tpu.memory_space<vmem>>[vector<16xi32>], vector<16xf32>,
      %add3A_98 = arith.addf %gather3A_96, %gather3A_97 : vector<16xf32>
      %ge3A_99 = arith.constant 0.000000e+00 : f32
      %ge3A_100 = vector.broadcast %ge3A_99 : f32 to vector<16xf32>
      %ge3A_101 = arith.cmpf oge, %add3A_98, %ge3A_100 : vector<16xf32>
      %mul3A_102 = arith.constant 2.000000e-01 : f32
      %mul3A_103 = vector.broadcast %mul3A_102 : f32 to vector<16xf32>
      %mul3A_104 = arith.mulf %add3A_98, %mul3A_103 : vector<16xf32>
      %select_n3A_105 = arith.select %ge3A_101, %add3A_98, %mul3A_104 : vector<16xi1>, vector<16xf32>
      %exp3A_106 = math.exp %select_n3A_105 : vector<16xf32>
      %swap3A_107 = arith.constant 80 : index
      %swap3A_108 = tpu.vector_load %arg13[%swap3A_107] {strides = array<i32>} : memref<128xf32, #tpu.memory_space<vmem>>, vector<16xf32>,
      tpu.vector_store %arg13[%swap3A_107], %exp3A_106 {strides = array<i32>} : memref<128xf32, #tpu.memory_space<vmem>>, vector<16xf32>,
      %get3A_109 = arith.constant 96 : index
      %get3A_110 = tpu.vector_load %arg11[%get3A_109] {strides = array<i32>} : memref<128xi32, #tpu.memory_space<vmem>>, vector<16xi32>,
      %get3A_111 = arith.constant 96 : index
      %get3A_112 = tpu.vector_load %arg12[%get3A_111] {strides = array<i32>} : memref<128xi32, #tpu.memory_space<vmem>>, vector<16xi32>,
      %gather3A_113 = tpu.vector_load_idx %arg9[%get3A_110] : memref<10112xf32, #tpu.memory_space<vmem>>[vector<16xi32>], vector<16xf32>,
      %gather3A_114 = tpu.vector_load_idx %arg10[%get3A_112] : memref<10112xf32, #tpu.memory_space<vmem>>[vector<16xi32>], vector<16xf32>,
      %add3A_115 = arith.addf %gather3A_113, %gather3A_114 : vector<16xf32>
      %ge3A_116 = arith.constant 0.000000e+00 : f32
      %ge3A_117 = vector.broadcast %ge3A_116 : f32 to vector<16xf32>
      %ge3A_118 = arith.cmpf oge, %add3A_115, %ge3A_117 : vector<16xf32>
      %mul3A_119 = arith.constant 2.000000e-01 : f32
      %mul3A_120 = vector.broadcast %mul3A_119 : f32 to vector<16xf32>
      %mul3A_121 = arith.mulf %add3A_115, %mul3A_120 : vector<16xf32>
      %select_n3A_122 = arith.select %ge3A_118, %add3A_115, %mul3A_121 : vector<16xi1>, vector<16xf32>
      %exp3A_123 = math.exp %select_n3A_122 : vector<16xf32>
      %swap3A_124 = arith.constant 96 : index
      %swap3A_125 = tpu.vector_load %arg13[%swap3A_124] {strides = array<i32>} : memref<128xf32, #tpu.memory_space<vmem>>, vector<16xf32>,
      tpu.vector_store %arg13[%swap3A_124], %exp3A_123 {strides = array<i32>} : memref<128xf32, #tpu.memory_space<vmem>>, vector<16xf32>,
      %get3A_126 = arith.constant 112 : index
      %get3A_127 = tpu.vector_load %arg11[%get3A_126] {strides = array<i32>} : memref<128xi32, #tpu.memory_space<vmem>>, vector<16xi32>,
      %get3A_128 = arith.constant 112 : index
      %get3A_129 = tpu.vector_load %arg12[%get3A_128] {strides = array<i32>} : memref<128xi32, #tpu.memory_space<vmem>>, vector<16xi32>,
      %gather3A_130 = tpu.vector_load_idx %arg9[%get3A_127] : memref<10112xf32, #tpu.memory_space<vmem>>[vector<16xi32>], vector<16xf32>,
      %gather3A_131 = tpu.vector_load_idx %arg10[%get3A_129] : memref<10112xf32, #tpu.memory_space<vmem>>[vector<16xi32>], vector<16xf32>,
      %add3A_132 = arith.addf %gather3A_130, %gather3A_131 : vector<16xf32>
      %ge3A_133 = arith.constant 0.000000e+00 : f32
      %ge3A_134 = vector.broadcast %ge3A_133 : f32 to vector<16xf32>
      %ge3A_135 = arith.cmpf oge, %add3A_132, %ge3A_134 : vector<16xf32>
      %mul3A_136 = arith.constant 2.000000e-01 : f32
      %mul3A_137 = vector.broadcast %mul3A_136 : f32 to vector<16xf32>
      %mul3A_138 = arith.mulf %add3A_132, %mul3A_137 : vector<16xf32>
      %select_n3A_139 = arith.select %ge3A_135, %add3A_132, %mul3A_138 : vector<16xi1>, vector<16xf32>
      %exp3A_140 = math.exp %select_n3A_139 : vector<16xf32>
      %swap3A_141 = arith.constant 112 : index
      %swap3A_142 = tpu.vector_load %arg13[%swap3A_141] {strides = array<i32>} : memref<128xf32, #tpu.memory_space<vmem>>, vector<16xf32>,
      tpu.vector_store %arg13[%swap3A_141], %exp3A_140 {strides = array<i32>} : memref<128xf32, #tpu.memory_space<vmem>>, vector<16xf32>,
      %scan3A_143 = arith.constant 0 : i32
      %scan3A_144 = arith.constant 128 : i32
      %scan3A_145 = arith.addi %scan3A_143, %scan3A_144 : i32
      %scan3A_146 = arith.constant 1 : i32
      scf.for %scan3A_148 = %scan3A_143 to %scan3A_145 step %scan3A_146  : i32 {
        %mul3A_149 = arith.constant 1 : i32
        %mul3A_150 = arith.muli %scan3A_148, %mul3A_149 : i32
        %add3A_151 = arith.constant 0 : i32
        %add3A_152 = arith.addi %add3A_151, %mul3A_150 : i32
        %broadcast_in_dim3A = vector.broadcast %add3A_152 : i32 to vector<16xi32>
        %gather3A_153 = tpu.vector_load_idx %arg13[%broadcast_in_dim3A] : memref<128xf32, #tpu.memory_space<vmem>>[vector<16xi32>], vector<16xf32>,
        %swap3A_154 = arith.index_cast %add3A_152 : i32 to index
        %swap3A_155 = arith.constant 0 : index
        %swap3A_156 = tpu.vector_load %arg14[%swap3A_154, %swap3A_155] {strides = array<i32>} : memref<128x16xf32, #tpu.memory_space<vmem>>, vector<16xf32>,
        tpu.vector_store %arg14[%swap3A_154, %swap3A_155], %gather3A_153 {strides = array<i32>} : memref<128x16xf32, #tpu.memory_space<vmem>>, vector<16xf32>,
      }
      %scan3A_147 = arith.constant 128 : i32
      "tpu.region"() ({
        %run_scoped3A = tpu.sem_alloc : memref<!tpu.dma_semaphore, #tpu.memory_space<semaphore_mem>>
        %dma_start3A = arith.constant 0 : i32
        %dma_start3A_148 = arith.constant 0 : i32
        %dma_start3A_149 = tpu.memref_slice %arg15[%dma_start3A, %dma_start3A_148] : memref<10112x16xf32, #tpu.memory_space<vmem_shared>> -> memref<10112x16xf32, #tpu.memory_space<vmem_shared>>
        tpu.enqueue_indirect_dma source(%arg14 : memref<128x16xf32, #tpu.memory_space<vmem>>) target(%dma_start3A_149 : memref<10112x16xf32, #tpu.memory_space<vmem_shared>>) offsets(%arg12 : memref<128xi32, #tpu.memory_space<vmem>>) semaphore(%run_scoped3A : memref<!tpu.dma_semaphore, #tpu.memory_space<semaphore_mem>>) {add = true}
        %dma_wait3A = arith.constant 0 : i32
        %dma_wait3A_150 = arith.constant 0 : i32
        %dma_wait3A_151 = tpu.memref_slice %arg15[%dma_wait3A, %dma_wait3A_150] : memref<10112x16xf32, #tpu.memory_space<vmem_shared>> -> memref<10112x16xf32, #tpu.memory_space<vmem_shared>>
        tpu.wait_indirect_dma semaphore(%run_scoped3A : memref<!tpu.dma_semaphore, #tpu.memory_space<semaphore_mem>>) src(%arg14 : memref<128x16xf32, #tpu.memory_space<vmem>>) dst(%dma_wait3A_151 : memref<10112x16xf32, #tpu.memory_space<vmem_shared>>)
        tpu.yield
      }) : () -> ()
      "tpu.region"() ({
        %run_scoped3A = tpu.sem_alloc : memref<!tpu.dma_semaphore, #tpu.memory_space<semaphore_mem>>
        %dma_start3A = arith.constant 0 : i32
        %dma_start3A_148 = tpu.memref_slice %arg7[%add3A, %add3A_12, %dma_start3A] : memref<32x81x128xf32, #tpu.memory_space<hbm>> -> memref<1x1x128xf32, #tpu.memory_space<hbm>>
        %dma_start3A_149 = tpu.memref_squeeze %dma_start3A_148 : memref<1x1x128xf32, #tpu.memory_space<hbm>> -> memref<128xf32, #tpu.memory_space<hbm>>
        %dma_start3A_150 = arith.constant 0 : i32
        %dma_start3A_151 = tpu.memref_slice %arg7[%add3A, %add3A_12, %dma_start3A_150] : memref<32x81x128xf32, #tpu.memory_space<hbm>> -> memref<1x1x128xf32, #tpu.memory_space<hbm>>
        %dma_start3A_152 = tpu.memref_squeeze %dma_start3A_151 : memref<1x1x128xf32, #tpu.memory_space<hbm>> -> memref<128xf32, #tpu.memory_space<hbm>>
        tpu.enqueue_dma source(%arg13 : memref<128xf32, #tpu.memory_space<vmem>>) target(%dma_start3A_152 : memref<128xf32, #tpu.memory_space<hbm>>) target_semaphore(%run_scoped3A : memref<!tpu.dma_semaphore, #tpu.memory_space<semaphore_mem>>)
        %dma_wait3A = arith.constant 0 : i32
        %dma_wait3A_153 = tpu.memref_slice %arg7[%add3A, %add3A_12, %dma_wait3A] : memref<32x81x128xf32, #tpu.memory_space<hbm>> -> memref<1x1x128xf32, #tpu.memory_space<hbm>>
        %dma_wait3A_154 = tpu.memref_squeeze %dma_wait3A_153 : memref<1x1x128xf32, #tpu.memory_space<hbm>> -> memref<128xf32, #tpu.memory_space<hbm>>
        %dma_wait3A_155 = arith.constant 0 : i32
        %dma_wait3A_156 = tpu.memref_slice %arg7[%add3A, %add3A_12, %dma_wait3A_155] : memref<32x81x128xf32, #tpu.memory_space<hbm>> -> memref<1x1x128xf32, #tpu.memory_space<hbm>>
        %dma_wait3A_157 = tpu.memref_squeeze %dma_wait3A_156 : memref<1x1x128xf32, #tpu.memory_space<hbm>> -> memref<128xf32, #tpu.memory_space<hbm>>
        tpu.wait_dma2 semaphore(%run_scoped3A : memref<!tpu.dma_semaphore, #tpu.memory_space<semaphore_mem>>) src(%arg13 : memref<128xf32, #tpu.memory_space<vmem>>) dst(%dma_wait3A_157 : memref<128xf32, #tpu.memory_space<hbm>>)
        tpu.yield
      }) : () -> ()
    }
    %scan3A_6 = arith.constant 81 : i32
    %barrier3A_7 = arith.constant 0 : index
    tpu.barrier barrier_id(%barrier3A_7)
    "tpu.region"() ({
      %run_scoped3A = tpu.sem_alloc : memref<!tpu.dma_semaphore, #tpu.memory_space<semaphore_mem>>
      %dma_start3A = arith.constant 0 : i32
      %dma_start3A_8 = tpu.memref_slice %arg8[%arg0, %mul3A_2, %dma_start3A] : memref<2x10112x16xf32, #tpu.memory_space<hbm>> -> memref<1x632x16xf32, #tpu.memory_space<hbm>>
      %dma_start3A_9 = tpu.memref_squeeze %dma_start3A_8 : memref<1x632x16xf32, #tpu.memory_space<hbm>> -> memref<632x16xf32, #tpu.memory_space<hbm>>
      %dma_start3A_10 = arith.constant 0 : i32
      %dma_start3A_11 = tpu.memref_slice %arg15[%mul3A_2, %dma_start3A_10] : memref<10112x16xf32, #tpu.memory_space<vmem_shared>> -> memref<632x16xf32, #tpu.memory_space<vmem_shared>>
      tpu.enqueue_dma source(%dma_start3A_11 : memref<632x16xf32, #tpu.memory_space<vmem_shared>>) target(%dma_start3A_9 : memref<632x16xf32, #tpu.memory_space<hbm>>) target_semaphore(%run_scoped3A : memref<!tpu.dma_semaphore, #tpu.memory_space<semaphore_mem>>)
      %dma_wait3A = arith.constant 0 : i32
      %dma_wait3A_12 = tpu.memref_slice %arg8[%arg0, %mul3A_2, %dma_wait3A] : memref<2x10112x16xf32, #tpu.memory_space<hbm>> -> memref<1x632x16xf32, #tpu.memory_space<hbm>>
      %dma_wait3A_13 = tpu.memref_squeeze %dma_wait3A_12 : memref<1x632x16xf32, #tpu.memory_space<hbm>> -> memref<632x16xf32, #tpu.memory_space<hbm>>
      %dma_wait3A_14 = arith.constant 0 : i32
      %dma_wait3A_15 = tpu.memref_slice %arg15[%mul3A_2, %dma_wait3A_14] : memref<10112x16xf32, #tpu.memory_space<vmem_shared>> -> memref<632x16xf32, #tpu.memory_space<vmem_shared>>
      tpu.wait_dma2 semaphore(%run_scoped3A : memref<!tpu.dma_semaphore, #tpu.memory_space<semaphore_mem>>) src(%dma_wait3A_15 : memref<632x16xf32, #tpu.memory_space<vmem_shared>>) dst(%dma_wait3A_13 : memref<632x16xf32, #tpu.memory_space<hbm>>)
      tpu.yield
    }) : () -> ()
    return
  }
}

#map = affine_map<(d0, d1) -> (0, 0)>
#map1 = affine_map<(d0, d1) -> (0, 0, 0)>
#map2 = affine_map<(d0, d1) -> (0, 0, 0, 0)>
module attributes {stable_mosaic.version = 14 : i64} {
  func.func @k(%arg0: i32, %arg1: i32, %arg2: memref<10000x128xf32, #tpu.memory_space<hbm>>, %arg3: memref<32x81x128xi32, #tpu.memory_space<hbm>>, %arg4: memref<32x81x128xi32, #tpu.memory_space<hbm>>, %arg5: memref<32x81x128xf32, #tpu.memory_space<hbm>>, %arg6: memref<10112x128xf32, #tpu.memory_space<hbm>>, %arg7: memref<2x1x10112x128xf32, #tpu.memory_space<hbm>>, %arg8: memref<128xi32, #tpu.memory_space<vmem>>, %arg9: memref<128xi32, #tpu.memory_space<vmem>>, %arg10: memref<128xf32, #tpu.memory_space<vmem>>, %arg11: memref<128x128xf32, #tpu.memory_space<vmem>>, %arg12: memref<10112x128xf32, #tpu.memory_space<vmem_shared>>, %arg13: memref<!tpu.dma_semaphore, #tpu.memory_space<semaphore_mem>>) attributes {dimension_semantics = [#tpu.dimension_semantics<core_parallel>, #tpu.dimension_semantics<subcore_parallel>], iteration_bounds = array<i64: 2, 16>, scalar_prefetch = 0 : i64, scratch_operands = 6 : i64, tpu.core_type = #tpu.core_type<sc_vector_subcore>, window_params = [{transform_indices = #map}, {transform_indices = #map1}, {transform_indices = #map1}, {transform_indices = #map1}, {transform_indices = #map}, {transform_indices = #map2}]} {
    %mul3A = arith.constant 16 : i32
    %mul3A_0 = arith.muli %arg0, %mul3A : i32
    %add3A = arith.addi %mul3A_0, %arg1 : i32
    %mul3A_1 = arith.constant 632 : i32
    %mul3A_2 = arith.muli %arg1, %mul3A_1 : i32
    "tpu.region"() ({
      %run_scoped3A_8 = tpu.sem_alloc : memref<!tpu.dma_semaphore, #tpu.memory_space<semaphore_mem>>
      %dma_start3A = arith.constant 0 : i32
      %dma_start3A_9 = tpu.memref_slice %arg12[%mul3A_2, %dma_start3A] : memref<10112x128xf32, #tpu.memory_space<vmem_shared>> -> memref<632x128xf32, #tpu.memory_space<vmem_shared>>
      %dma_start3A_10 = arith.constant 0 : i32
      %dma_start3A_11 = tpu.memref_slice %arg6[%mul3A_2, %dma_start3A_10] : memref<10112x128xf32, #tpu.memory_space<hbm>> -> memref<632x128xf32, #tpu.memory_space<hbm>>
      tpu.enqueue_dma source(%dma_start3A_11 : memref<632x128xf32, #tpu.memory_space<hbm>>) target(%dma_start3A_9 : memref<632x128xf32, #tpu.memory_space<vmem_shared>>) target_semaphore(%run_scoped3A_8 : memref<!tpu.dma_semaphore, #tpu.memory_space<semaphore_mem>>)
      %dma_wait3A = arith.constant 0 : i32
      %dma_wait3A_12 = tpu.memref_slice %arg12[%mul3A_2, %dma_wait3A] : memref<10112x128xf32, #tpu.memory_space<vmem_shared>> -> memref<632x128xf32, #tpu.memory_space<vmem_shared>>
      %dma_wait3A_13 = arith.constant 0 : i32
      %dma_wait3A_14 = tpu.memref_slice %arg6[%mul3A_2, %dma_wait3A_13] : memref<10112x128xf32, #tpu.memory_space<hbm>> -> memref<632x128xf32, #tpu.memory_space<hbm>>
      tpu.wait_dma2 semaphore(%run_scoped3A_8 : memref<!tpu.dma_semaphore, #tpu.memory_space<semaphore_mem>>) src(%dma_wait3A_14 : memref<632x128xf32, #tpu.memory_space<hbm>>) dst(%dma_wait3A_12 : memref<632x128xf32, #tpu.memory_space<vmem_shared>>)
      tpu.yield
    }) : () -> ()
    %barrier3A = arith.constant 0 : index
    tpu.barrier barrier_id(%barrier3A)
    %scan3A = arith.constant 0 : i32
    %scan3A_3 = arith.constant 81 : i32
    %scan3A_4 = arith.addi %scan3A, %scan3A_3 : i32
    %scan3A_5 = arith.constant 1 : i32
    scf.for %scan3A_8 = %scan3A to %scan3A_4 step %scan3A_5  : i32 {
      %mul3A_9 = arith.constant 1 : i32
      %mul3A_10 = arith.muli %scan3A_8, %mul3A_9 : i32
      %add3A_11 = arith.constant 0 : i32
      %add3A_12 = arith.addi %add3A_11, %mul3A_10 : i32
      "tpu.region"() ({
        %run_scoped3A_22 = tpu.sem_alloc : memref<!tpu.dma_semaphore, #tpu.memory_space<semaphore_mem>>
        %dma_start3A_23 = arith.constant 0 : i32
        %dma_start3A_24 = tpu.memref_slice %arg3[%add3A, %add3A_12, %dma_start3A_23] : memref<32x81x128xi32, #tpu.memory_space<hbm>> -> memref<1x1x128xi32, #tpu.memory_space<hbm>>
        %dma_start3A_25 = tpu.memref_squeeze %dma_start3A_24 : memref<1x1x128xi32, #tpu.memory_space<hbm>> -> memref<128xi32, #tpu.memory_space<hbm>>
        %dma_start3A_26 = arith.constant 0 : i32
        %dma_start3A_27 = tpu.memref_slice %arg3[%add3A, %add3A_12, %dma_start3A_26] : memref<32x81x128xi32, #tpu.memory_space<hbm>> -> memref<1x1x128xi32, #tpu.memory_space<hbm>>
        %dma_start3A_28 = tpu.memref_squeeze %dma_start3A_27 : memref<1x1x128xi32, #tpu.memory_space<hbm>> -> memref<128xi32, #tpu.memory_space<hbm>>
        tpu.enqueue_dma source(%dma_start3A_28 : memref<128xi32, #tpu.memory_space<hbm>>) target(%arg8 : memref<128xi32, #tpu.memory_space<vmem>>) target_semaphore(%run_scoped3A_22 : memref<!tpu.dma_semaphore, #tpu.memory_space<semaphore_mem>>)
        %dma_wait3A_29 = arith.constant 0 : i32
        %dma_wait3A_30 = tpu.memref_slice %arg3[%add3A, %add3A_12, %dma_wait3A_29] : memref<32x81x128xi32, #tpu.memory_space<hbm>> -> memref<1x1x128xi32, #tpu.memory_space<hbm>>
        %dma_wait3A_31 = tpu.memref_squeeze %dma_wait3A_30 : memref<1x1x128xi32, #tpu.memory_space<hbm>> -> memref<128xi32, #tpu.memory_space<hbm>>
        %dma_wait3A_32 = arith.constant 0 : i32
        %dma_wait3A_33 = tpu.memref_slice %arg3[%add3A, %add3A_12, %dma_wait3A_32] : memref<32x81x128xi32, #tpu.memory_space<hbm>> -> memref<1x1x128xi32, #tpu.memory_space<hbm>>
        %dma_wait3A_34 = tpu.memref_squeeze %dma_wait3A_33 : memref<1x1x128xi32, #tpu.memory_space<hbm>> -> memref<128xi32, #tpu.memory_space<hbm>>
        tpu.wait_dma2 semaphore(%run_scoped3A_22 : memref<!tpu.dma_semaphore, #tpu.memory_space<semaphore_mem>>) src(%dma_wait3A_34 : memref<128xi32, #tpu.memory_space<hbm>>) dst(%arg8 : memref<128xi32, #tpu.memory_space<vmem>>)
        tpu.yield
      }) : () -> ()
      "tpu.region"() ({
        %run_scoped3A_22 = tpu.sem_alloc : memref<!tpu.dma_semaphore, #tpu.memory_space<semaphore_mem>>
        %dma_start3A_23 = arith.constant 0 : i32
        %dma_start3A_24 = tpu.memref_slice %arg4[%add3A, %add3A_12, %dma_start3A_23] : memref<32x81x128xi32, #tpu.memory_space<hbm>> -> memref<1x1x128xi32, #tpu.memory_space<hbm>>
        %dma_start3A_25 = tpu.memref_squeeze %dma_start3A_24 : memref<1x1x128xi32, #tpu.memory_space<hbm>> -> memref<128xi32, #tpu.memory_space<hbm>>
        %dma_start3A_26 = arith.constant 0 : i32
        %dma_start3A_27 = tpu.memref_slice %arg4[%add3A, %add3A_12, %dma_start3A_26] : memref<32x81x128xi32, #tpu.memory_space<hbm>> -> memref<1x1x128xi32, #tpu.memory_space<hbm>>
        %dma_start3A_28 = tpu.memref_squeeze %dma_start3A_27 : memref<1x1x128xi32, #tpu.memory_space<hbm>> -> memref<128xi32, #tpu.memory_space<hbm>>
        tpu.enqueue_dma source(%dma_start3A_28 : memref<128xi32, #tpu.memory_space<hbm>>) target(%arg9 : memref<128xi32, #tpu.memory_space<vmem>>) target_semaphore(%run_scoped3A_22 : memref<!tpu.dma_semaphore, #tpu.memory_space<semaphore_mem>>)
        %dma_wait3A_29 = arith.constant 0 : i32
        %dma_wait3A_30 = tpu.memref_slice %arg4[%add3A, %add3A_12, %dma_wait3A_29] : memref<32x81x128xi32, #tpu.memory_space<hbm>> -> memref<1x1x128xi32, #tpu.memory_space<hbm>>
        %dma_wait3A_31 = tpu.memref_squeeze %dma_wait3A_30 : memref<1x1x128xi32, #tpu.memory_space<hbm>> -> memref<128xi32, #tpu.memory_space<hbm>>
        %dma_wait3A_32 = arith.constant 0 : i32
        %dma_wait3A_33 = tpu.memref_slice %arg4[%add3A, %add3A_12, %dma_wait3A_32] : memref<32x81x128xi32, #tpu.memory_space<hbm>> -> memref<1x1x128xi32, #tpu.memory_space<hbm>>
        %dma_wait3A_34 = tpu.memref_squeeze %dma_wait3A_33 : memref<1x1x128xi32, #tpu.memory_space<hbm>> -> memref<128xi32, #tpu.memory_space<hbm>>
        tpu.wait_dma2 semaphore(%run_scoped3A_22 : memref<!tpu.dma_semaphore, #tpu.memory_space<semaphore_mem>>) src(%dma_wait3A_34 : memref<128xi32, #tpu.memory_space<hbm>>) dst(%arg9 : memref<128xi32, #tpu.memory_space<vmem>>)
        tpu.yield
      }) : () -> ()
      "tpu.region"() ({
        %run_scoped3A_22 = tpu.sem_alloc : memref<!tpu.dma_semaphore, #tpu.memory_space<semaphore_mem>>
        %dma_start3A_23 = arith.constant 0 : i32
        %dma_start3A_24 = tpu.memref_slice %arg5[%add3A, %add3A_12, %dma_start3A_23] : memref<32x81x128xf32, #tpu.memory_space<hbm>> -> memref<1x1x128xf32, #tpu.memory_space<hbm>>
        %dma_start3A_25 = tpu.memref_squeeze %dma_start3A_24 : memref<1x1x128xf32, #tpu.memory_space<hbm>> -> memref<128xf32, #tpu.memory_space<hbm>>
        %dma_start3A_26 = arith.constant 0 : i32
        %dma_start3A_27 = tpu.memref_slice %arg5[%add3A, %add3A_12, %dma_start3A_26] : memref<32x81x128xf32, #tpu.memory_space<hbm>> -> memref<1x1x128xf32, #tpu.memory_space<hbm>>
        %dma_start3A_28 = tpu.memref_squeeze %dma_start3A_27 : memref<1x1x128xf32, #tpu.memory_space<hbm>> -> memref<128xf32, #tpu.memory_space<hbm>>
        tpu.enqueue_dma source(%dma_start3A_28 : memref<128xf32, #tpu.memory_space<hbm>>) target(%arg10 : memref<128xf32, #tpu.memory_space<vmem>>) target_semaphore(%run_scoped3A_22 : memref<!tpu.dma_semaphore, #tpu.memory_space<semaphore_mem>>)
        %dma_wait3A_29 = arith.constant 0 : i32
        %dma_wait3A_30 = tpu.memref_slice %arg5[%add3A, %add3A_12, %dma_wait3A_29] : memref<32x81x128xf32, #tpu.memory_space<hbm>> -> memref<1x1x128xf32, #tpu.memory_space<hbm>>
        %dma_wait3A_31 = tpu.memref_squeeze %dma_wait3A_30 : memref<1x1x128xf32, #tpu.memory_space<hbm>> -> memref<128xf32, #tpu.memory_space<hbm>>
        %dma_wait3A_32 = arith.constant 0 : i32
        %dma_wait3A_33 = tpu.memref_slice %arg5[%add3A, %add3A_12, %dma_wait3A_32] : memref<32x81x128xf32, #tpu.memory_space<hbm>> -> memref<1x1x128xf32, #tpu.memory_space<hbm>>
        %dma_wait3A_34 = tpu.memref_squeeze %dma_wait3A_33 : memref<1x1x128xf32, #tpu.memory_space<hbm>> -> memref<128xf32, #tpu.memory_space<hbm>>
        tpu.wait_dma2 semaphore(%run_scoped3A_22 : memref<!tpu.dma_semaphore, #tpu.memory_space<semaphore_mem>>) src(%dma_wait3A_34 : memref<128xf32, #tpu.memory_space<hbm>>) dst(%arg10 : memref<128xf32, #tpu.memory_space<vmem>>)
        tpu.yield
      }) : () -> ()
      %dma_start3A = arith.constant 0 : i32
      %dma_start3A_13 = arith.constant 0 : i32
      %dma_start3A_14 = tpu.memref_slice %arg2[%dma_start3A, %dma_start3A_13] : memref<10000x128xf32, #tpu.memory_space<hbm>> -> memref<10000x128xf32, #tpu.memory_space<hbm>>
      tpu.enqueue_indirect_dma source(%dma_start3A_14 : memref<10000x128xf32, #tpu.memory_space<hbm>>) target(%arg11 : memref<128x128xf32, #tpu.memory_space<vmem>>) offsets(%arg8 : memref<128xi32, #tpu.memory_space<vmem>>) semaphore(%arg13 : memref<!tpu.dma_semaphore, #tpu.memory_space<semaphore_mem>>)
      %dma_wait3A = arith.constant 0 : i32
      %dma_wait3A_15 = arith.constant 0 : i32
      %dma_wait3A_16 = tpu.memref_slice %arg2[%dma_wait3A, %dma_wait3A_15] : memref<10000x128xf32, #tpu.memory_space<hbm>> -> memref<10000x128xf32, #tpu.memory_space<hbm>>
      tpu.wait_indirect_dma semaphore(%arg13 : memref<!tpu.dma_semaphore, #tpu.memory_space<semaphore_mem>>) src(%dma_wait3A_16 : memref<10000x128xf32, #tpu.memory_space<hbm>>) dst(%arg11 : memref<128x128xf32, #tpu.memory_space<vmem>>)
      %scan3A_17 = arith.constant 0 : i32
      %scan3A_18 = arith.constant 128 : i32
      %scan3A_19 = arith.addi %scan3A_17, %scan3A_18 : i32
      %scan3A_20 = arith.constant 1 : i32
      scf.for %scan3A_22 = %scan3A_17 to %scan3A_19 step %scan3A_20  : i32 {
        %mul3A_23 = arith.constant 1 : i32
        %mul3A_24 = arith.muli %scan3A_22, %mul3A_23 : i32
        %add3A_25 = arith.constant 0 : i32
        %add3A_26 = arith.addi %add3A_25, %mul3A_24 : i32
        %broadcast_in_dim3A = vector.broadcast %add3A_26 : i32 to vector<16xi32>
        %gather3A = tpu.vector_load_idx %arg10[%broadcast_in_dim3A] : memref<128xf32, #tpu.memory_space<vmem>>[vector<16xi32>], vector<16xf32>,
        %get3A = arith.index_cast %add3A_26 : i32 to index
        %get3A_27 = arith.constant 0 : index
        %get3A_28 = tpu.vector_load %arg11[%get3A, %get3A_27] {strides = array<i32>} : memref<128x128xf32, #tpu.memory_space<vmem>>, vector<16xf32>,
        %mul3A_29 = arith.mulf %get3A_28, %gather3A : vector<16xf32>
        %swap3A = arith.index_cast %add3A_26 : i32 to index
        %swap3A_30 = arith.constant 0 : index
        %swap3A_31 = tpu.vector_load %arg11[%swap3A, %swap3A_30] {strides = array<i32>} : memref<128x128xf32, #tpu.memory_space<vmem>>, vector<16xf32>,
        tpu.vector_store %arg11[%swap3A, %swap3A_30], %mul3A_29 {strides = array<i32>} : memref<128x128xf32, #tpu.memory_space<vmem>>, vector<16xf32>,
        %get3A_32 = arith.index_cast %add3A_26 : i32 to index
        %get3A_33 = arith.constant 16 : index
        %get3A_34 = tpu.vector_load %arg11[%get3A_32, %get3A_33] {strides = array<i32>} : memref<128x128xf32, #tpu.memory_space<vmem>>, vector<16xf32>,
        %mul3A_35 = arith.mulf %get3A_34, %gather3A : vector<16xf32>
        %swap3A_36 = arith.index_cast %add3A_26 : i32 to index
        %swap3A_37 = arith.constant 16 : index
        %swap3A_38 = tpu.vector_load %arg11[%swap3A_36, %swap3A_37] {strides = array<i32>} : memref<128x128xf32, #tpu.memory_space<vmem>>, vector<16xf32>,
        tpu.vector_store %arg11[%swap3A_36, %swap3A_37], %mul3A_35 {strides = array<i32>} : memref<128x128xf32, #tpu.memory_space<vmem>>, vector<16xf32>,
        %get3A_39 = arith.index_cast %add3A_26 : i32 to index
        %get3A_40 = arith.constant 32 : index
        %get3A_41 = tpu.vector_load %arg11[%get3A_39, %get3A_40] {strides = array<i32>} : memref<128x128xf32, #tpu.memory_space<vmem>>, vector<16xf32>,
        %mul3A_42 = arith.mulf %get3A_41, %gather3A : vector<16xf32>
        %swap3A_43 = arith.index_cast %add3A_26 : i32 to index
        %swap3A_44 = arith.constant 32 : index
        %swap3A_45 = tpu.vector_load %arg11[%swap3A_43, %swap3A_44] {strides = array<i32>} : memref<128x128xf32, #tpu.memory_space<vmem>>, vector<16xf32>,
        tpu.vector_store %arg11[%swap3A_43, %swap3A_44], %mul3A_42 {strides = array<i32>} : memref<128x128xf32, #tpu.memory_space<vmem>>, vector<16xf32>,
        %get3A_46 = arith.index_cast %add3A_26 : i32 to index
        %get3A_47 = arith.constant 48 : index
        %get3A_48 = tpu.vector_load %arg11[%get3A_46, %get3A_47] {strides = array<i32>} : memref<128x128xf32, #tpu.memory_space<vmem>>, vector<16xf32>,
        %mul3A_49 = arith.mulf %get3A_48, %gather3A : vector<16xf32>
        %swap3A_50 = arith.index_cast %add3A_26 : i32 to index
        %swap3A_51 = arith.constant 48 : index
        %swap3A_52 = tpu.vector_load %arg11[%swap3A_50, %swap3A_51] {strides = array<i32>} : memref<128x128xf32, #tpu.memory_space<vmem>>, vector<16xf32>,
        tpu.vector_store %arg11[%swap3A_50, %swap3A_51], %mul3A_49 {strides = array<i32>} : memref<128x128xf32, #tpu.memory_space<vmem>>, vector<16xf32>,
        %get3A_53 = arith.index_cast %add3A_26 : i32 to index
        %get3A_54 = arith.constant 64 : index
        %get3A_55 = tpu.vector_load %arg11[%get3A_53, %get3A_54] {strides = array<i32>} : memref<128x128xf32, #tpu.memory_space<vmem>>, vector<16xf32>,
        %mul3A_56 = arith.mulf %get3A_55, %gather3A : vector<16xf32>
        %swap3A_57 = arith.index_cast %add3A_26 : i32 to index
        %swap3A_58 = arith.constant 64 : index
        %swap3A_59 = tpu.vector_load %arg11[%swap3A_57, %swap3A_58] {strides = array<i32>} : memref<128x128xf32, #tpu.memory_space<vmem>>, vector<16xf32>,
        tpu.vector_store %arg11[%swap3A_57, %swap3A_58], %mul3A_56 {strides = array<i32>} : memref<128x128xf32, #tpu.memory_space<vmem>>, vector<16xf32>,
        %get3A_60 = arith.index_cast %add3A_26 : i32 to index
        %get3A_61 = arith.constant 80 : index
        %get3A_62 = tpu.vector_load %arg11[%get3A_60, %get3A_61] {strides = array<i32>} : memref<128x128xf32, #tpu.memory_space<vmem>>, vector<16xf32>,
        %mul3A_63 = arith.mulf %get3A_62, %gather3A : vector<16xf32>
        %swap3A_64 = arith.index_cast %add3A_26 : i32 to index
        %swap3A_65 = arith.constant 80 : index
        %swap3A_66 = tpu.vector_load %arg11[%swap3A_64, %swap3A_65] {strides = array<i32>} : memref<128x128xf32, #tpu.memory_space<vmem>>, vector<16xf32>,
        tpu.vector_store %arg11[%swap3A_64, %swap3A_65], %mul3A_63 {strides = array<i32>} : memref<128x128xf32, #tpu.memory_space<vmem>>, vector<16xf32>,
        %get3A_67 = arith.index_cast %add3A_26 : i32 to index
        %get3A_68 = arith.constant 96 : index
        %get3A_69 = tpu.vector_load %arg11[%get3A_67, %get3A_68] {strides = array<i32>} : memref<128x128xf32, #tpu.memory_space<vmem>>, vector<16xf32>,
        %mul3A_70 = arith.mulf %get3A_69, %gather3A : vector<16xf32>
        %swap3A_71 = arith.index_cast %add3A_26 : i32 to index
        %swap3A_72 = arith.constant 96 : index
        %swap3A_73 = tpu.vector_load %arg11[%swap3A_71, %swap3A_72] {strides = array<i32>} : memref<128x128xf32, #tpu.memory_space<vmem>>, vector<16xf32>,
        tpu.vector_store %arg11[%swap3A_71, %swap3A_72], %mul3A_70 {strides = array<i32>} : memref<128x128xf32, #tpu.memory_space<vmem>>, vector<16xf32>,
        %get3A_74 = arith.index_cast %add3A_26 : i32 to index
        %get3A_75 = arith.constant 112 : index
        %get3A_76 = tpu.vector_load %arg11[%get3A_74, %get3A_75] {strides = array<i32>} : memref<128x128xf32, #tpu.memory_space<vmem>>, vector<16xf32>,
        %mul3A_77 = arith.mulf %get3A_76, %gather3A : vector<16xf32>
        %swap3A_78 = arith.index_cast %add3A_26 : i32 to index
        %swap3A_79 = arith.constant 112 : index
        %swap3A_80 = tpu.vector_load %arg11[%swap3A_78, %swap3A_79] {strides = array<i32>} : memref<128x128xf32, #tpu.memory_space<vmem>>, vector<16xf32>,
        tpu.vector_store %arg11[%swap3A_78, %swap3A_79], %mul3A_77 {strides = array<i32>} : memref<128x128xf32, #tpu.memory_space<vmem>>, vector<16xf32>,
      }
      %scan3A_21 = arith.constant 128 : i32
      "tpu.region"() ({
        %run_scoped3A_22 = tpu.sem_alloc : memref<!tpu.dma_semaphore, #tpu.memory_space<semaphore_mem>>
        %dma_start3A_23 = arith.constant 0 : i32
        %dma_start3A_24 = arith.constant 0 : i32
        %dma_start3A_25 = tpu.memref_slice %arg12[%dma_start3A_23, %dma_start3A_24] : memref<10112x128xf32, #tpu.memory_space<vmem_shared>> -> memref<10112x128xf32, #tpu.memory_space<vmem_shared>>
        tpu.enqueue_indirect_dma source(%arg11 : memref<128x128xf32, #tpu.memory_space<vmem>>) target(%dma_start3A_25 : memref<10112x128xf32, #tpu.memory_space<vmem_shared>>) offsets(%arg9 : memref<128xi32, #tpu.memory_space<vmem>>) semaphore(%run_scoped3A_22 : memref<!tpu.dma_semaphore, #tpu.memory_space<semaphore_mem>>) {add = true}
        %dma_wait3A_26 = arith.constant 0 : i32
        %dma_wait3A_27 = arith.constant 0 : i32
        %dma_wait3A_28 = tpu.memref_slice %arg12[%dma_wait3A_26, %dma_wait3A_27] : memref<10112x128xf32, #tpu.memory_space<vmem_shared>> -> memref<10112x128xf32, #tpu.memory_space<vmem_shared>>
        tpu.wait_indirect_dma semaphore(%run_scoped3A_22 : memref<!tpu.dma_semaphore, #tpu.memory_space<semaphore_mem>>) src(%arg11 : memref<128x128xf32, #tpu.memory_space<vmem>>) dst(%dma_wait3A_28 : memref<10112x128xf32, #tpu.memory_space<vmem_shared>>)
        tpu.yield
      }) : () -> ()
    }
    %scan3A_6 = arith.constant 81 : i32
    %barrier3A_7 = arith.constant 0 : index
    tpu.barrier barrier_id(%barrier3A_7)
    %run_scoped3A = arith.constant 0 : i32
    "tpu.region"() ({
      %run_scoped3A_8 = tpu.sem_alloc : memref<!tpu.dma_semaphore, #tpu.memory_space<semaphore_mem>>
      %dma_start3A = arith.constant 0 : i32
      %dma_start3A_9 = tpu.memref_slice %arg7[%arg0, %run_scoped3A, %mul3A_2, %dma_start3A] : memref<2x1x10112x128xf32, #tpu.memory_space<hbm>> -> memref<1x1x632x128xf32, #tpu.memory_space<hbm>>
      %dma_start3A_10 = tpu.memref_squeeze %dma_start3A_9 : memref<1x1x632x128xf32, #tpu.memory_space<hbm>> -> memref<632x128xf32, #tpu.memory_space<hbm>>
      %dma_start3A_11 = arith.constant 0 : i32
      %dma_start3A_12 = tpu.memref_slice %arg12[%mul3A_2, %dma_start3A_11] : memref<10112x128xf32, #tpu.memory_space<vmem_shared>> -> memref<632x128xf32, #tpu.memory_space<vmem_shared>>
      tpu.enqueue_dma source(%dma_start3A_12 : memref<632x128xf32, #tpu.memory_space<vmem_shared>>) target(%dma_start3A_10 : memref<632x128xf32, #tpu.memory_space<hbm>>) target_semaphore(%run_scoped3A_8 : memref<!tpu.dma_semaphore, #tpu.memory_space<semaphore_mem>>)
      %dma_wait3A = arith.constant 0 : i32
      %dma_wait3A_13 = tpu.memref_slice %arg7[%arg0, %run_scoped3A, %mul3A_2, %dma_wait3A] : memref<2x1x10112x128xf32, #tpu.memory_space<hbm>> -> memref<1x1x632x128xf32, #tpu.memory_space<hbm>>
      %dma_wait3A_14 = tpu.memref_squeeze %dma_wait3A_13 : memref<1x1x632x128xf32, #tpu.memory_space<hbm>> -> memref<632x128xf32, #tpu.memory_space<hbm>>
      %dma_wait3A_15 = arith.constant 0 : i32
      %dma_wait3A_16 = tpu.memref_slice %arg12[%mul3A_2, %dma_wait3A_15] : memref<10112x128xf32, #tpu.memory_space<vmem_shared>> -> memref<632x128xf32, #tpu.memory_space<vmem_shared>>
      tpu.wait_dma2 semaphore(%run_scoped3A_8 : memref<!tpu.dma_semaphore, #tpu.memory_space<semaphore_mem>>) src(%dma_wait3A_16 : memref<632x128xf32, #tpu.memory_space<vmem_shared>>) dst(%dma_wait3A_14 : memref<632x128xf32, #tpu.memory_space<hbm>>)
      tpu.yield
    }) : () -> ()
    return
  }
}

#map = affine_map<(d0, d1) -> (0, 0)>
#map1 = affine_map<(d0, d1) -> (0, 0, 0)>
#map2 = affine_map<(d0, d1) -> (0, 0, 0, 0)>
module attributes {stable_mosaic.version = 14 : i64} {
  func.func @k(%arg0: i32, %arg1: i32, %arg2: memref<10000x128xf32, #tpu.memory_space<hbm>>, %arg3: memref<10000x128xf32, #tpu.memory_space<hbm>>, %arg4: memref<10000x128xf32, #tpu.memory_space<hbm>>, %arg5: memref<10000x128xf32, #tpu.memory_space<hbm>>, %arg6: memref<32x81x128xi32, #tpu.memory_space<hbm>>, %arg7: memref<32x81x128xi32, #tpu.memory_space<hbm>>, %arg8: memref<32x81x128xf32, #tpu.memory_space<hbm>>, %arg9: memref<10112x128xf32, #tpu.memory_space<hbm>>, %arg10: memref<2x4x10112x128xf32, #tpu.memory_space<hbm>>, %arg11: memref<128xi32, #tpu.memory_space<vmem>>, %arg12: memref<128xi32, #tpu.memory_space<vmem>>, %arg13: memref<128xf32, #tpu.memory_space<vmem>>, %arg14: memref<128x128xf32, #tpu.memory_space<vmem>>, %arg15: memref<10112x128xf32, #tpu.memory_space<vmem_shared>>, %arg16: memref<!tpu.dma_semaphore, #tpu.memory_space<semaphore_mem>>) attributes {dimension_semantics = [#tpu.dimension_semantics<core_parallel>, #tpu.dimension_semantics<subcore_parallel>], iteration_bounds = array<i64: 2, 16>, scalar_prefetch = 0 : i64, scratch_operands = 6 : i64, tpu.core_type = #tpu.core_type<sc_vector_subcore>, window_params = [{transform_indices = #map}, {transform_indices = #map}, {transform_indices = #map}, {transform_indices = #map}, {transform_indices = #map1}, {transform_indices = #map1}, {transform_indices = #map1}, {transform_indices = #map}, {transform_indices = #map2}]} {
    %mul3A = arith.constant 16 : i32
    %mul3A_0 = arith.muli %arg0, %mul3A : i32
    %add3A = arith.addi %mul3A_0, %arg1 : i32
    %mul3A_1 = arith.constant 632 : i32
    %mul3A_2 = arith.muli %arg1, %mul3A_1 : i32
    "tpu.region"() ({
      %run_scoped3A_32 = tpu.sem_alloc : memref<!tpu.dma_semaphore, #tpu.memory_space<semaphore_mem>>
      %dma_start3A = arith.constant 0 : i32
      %dma_start3A_33 = tpu.memref_slice %arg15[%mul3A_2, %dma_start3A] : memref<10112x128xf32, #tpu.memory_space<vmem_shared>> -> memref<632x128xf32, #tpu.memory_space<vmem_shared>>
      %dma_start3A_34 = arith.constant 0 : i32
      %dma_start3A_35 = tpu.memref_slice %arg9[%mul3A_2, %dma_start3A_34] : memref<10112x128xf32, #tpu.memory_space<hbm>> -> memref<632x128xf32, #tpu.memory_space<hbm>>
      tpu.enqueue_dma source(%dma_start3A_35 : memref<632x128xf32, #tpu.memory_space<hbm>>) target(%dma_start3A_33 : memref<632x128xf32, #tpu.memory_space<vmem_shared>>) target_semaphore(%run_scoped3A_32 : memref<!tpu.dma_semaphore, #tpu.memory_space<semaphore_mem>>)
      %dma_wait3A = arith.constant 0 : i32
      %dma_wait3A_36 = tpu.memref_slice %arg15[%mul3A_2, %dma_wait3A] : memref<10112x128xf32, #tpu.memory_space<vmem_shared>> -> memref<632x128xf32, #tpu.memory_space<vmem_shared>>
      %dma_wait3A_37 = arith.constant 0 : i32
      %dma_wait3A_38 = tpu.memref_slice %arg9[%mul3A_2, %dma_wait3A_37] : memref<10112x128xf32, #tpu.memory_space<hbm>> -> memref<632x128xf32, #tpu.memory_space<hbm>>
      tpu.wait_dma2 semaphore(%run_scoped3A_32 : memref<!tpu.dma_semaphore, #tpu.memory_space<semaphore_mem>>) src(%dma_wait3A_38 : memref<632x128xf32, #tpu.memory_space<hbm>>) dst(%dma_wait3A_36 : memref<632x128xf32, #tpu.memory_space<vmem_shared>>)
      tpu.yield
    }) : () -> ()
    %barrier3A = arith.constant 0 : index
    tpu.barrier barrier_id(%barrier3A)
    %scan3A = arith.constant 0 : i32
    %scan3A_3 = arith.constant 81 : i32
    %scan3A_4 = arith.addi %scan3A, %scan3A_3 : i32
    %scan3A_5 = arith.constant 1 : i32
    scf.for %scan3A_32 = %scan3A to %scan3A_4 step %scan3A_5  : i32 {
      %mul3A_33 = arith.constant 1 : i32
      %mul3A_34 = arith.muli %scan3A_32, %mul3A_33 : i32
      %add3A_35 = arith.constant 0 : i32
      %add3A_36 = arith.addi %add3A_35, %mul3A_34 : i32
      "tpu.region"() ({
        %run_scoped3A_46 = tpu.sem_alloc : memref<!tpu.dma_semaphore, #tpu.memory_space<semaphore_mem>>
        %dma_start3A_47 = arith.constant 0 : i32
        %dma_start3A_48 = tpu.memref_slice %arg6[%add3A, %add3A_36, %dma_start3A_47] : memref<32x81x128xi32, #tpu.memory_space<hbm>> -> memref<1x1x128xi32, #tpu.memory_space<hbm>>
        %dma_start3A_49 = tpu.memref_squeeze %dma_start3A_48 : memref<1x1x128xi32, #tpu.memory_space<hbm>> -> memref<128xi32, #tpu.memory_space<hbm>>
        %dma_start3A_50 = arith.constant 0 : i32
        %dma_start3A_51 = tpu.memref_slice %arg6[%add3A, %add3A_36, %dma_start3A_50] : memref<32x81x128xi32, #tpu.memory_space<hbm>> -> memref<1x1x128xi32, #tpu.memory_space<hbm>>
        %dma_start3A_52 = tpu.memref_squeeze %dma_start3A_51 : memref<1x1x128xi32, #tpu.memory_space<hbm>> -> memref<128xi32, #tpu.memory_space<hbm>>
        tpu.enqueue_dma source(%dma_start3A_52 : memref<128xi32, #tpu.memory_space<hbm>>) target(%arg11 : memref<128xi32, #tpu.memory_space<vmem>>) target_semaphore(%run_scoped3A_46 : memref<!tpu.dma_semaphore, #tpu.memory_space<semaphore_mem>>)
        %dma_wait3A_53 = arith.constant 0 : i32
        %dma_wait3A_54 = tpu.memref_slice %arg6[%add3A, %add3A_36, %dma_wait3A_53] : memref<32x81x128xi32, #tpu.memory_space<hbm>> -> memref<1x1x128xi32, #tpu.memory_space<hbm>>
        %dma_wait3A_55 = tpu.memref_squeeze %dma_wait3A_54 : memref<1x1x128xi32, #tpu.memory_space<hbm>> -> memref<128xi32, #tpu.memory_space<hbm>>
        %dma_wait3A_56 = arith.constant 0 : i32
        %dma_wait3A_57 = tpu.memref_slice %arg6[%add3A, %add3A_36, %dma_wait3A_56] : memref<32x81x128xi32, #tpu.memory_space<hbm>> -> memref<1x1x128xi32, #tpu.memory_space<hbm>>
        %dma_wait3A_58 = tpu.memref_squeeze %dma_wait3A_57 : memref<1x1x128xi32, #tpu.memory_space<hbm>> -> memref<128xi32, #tpu.memory_space<hbm>>
        tpu.wait_dma2 semaphore(%run_scoped3A_46 : memref<!tpu.dma_semaphore, #tpu.memory_space<semaphore_mem>>) src(%dma_wait3A_58 : memref<128xi32, #tpu.memory_space<hbm>>) dst(%arg11 : memref<128xi32, #tpu.memory_space<vmem>>)
        tpu.yield
      }) : () -> ()
      "tpu.region"() ({
        %run_scoped3A_46 = tpu.sem_alloc : memref<!tpu.dma_semaphore, #tpu.memory_space<semaphore_mem>>
        %dma_start3A_47 = arith.constant 0 : i32
        %dma_start3A_48 = tpu.memref_slice %arg7[%add3A, %add3A_36, %dma_start3A_47] : memref<32x81x128xi32, #tpu.memory_space<hbm>> -> memref<1x1x128xi32, #tpu.memory_space<hbm>>
        %dma_start3A_49 = tpu.memref_squeeze %dma_start3A_48 : memref<1x1x128xi32, #tpu.memory_space<hbm>> -> memref<128xi32, #tpu.memory_space<hbm>>
        %dma_start3A_50 = arith.constant 0 : i32
        %dma_start3A_51 = tpu.memref_slice %arg7[%add3A, %add3A_36, %dma_start3A_50] : memref<32x81x128xi32, #tpu.memory_space<hbm>> -> memref<1x1x128xi32, #tpu.memory_space<hbm>>
        %dma_start3A_52 = tpu.memref_squeeze %dma_start3A_51 : memref<1x1x128xi32, #tpu.memory_space<hbm>> -> memref<128xi32, #tpu.memory_space<hbm>>
        tpu.enqueue_dma source(%dma_start3A_52 : memref<128xi32, #tpu.memory_space<hbm>>) target(%arg12 : memref<128xi32, #tpu.memory_space<vmem>>) target_semaphore(%run_scoped3A_46 : memref<!tpu.dma_semaphore, #tpu.memory_space<semaphore_mem>>)
        %dma_wait3A_53 = arith.constant 0 : i32
        %dma_wait3A_54 = tpu.memref_slice %arg7[%add3A, %add3A_36, %dma_wait3A_53] : memref<32x81x128xi32, #tpu.memory_space<hbm>> -> memref<1x1x128xi32, #tpu.memory_space<hbm>>
        %dma_wait3A_55 = tpu.memref_squeeze %dma_wait3A_54 : memref<1x1x128xi32, #tpu.memory_space<hbm>> -> memref<128xi32, #tpu.memory_space<hbm>>
        %dma_wait3A_56 = arith.constant 0 : i32
        %dma_wait3A_57 = tpu.memref_slice %arg7[%add3A, %add3A_36, %dma_wait3A_56] : memref<32x81x128xi32, #tpu.memory_space<hbm>> -> memref<1x1x128xi32, #tpu.memory_space<hbm>>
        %dma_wait3A_58 = tpu.memref_squeeze %dma_wait3A_57 : memref<1x1x128xi32, #tpu.memory_space<hbm>> -> memref<128xi32, #tpu.memory_space<hbm>>
        tpu.wait_dma2 semaphore(%run_scoped3A_46 : memref<!tpu.dma_semaphore, #tpu.memory_space<semaphore_mem>>) src(%dma_wait3A_58 : memref<128xi32, #tpu.memory_space<hbm>>) dst(%arg12 : memref<128xi32, #tpu.memory_space<vmem>>)
        tpu.yield
      }) : () -> ()
      "tpu.region"() ({
        %run_scoped3A_46 = tpu.sem_alloc : memref<!tpu.dma_semaphore, #tpu.memory_space<semaphore_mem>>
        %dma_start3A_47 = arith.constant 0 : i32
        %dma_start3A_48 = tpu.memref_slice %arg8[%add3A, %add3A_36, %dma_start3A_47] : memref<32x81x128xf32, #tpu.memory_space<hbm>> -> memref<1x1x128xf32, #tpu.memory_space<hbm>>
        %dma_start3A_49 = tpu.memref_squeeze %dma_start3A_48 : memref<1x1x128xf32, #tpu.memory_space<hbm>> -> memref<128xf32, #tpu.memory_space<hbm>>
        %dma_start3A_50 = arith.constant 0 : i32
        %dma_start3A_51 = tpu.memref_slice %arg8[%add3A, %add3A_36, %dma_start3A_50] : memref<32x81x128xf32, #tpu.memory_space<hbm>> -> memref<1x1x128xf32, #tpu.memory_space<hbm>>
        %dma_start3A_52 = tpu.memref_squeeze %dma_start3A_51 : memref<1x1x128xf32, #tpu.memory_space<hbm>> -> memref<128xf32, #tpu.memory_space<hbm>>
        tpu.enqueue_dma source(%dma_start3A_52 : memref<128xf32, #tpu.memory_space<hbm>>) target(%arg13 : memref<128xf32, #tpu.memory_space<vmem>>) target_semaphore(%run_scoped3A_46 : memref<!tpu.dma_semaphore, #tpu.memory_space<semaphore_mem>>)
        %dma_wait3A_53 = arith.constant 0 : i32
        %dma_wait3A_54 = tpu.memref_slice %arg8[%add3A, %add3A_36, %dma_wait3A_53] : memref<32x81x128xf32, #tpu.memory_space<hbm>> -> memref<1x1x128xf32, #tpu.memory_space<hbm>>
        %dma_wait3A_55 = tpu.memref_squeeze %dma_wait3A_54 : memref<1x1x128xf32, #tpu.memory_space<hbm>> -> memref<128xf32, #tpu.memory_space<hbm>>
        %dma_wait3A_56 = arith.constant 0 : i32
        %dma_wait3A_57 = tpu.memref_slice %arg8[%add3A, %add3A_36, %dma_wait3A_56] : memref<32x81x128xf32, #tpu.memory_space<hbm>> -> memref<1x1x128xf32, #tpu.memory_space<hbm>>
        %dma_wait3A_58 = tpu.memref_squeeze %dma_wait3A_57 : memref<1x1x128xf32, #tpu.memory_space<hbm>> -> memref<128xf32, #tpu.memory_space<hbm>>
        tpu.wait_dma2 semaphore(%run_scoped3A_46 : memref<!tpu.dma_semaphore, #tpu.memory_space<semaphore_mem>>) src(%dma_wait3A_58 : memref<128xf32, #tpu.memory_space<hbm>>) dst(%arg13 : memref<128xf32, #tpu.memory_space<vmem>>)
        tpu.yield
      }) : () -> ()
      %dma_start3A = arith.constant 0 : i32
      %dma_start3A_37 = arith.constant 0 : i32
      %dma_start3A_38 = tpu.memref_slice %arg2[%dma_start3A, %dma_start3A_37] : memref<10000x128xf32, #tpu.memory_space<hbm>> -> memref<10000x128xf32, #tpu.memory_space<hbm>>
      tpu.enqueue_indirect_dma source(%dma_start3A_38 : memref<10000x128xf32, #tpu.memory_space<hbm>>) target(%arg14 : memref<128x128xf32, #tpu.memory_space<vmem>>) offsets(%arg11 : memref<128xi32, #tpu.memory_space<vmem>>) semaphore(%arg16 : memref<!tpu.dma_semaphore, #tpu.memory_space<semaphore_mem>>)
      %dma_wait3A = arith.constant 0 : i32
      %dma_wait3A_39 = arith.constant 0 : i32
      %dma_wait3A_40 = tpu.memref_slice %arg2[%dma_wait3A, %dma_wait3A_39] : memref<10000x128xf32, #tpu.memory_space<hbm>> -> memref<10000x128xf32, #tpu.memory_space<hbm>>
      tpu.wait_indirect_dma semaphore(%arg16 : memref<!tpu.dma_semaphore, #tpu.memory_space<semaphore_mem>>) src(%dma_wait3A_40 : memref<10000x128xf32, #tpu.memory_space<hbm>>) dst(%arg14 : memref<128x128xf32, #tpu.memory_space<vmem>>)
      %scan3A_41 = arith.constant 0 : i32
      %scan3A_42 = arith.constant 128 : i32
      %scan3A_43 = arith.addi %scan3A_41, %scan3A_42 : i32
      %scan3A_44 = arith.constant 1 : i32
      scf.for %scan3A_46 = %scan3A_41 to %scan3A_43 step %scan3A_44  : i32 {
        %mul3A_47 = arith.constant 1 : i32
        %mul3A_48 = arith.muli %scan3A_46, %mul3A_47 : i32
        %add3A_49 = arith.constant 0 : i32
        %add3A_50 = arith.addi %add3A_49, %mul3A_48 : i32
        %broadcast_in_dim3A = vector.broadcast %add3A_50 : i32 to vector<16xi32>
        %gather3A = tpu.vector_load_idx %arg13[%broadcast_in_dim3A] : memref<128xf32, #tpu.memory_space<vmem>>[vector<16xi32>], vector<16xf32>,
        %get3A = arith.index_cast %add3A_50 : i32 to index
        %get3A_51 = arith.constant 0 : index
        %get3A_52 = tpu.vector_load %arg14[%get3A, %get3A_51] {strides = array<i32>} : memref<128x128xf32, #tpu.memory_space<vmem>>, vector<16xf32>,
        %mul3A_53 = arith.mulf %get3A_52, %gather3A : vector<16xf32>
        %swap3A = arith.index_cast %add3A_50 : i32 to index
        %swap3A_54 = arith.constant 0 : index
        %swap3A_55 = tpu.vector_load %arg14[%swap3A, %swap3A_54] {strides = array<i32>} : memref<128x128xf32, #tpu.memory_space<vmem>>, vector<16xf32>,
        tpu.vector_store %arg14[%swap3A, %swap3A_54], %mul3A_53 {strides = array<i32>} : memref<128x128xf32, #tpu.memory_space<vmem>>, vector<16xf32>,
        %get3A_56 = arith.index_cast %add3A_50 : i32 to index
        %get3A_57 = arith.constant 16 : index
        %get3A_58 = tpu.vector_load %arg14[%get3A_56, %get3A_57] {strides = array<i32>} : memref<128x128xf32, #tpu.memory_space<vmem>>, vector<16xf32>,
        %mul3A_59 = arith.mulf %get3A_58, %gather3A : vector<16xf32>
        %swap3A_60 = arith.index_cast %add3A_50 : i32 to index
        %swap3A_61 = arith.constant 16 : index
        %swap3A_62 = tpu.vector_load %arg14[%swap3A_60, %swap3A_61] {strides = array<i32>} : memref<128x128xf32, #tpu.memory_space<vmem>>, vector<16xf32>,
        tpu.vector_store %arg14[%swap3A_60, %swap3A_61], %mul3A_59 {strides = array<i32>} : memref<128x128xf32, #tpu.memory_space<vmem>>, vector<16xf32>,
        %get3A_63 = arith.index_cast %add3A_50 : i32 to index
        %get3A_64 = arith.constant 32 : index
        %get3A_65 = tpu.vector_load %arg14[%get3A_63, %get3A_64] {strides = array<i32>} : memref<128x128xf32, #tpu.memory_space<vmem>>, vector<16xf32>,
        %mul3A_66 = arith.mulf %get3A_65, %gather3A : vector<16xf32>
        %swap3A_67 = arith.index_cast %add3A_50 : i32 to index
        %swap3A_68 = arith.constant 32 : index
        %swap3A_69 = tpu.vector_load %arg14[%swap3A_67, %swap3A_68] {strides = array<i32>} : memref<128x128xf32, #tpu.memory_space<vmem>>, vector<16xf32>,
        tpu.vector_store %arg14[%swap3A_67, %swap3A_68], %mul3A_66 {strides = array<i32>} : memref<128x128xf32, #tpu.memory_space<vmem>>, vector<16xf32>,
        %get3A_70 = arith.index_cast %add3A_50 : i32 to index
        %get3A_71 = arith.constant 48 : index
        %get3A_72 = tpu.vector_load %arg14[%get3A_70, %get3A_71] {strides = array<i32>} : memref<128x128xf32, #tpu.memory_space<vmem>>, vector<16xf32>,
        %mul3A_73 = arith.mulf %get3A_72, %gather3A : vector<16xf32>
        %swap3A_74 = arith.index_cast %add3A_50 : i32 to index
        %swap3A_75 = arith.constant 48 : index
        %swap3A_76 = tpu.vector_load %arg14[%swap3A_74, %swap3A_75] {strides = array<i32>} : memref<128x128xf32, #tpu.memory_space<vmem>>, vector<16xf32>,
        tpu.vector_store %arg14[%swap3A_74, %swap3A_75], %mul3A_73 {strides = array<i32>} : memref<128x128xf32, #tpu.memory_space<vmem>>, vector<16xf32>,
        %get3A_77 = arith.index_cast %add3A_50 : i32 to index
        %get3A_78 = arith.constant 64 : index
        %get3A_79 = tpu.vector_load %arg14[%get3A_77, %get3A_78] {strides = array<i32>} : memref<128x128xf32, #tpu.memory_space<vmem>>, vector<16xf32>,
        %mul3A_80 = arith.mulf %get3A_79, %gather3A : vector<16xf32>
        %swap3A_81 = arith.index_cast %add3A_50 : i32 to index
        %swap3A_82 = arith.constant 64 : index
        %swap3A_83 = tpu.vector_load %arg14[%swap3A_81, %swap3A_82] {strides = array<i32>} : memref<128x128xf32, #tpu.memory_space<vmem>>, vector<16xf32>,
        tpu.vector_store %arg14[%swap3A_81, %swap3A_82], %mul3A_80 {strides = array<i32>} : memref<128x128xf32, #tpu.memory_space<vmem>>, vector<16xf32>,
        %get3A_84 = arith.index_cast %add3A_50 : i32 to index
        %get3A_85 = arith.constant 80 : index
        %get3A_86 = tpu.vector_load %arg14[%get3A_84, %get3A_85] {strides = array<i32>} : memref<128x128xf32, #tpu.memory_space<vmem>>, vector<16xf32>,
        %mul3A_87 = arith.mulf %get3A_86, %gather3A : vector<16xf32>
        %swap3A_88 = arith.index_cast %add3A_50 : i32 to index
        %swap3A_89 = arith.constant 80 : index
        %swap3A_90 = tpu.vector_load %arg14[%swap3A_88, %swap3A_89] {strides = array<i32>} : memref<128x128xf32, #tpu.memory_space<vmem>>, vector<16xf32>,
        tpu.vector_store %arg14[%swap3A_88, %swap3A_89], %mul3A_87 {strides = array<i32>} : memref<128x128xf32, #tpu.memory_space<vmem>>, vector<16xf32>,
        %get3A_91 = arith.index_cast %add3A_50 : i32 to index
        %get3A_92 = arith.constant 96 : index
        %get3A_93 = tpu.vector_load %arg14[%get3A_91, %get3A_92] {strides = array<i32>} : memref<128x128xf32, #tpu.memory_space<vmem>>, vector<16xf32>,
        %mul3A_94 = arith.mulf %get3A_93, %gather3A : vector<16xf32>
        %swap3A_95 = arith.index_cast %add3A_50 : i32 to index
        %swap3A_96 = arith.constant 96 : index
        %swap3A_97 = tpu.vector_load %arg14[%swap3A_95, %swap3A_96] {strides = array<i32>} : memref<128x128xf32, #tpu.memory_space<vmem>>, vector<16xf32>,
        tpu.vector_store %arg14[%swap3A_95, %swap3A_96], %mul3A_94 {strides = array<i32>} : memref<128x128xf32, #tpu.memory_space<vmem>>, vector<16xf32>,
        %get3A_98 = arith.index_cast %add3A_50 : i32 to index
        %get3A_99 = arith.constant 112 : index
        %get3A_100 = tpu.vector_load %arg14[%get3A_98, %get3A_99] {strides = array<i32>} : memref<128x128xf32, #tpu.memory_space<vmem>>, vector<16xf32>,
        %mul3A_101 = arith.mulf %get3A_100, %gather3A : vector<16xf32>
        %swap3A_102 = arith.index_cast %add3A_50 : i32 to index
        %swap3A_103 = arith.constant 112 : index
        %swap3A_104 = tpu.vector_load %arg14[%swap3A_102, %swap3A_103] {strides = array<i32>} : memref<128x128xf32, #tpu.memory_space<vmem>>, vector<16xf32>,
        tpu.vector_store %arg14[%swap3A_102, %swap3A_103], %mul3A_101 {strides = array<i32>} : memref<128x128xf32, #tpu.memory_space<vmem>>, vector<16xf32>,
      }
      %scan3A_45 = arith.constant 128 : i32
      "tpu.region"() ({
        %run_scoped3A_46 = tpu.sem_alloc : memref<!tpu.dma_semaphore, #tpu.memory_space<semaphore_mem>>
        %dma_start3A_47 = arith.constant 0 : i32
        %dma_start3A_48 = arith.constant 0 : i32
        %dma_start3A_49 = tpu.memref_slice %arg15[%dma_start3A_47, %dma_start3A_48] : memref<10112x128xf32, #tpu.memory_space<vmem_shared>> -> memref<10112x128xf32, #tpu.memory_space<vmem_shared>>
        tpu.enqueue_indirect_dma source(%arg14 : memref<128x128xf32, #tpu.memory_space<vmem>>) target(%dma_start3A_49 : memref<10112x128xf32, #tpu.memory_space<vmem_shared>>) offsets(%arg12 : memref<128xi32, #tpu.memory_space<vmem>>) semaphore(%run_scoped3A_46 : memref<!tpu.dma_semaphore, #tpu.memory_space<semaphore_mem>>) {add = true}
        %dma_wait3A_50 = arith.constant 0 : i32
        %dma_wait3A_51 = arith.constant 0 : i32
        %dma_wait3A_52 = tpu.memref_slice %arg15[%dma_wait3A_50, %dma_wait3A_51] : memref<10112x128xf32, #tpu.memory_space<vmem_shared>> -> memref<10112x128xf32, #tpu.memory_space<vmem_shared>>
        tpu.wait_indirect_dma semaphore(%run_scoped3A_46 : memref<!tpu.dma_semaphore, #tpu.memory_space<semaphore_mem>>) src(%arg14 : memref<128x128xf32, #tpu.memory_space<vmem>>) dst(%dma_wait3A_52 : memref<10112x128xf32, #tpu.memory_space<vmem_shared>>)
        tpu.yield
      }) : () -> ()
    }
    %scan3A_6 = arith.constant 81 : i32
    %barrier3A_7 = arith.constant 0 : index
    tpu.barrier barrier_id(%barrier3A_7)
    %run_scoped3A = arith.constant 0 : i32
    "tpu.region"() ({
      %run_scoped3A_32 = tpu.sem_alloc : memref<!tpu.dma_semaphore, #tpu.memory_space<semaphore_mem>>
      %dma_start3A = arith.constant 0 : i32
      %dma_start3A_33 = tpu.memref_slice %arg10[%arg0, %run_scoped3A, %mul3A_2, %dma_start3A] : memref<2x4x10112x128xf32, #tpu.memory_space<hbm>> -> memref<1x1x632x128xf32, #tpu.memory_space<hbm>>
      %dma_start3A_34 = tpu.memref_squeeze %dma_start3A_33 : memref<1x1x632x128xf32, #tpu.memory_space<hbm>> -> memref<632x128xf32, #tpu.memory_space<hbm>>
      %dma_start3A_35 = arith.constant 0 : i32
      %dma_start3A_36 = tpu.memref_slice %arg15[%mul3A_2, %dma_start3A_35] : memref<10112x128xf32, #tpu.memory_space<vmem_shared>> -> memref<632x128xf32, #tpu.memory_space<vmem_shared>>
      tpu.enqueue_dma source(%dma_start3A_36 : memref<632x128xf32, #tpu.memory_space<vmem_shared>>) target(%dma_start3A_34 : memref<632x128xf32, #tpu.memory_space<hbm>>) target_semaphore(%run_scoped3A_32 : memref<!tpu.dma_semaphore, #tpu.memory_space<semaphore_mem>>)
      %dma_wait3A = arith.constant 0 : i32
      %dma_wait3A_37 = tpu.memref_slice %arg10[%arg0, %run_scoped3A, %mul3A_2, %dma_wait3A] : memref<2x4x10112x128xf32, #tpu.memory_space<hbm>> -> memref<1x1x632x128xf32, #tpu.memory_space<hbm>>
      %dma_wait3A_38 = tpu.memref_squeeze %dma_wait3A_37 : memref<1x1x632x128xf32, #tpu.memory_space<hbm>> -> memref<632x128xf32, #tpu.memory_space<hbm>>
      %dma_wait3A_39 = arith.constant 0 : i32
      %dma_wait3A_40 = tpu.memref_slice %arg15[%mul3A_2, %dma_wait3A_39] : memref<10112x128xf32, #tpu.memory_space<vmem_shared>> -> memref<632x128xf32, #tpu.memory_space<vmem_shared>>
      tpu.wait_dma2 semaphore(%run_scoped3A_32 : memref<!tpu.dma_semaphore, #tpu.memory_space<semaphore_mem>>) src(%dma_wait3A_40 : memref<632x128xf32, #tpu.memory_space<vmem_shared>>) dst(%dma_wait3A_38 : memref<632x128xf32, #tpu.memory_space<hbm>>)
      tpu.yield
    }) : () -> ()
    "tpu.region"() ({
      %run_scoped3A_32 = tpu.sem_alloc : memref<!tpu.dma_semaphore, #tpu.memory_space<semaphore_mem>>
      %dma_start3A = arith.constant 0 : i32
      %dma_start3A_33 = tpu.memref_slice %arg15[%mul3A_2, %dma_start3A] : memref<10112x128xf32, #tpu.memory_space<vmem_shared>> -> memref<632x128xf32, #tpu.memory_space<vmem_shared>>
      %dma_start3A_34 = arith.constant 0 : i32
      %dma_start3A_35 = tpu.memref_slice %arg9[%mul3A_2, %dma_start3A_34] : memref<10112x128xf32, #tpu.memory_space<hbm>> -> memref<632x128xf32, #tpu.memory_space<hbm>>
      tpu.enqueue_dma source(%dma_start3A_35 : memref<632x128xf32, #tpu.memory_space<hbm>>) target(%dma_start3A_33 : memref<632x128xf32, #tpu.memory_space<vmem_shared>>) target_semaphore(%run_scoped3A_32 : memref<!tpu.dma_semaphore, #tpu.memory_space<semaphore_mem>>)
      %dma_wait3A = arith.constant 0 : i32
      %dma_wait3A_36 = tpu.memref_slice %arg15[%mul3A_2, %dma_wait3A] : memref<10112x128xf32, #tpu.memory_space<vmem_shared>> -> memref<632x128xf32, #tpu.memory_space<vmem_shared>>
      %dma_wait3A_37 = arith.constant 0 : i32
      %dma_wait3A_38 = tpu.memref_slice %arg9[%mul3A_2, %dma_wait3A_37] : memref<10112x128xf32, #tpu.memory_space<hbm>> -> memref<632x128xf32, #tpu.memory_space<hbm>>
      tpu.wait_dma2 semaphore(%run_scoped3A_32 : memref<!tpu.dma_semaphore, #tpu.memory_space<semaphore_mem>>) src(%dma_wait3A_38 : memref<632x128xf32, #tpu.memory_space<hbm>>) dst(%dma_wait3A_36 : memref<632x128xf32, #tpu.memory_space<vmem_shared>>)
      tpu.yield
    }) : () -> ()
    %barrier3A_8 = arith.constant 0 : index
    tpu.barrier barrier_id(%barrier3A_8)
    %scan3A_9 = arith.constant 0 : i32
    %scan3A_10 = arith.constant 81 : i32
    %scan3A_11 = arith.addi %scan3A_9, %scan3A_10 : i32
    %scan3A_12 = arith.constant 1 : i32
    scf.for %scan3A_32 = %scan3A_9 to %scan3A_11 step %scan3A_12  : i32 {
      %mul3A_33 = arith.constant 1 : i32
      %mul3A_34 = arith.muli %scan3A_32, %mul3A_33 : i32
      %add3A_35 = arith.constant 0 : i32
      %add3A_36 = arith.addi %add3A_35, %mul3A_34 : i32
      "tpu.region"() ({
        %run_scoped3A_46 = tpu.sem_alloc : memref<!tpu.dma_semaphore, #tpu.memory_space<semaphore_mem>>
        %dma_start3A_47 = arith.constant 0 : i32
        %dma_start3A_48 = tpu.memref_slice %arg6[%add3A, %add3A_36, %dma_start3A_47] : memref<32x81x128xi32, #tpu.memory_space<hbm>> -> memref<1x1x128xi32, #tpu.memory_space<hbm>>
        %dma_start3A_49 = tpu.memref_squeeze %dma_start3A_48 : memref<1x1x128xi32, #tpu.memory_space<hbm>> -> memref<128xi32, #tpu.memory_space<hbm>>
        %dma_start3A_50 = arith.constant 0 : i32
        %dma_start3A_51 = tpu.memref_slice %arg6[%add3A, %add3A_36, %dma_start3A_50] : memref<32x81x128xi32, #tpu.memory_space<hbm>> -> memref<1x1x128xi32, #tpu.memory_space<hbm>>
        %dma_start3A_52 = tpu.memref_squeeze %dma_start3A_51 : memref<1x1x128xi32, #tpu.memory_space<hbm>> -> memref<128xi32, #tpu.memory_space<hbm>>
        tpu.enqueue_dma source(%dma_start3A_52 : memref<128xi32, #tpu.memory_space<hbm>>) target(%arg11 : memref<128xi32, #tpu.memory_space<vmem>>) target_semaphore(%run_scoped3A_46 : memref<!tpu.dma_semaphore, #tpu.memory_space<semaphore_mem>>)
        %dma_wait3A_53 = arith.constant 0 : i32
        %dma_wait3A_54 = tpu.memref_slice %arg6[%add3A, %add3A_36, %dma_wait3A_53] : memref<32x81x128xi32, #tpu.memory_space<hbm>> -> memref<1x1x128xi32, #tpu.memory_space<hbm>>
        %dma_wait3A_55 = tpu.memref_squeeze %dma_wait3A_54 : memref<1x1x128xi32, #tpu.memory_space<hbm>> -> memref<128xi32, #tpu.memory_space<hbm>>
        %dma_wait3A_56 = arith.constant 0 : i32
        %dma_wait3A_57 = tpu.memref_slice %arg6[%add3A, %add3A_36, %dma_wait3A_56] : memref<32x81x128xi32, #tpu.memory_space<hbm>> -> memref<1x1x128xi32, #tpu.memory_space<hbm>>
        %dma_wait3A_58 = tpu.memref_squeeze %dma_wait3A_57 : memref<1x1x128xi32, #tpu.memory_space<hbm>> -> memref<128xi32, #tpu.memory_space<hbm>>
        tpu.wait_dma2 semaphore(%run_scoped3A_46 : memref<!tpu.dma_semaphore, #tpu.memory_space<semaphore_mem>>) src(%dma_wait3A_58 : memref<128xi32, #tpu.memory_space<hbm>>) dst(%arg11 : memref<128xi32, #tpu.memory_space<vmem>>)
        tpu.yield
      }) : () -> ()
      "tpu.region"() ({
        %run_scoped3A_46 = tpu.sem_alloc : memref<!tpu.dma_semaphore, #tpu.memory_space<semaphore_mem>>
        %dma_start3A_47 = arith.constant 0 : i32
        %dma_start3A_48 = tpu.memref_slice %arg7[%add3A, %add3A_36, %dma_start3A_47] : memref<32x81x128xi32, #tpu.memory_space<hbm>> -> memref<1x1x128xi32, #tpu.memory_space<hbm>>
        %dma_start3A_49 = tpu.memref_squeeze %dma_start3A_48 : memref<1x1x128xi32, #tpu.memory_space<hbm>> -> memref<128xi32, #tpu.memory_space<hbm>>
        %dma_start3A_50 = arith.constant 0 : i32
        %dma_start3A_51 = tpu.memref_slice %arg7[%add3A, %add3A_36, %dma_start3A_50] : memref<32x81x128xi32, #tpu.memory_space<hbm>> -> memref<1x1x128xi32, #tpu.memory_space<hbm>>
        %dma_start3A_52 = tpu.memref_squeeze %dma_start3A_51 : memref<1x1x128xi32, #tpu.memory_space<hbm>> -> memref<128xi32, #tpu.memory_space<hbm>>
        tpu.enqueue_dma source(%dma_start3A_52 : memref<128xi32, #tpu.memory_space<hbm>>) target(%arg12 : memref<128xi32, #tpu.memory_space<vmem>>) target_semaphore(%run_scoped3A_46 : memref<!tpu.dma_semaphore, #tpu.memory_space<semaphore_mem>>)
        %dma_wait3A_53 = arith.constant 0 : i32
        %dma_wait3A_54 = tpu.memref_slice %arg7[%add3A, %add3A_36, %dma_wait3A_53] : memref<32x81x128xi32, #tpu.memory_space<hbm>> -> memref<1x1x128xi32, #tpu.memory_space<hbm>>
        %dma_wait3A_55 = tpu.memref_squeeze %dma_wait3A_54 : memref<1x1x128xi32, #tpu.memory_space<hbm>> -> memref<128xi32, #tpu.memory_space<hbm>>
        %dma_wait3A_56 = arith.constant 0 : i32
        %dma_wait3A_57 = tpu.memref_slice %arg7[%add3A, %add3A_36, %dma_wait3A_56] : memref<32x81x128xi32, #tpu.memory_space<hbm>> -> memref<1x1x128xi32, #tpu.memory_space<hbm>>
        %dma_wait3A_58 = tpu.memref_squeeze %dma_wait3A_57 : memref<1x1x128xi32, #tpu.memory_space<hbm>> -> memref<128xi32, #tpu.memory_space<hbm>>
        tpu.wait_dma2 semaphore(%run_scoped3A_46 : memref<!tpu.dma_semaphore, #tpu.memory_space<semaphore_mem>>) src(%dma_wait3A_58 : memref<128xi32, #tpu.memory_space<hbm>>) dst(%arg12 : memref<128xi32, #tpu.memory_space<vmem>>)
        tpu.yield
      }) : () -> ()
      "tpu.region"() ({
        %run_scoped3A_46 = tpu.sem_alloc : memref<!tpu.dma_semaphore, #tpu.memory_space<semaphore_mem>>
        %dma_start3A_47 = arith.constant 0 : i32
        %dma_start3A_48 = tpu.memref_slice %arg8[%add3A, %add3A_36, %dma_start3A_47] : memref<32x81x128xf32, #tpu.memory_space<hbm>> -> memref<1x1x128xf32, #tpu.memory_space<hbm>>
        %dma_start3A_49 = tpu.memref_squeeze %dma_start3A_48 : memref<1x1x128xf32, #tpu.memory_space<hbm>> -> memref<128xf32, #tpu.memory_space<hbm>>
        %dma_start3A_50 = arith.constant 0 : i32
        %dma_start3A_51 = tpu.memref_slice %arg8[%add3A, %add3A_36, %dma_start3A_50] : memref<32x81x128xf32, #tpu.memory_space<hbm>> -> memref<1x1x128xf32, #tpu.memory_space<hbm>>
        %dma_start3A_52 = tpu.memref_squeeze %dma_start3A_51 : memref<1x1x128xf32, #tpu.memory_space<hbm>> -> memref<128xf32, #tpu.memory_space<hbm>>
        tpu.enqueue_dma source(%dma_start3A_52 : memref<128xf32, #tpu.memory_space<hbm>>) target(%arg13 : memref<128xf32, #tpu.memory_space<vmem>>) target_semaphore(%run_scoped3A_46 : memref<!tpu.dma_semaphore, #tpu.memory_space<semaphore_mem>>)
        %dma_wait3A_53 = arith.constant 0 : i32
        %dma_wait3A_54 = tpu.memref_slice %arg8[%add3A, %add3A_36, %dma_wait3A_53] : memref<32x81x128xf32, #tpu.memory_space<hbm>> -> memref<1x1x128xf32, #tpu.memory_space<hbm>>
        %dma_wait3A_55 = tpu.memref_squeeze %dma_wait3A_54 : memref<1x1x128xf32, #tpu.memory_space<hbm>> -> memref<128xf32, #tpu.memory_space<hbm>>
        %dma_wait3A_56 = arith.constant 0 : i32
        %dma_wait3A_57 = tpu.memref_slice %arg8[%add3A, %add3A_36, %dma_wait3A_56] : memref<32x81x128xf32, #tpu.memory_space<hbm>> -> memref<1x1x128xf32, #tpu.memory_space<hbm>>
        %dma_wait3A_58 = tpu.memref_squeeze %dma_wait3A_57 : memref<1x1x128xf32, #tpu.memory_space<hbm>> -> memref<128xf32, #tpu.memory_space<hbm>>
        tpu.wait_dma2 semaphore(%run_scoped3A_46 : memref<!tpu.dma_semaphore, #tpu.memory_space<semaphore_mem>>) src(%dma_wait3A_58 : memref<128xf32, #tpu.memory_space<hbm>>) dst(%arg13 : memref<128xf32, #tpu.memory_space<vmem>>)
        tpu.yield
      }) : () -> ()
      %dma_start3A = arith.constant 0 : i32
      %dma_start3A_37 = arith.constant 0 : i32
      %dma_start3A_38 = tpu.memref_slice %arg3[%dma_start3A, %dma_start3A_37] : memref<10000x128xf32, #tpu.memory_space<hbm>> -> memref<10000x128xf32, #tpu.memory_space<hbm>>
      tpu.enqueue_indirect_dma source(%dma_start3A_38 : memref<10000x128xf32, #tpu.memory_space<hbm>>) target(%arg14 : memref<128x128xf32, #tpu.memory_space<vmem>>) offsets(%arg11 : memref<128xi32, #tpu.memory_space<vmem>>) semaphore(%arg16 : memref<!tpu.dma_semaphore, #tpu.memory_space<semaphore_mem>>)
      %dma_wait3A = arith.constant 0 : i32
      %dma_wait3A_39 = arith.constant 0 : i32
      %dma_wait3A_40 = tpu.memref_slice %arg3[%dma_wait3A, %dma_wait3A_39] : memref<10000x128xf32, #tpu.memory_space<hbm>> -> memref<10000x128xf32, #tpu.memory_space<hbm>>
      tpu.wait_indirect_dma semaphore(%arg16 : memref<!tpu.dma_semaphore, #tpu.memory_space<semaphore_mem>>) src(%dma_wait3A_40 : memref<10000x128xf32, #tpu.memory_space<hbm>>) dst(%arg14 : memref<128x128xf32, #tpu.memory_space<vmem>>)
      %scan3A_41 = arith.constant 0 : i32
      %scan3A_42 = arith.constant 128 : i32
      %scan3A_43 = arith.addi %scan3A_41, %scan3A_42 : i32
      %scan3A_44 = arith.constant 1 : i32
      scf.for %scan3A_46 = %scan3A_41 to %scan3A_43 step %scan3A_44  : i32 {
        %mul3A_47 = arith.constant 1 : i32
        %mul3A_48 = arith.muli %scan3A_46, %mul3A_47 : i32
        %add3A_49 = arith.constant 0 : i32
        %add3A_50 = arith.addi %add3A_49, %mul3A_48 : i32
        %broadcast_in_dim3A = vector.broadcast %add3A_50 : i32 to vector<16xi32>
        %gather3A = tpu.vector_load_idx %arg13[%broadcast_in_dim3A] : memref<128xf32, #tpu.memory_space<vmem>>[vector<16xi32>], vector<16xf32>,
        %get3A = arith.index_cast %add3A_50 : i32 to index
        %get3A_51 = arith.constant 0 : index
        %get3A_52 = tpu.vector_load %arg14[%get3A, %get3A_51] {strides = array<i32>} : memref<128x128xf32, #tpu.memory_space<vmem>>, vector<16xf32>,
        %mul3A_53 = arith.mulf %get3A_52, %gather3A : vector<16xf32>
        %swap3A = arith.index_cast %add3A_50 : i32 to index
        %swap3A_54 = arith.constant 0 : index
        %swap3A_55 = tpu.vector_load %arg14[%swap3A, %swap3A_54] {strides = array<i32>} : memref<128x128xf32, #tpu.memory_space<vmem>>, vector<16xf32>,
        tpu.vector_store %arg14[%swap3A, %swap3A_54], %mul3A_53 {strides = array<i32>} : memref<128x128xf32, #tpu.memory_space<vmem>>, vector<16xf32>,
        %get3A_56 = arith.index_cast %add3A_50 : i32 to index
        %get3A_57 = arith.constant 16 : index
        %get3A_58 = tpu.vector_load %arg14[%get3A_56, %get3A_57] {strides = array<i32>} : memref<128x128xf32, #tpu.memory_space<vmem>>, vector<16xf32>,
        %mul3A_59 = arith.mulf %get3A_58, %gather3A : vector<16xf32>
        %swap3A_60 = arith.index_cast %add3A_50 : i32 to index
        %swap3A_61 = arith.constant 16 : index
        %swap3A_62 = tpu.vector_load %arg14[%swap3A_60, %swap3A_61] {strides = array<i32>} : memref<128x128xf32, #tpu.memory_space<vmem>>, vector<16xf32>,
        tpu.vector_store %arg14[%swap3A_60, %swap3A_61], %mul3A_59 {strides = array<i32>} : memref<128x128xf32, #tpu.memory_space<vmem>>, vector<16xf32>,
        %get3A_63 = arith.index_cast %add3A_50 : i32 to index
        %get3A_64 = arith.constant 32 : index
        %get3A_65 = tpu.vector_load %arg14[%get3A_63, %get3A_64] {strides = array<i32>} : memref<128x128xf32, #tpu.memory_space<vmem>>, vector<16xf32>,
        %mul3A_66 = arith.mulf %get3A_65, %gather3A : vector<16xf32>
        %swap3A_67 = arith.index_cast %add3A_50 : i32 to index
        %swap3A_68 = arith.constant 32 : index
        %swap3A_69 = tpu.vector_load %arg14[%swap3A_67, %swap3A_68] {strides = array<i32>} : memref<128x128xf32, #tpu.memory_space<vmem>>, vector<16xf32>,
        tpu.vector_store %arg14[%swap3A_67, %swap3A_68], %mul3A_66 {strides = array<i32>} : memref<128x128xf32, #tpu.memory_space<vmem>>, vector<16xf32>,
        %get3A_70 = arith.index_cast %add3A_50 : i32 to index
        %get3A_71 = arith.constant 48 : index
        %get3A_72 = tpu.vector_load %arg14[%get3A_70, %get3A_71] {strides = array<i32>} : memref<128x128xf32, #tpu.memory_space<vmem>>, vector<16xf32>,
        %mul3A_73 = arith.mulf %get3A_72, %gather3A : vector<16xf32>
        %swap3A_74 = arith.index_cast %add3A_50 : i32 to index
        %swap3A_75 = arith.constant 48 : index
        %swap3A_76 = tpu.vector_load %arg14[%swap3A_74, %swap3A_75] {strides = array<i32>} : memref<128x128xf32, #tpu.memory_space<vmem>>, vector<16xf32>,
        tpu.vector_store %arg14[%swap3A_74, %swap3A_75], %mul3A_73 {strides = array<i32>} : memref<128x128xf32, #tpu.memory_space<vmem>>, vector<16xf32>,
        %get3A_77 = arith.index_cast %add3A_50 : i32 to index
        %get3A_78 = arith.constant 64 : index
        %get3A_79 = tpu.vector_load %arg14[%get3A_77, %get3A_78] {strides = array<i32>} : memref<128x128xf32, #tpu.memory_space<vmem>>, vector<16xf32>,
        %mul3A_80 = arith.mulf %get3A_79, %gather3A : vector<16xf32>
        %swap3A_81 = arith.index_cast %add3A_50 : i32 to index
        %swap3A_82 = arith.constant 64 : index
        %swap3A_83 = tpu.vector_load %arg14[%swap3A_81, %swap3A_82] {strides = array<i32>} : memref<128x128xf32, #tpu.memory_space<vmem>>, vector<16xf32>,
        tpu.vector_store %arg14[%swap3A_81, %swap3A_82], %mul3A_80 {strides = array<i32>} : memref<128x128xf32, #tpu.memory_space<vmem>>, vector<16xf32>,
        %get3A_84 = arith.index_cast %add3A_50 : i32 to index
        %get3A_85 = arith.constant 80 : index
        %get3A_86 = tpu.vector_load %arg14[%get3A_84, %get3A_85] {strides = array<i32>} : memref<128x128xf32, #tpu.memory_space<vmem>>, vector<16xf32>,
        %mul3A_87 = arith.mulf %get3A_86, %gather3A : vector<16xf32>
        %swap3A_88 = arith.index_cast %add3A_50 : i32 to index
        %swap3A_89 = arith.constant 80 : index
        %swap3A_90 = tpu.vector_load %arg14[%swap3A_88, %swap3A_89] {strides = array<i32>} : memref<128x128xf32, #tpu.memory_space<vmem>>, vector<16xf32>,
        tpu.vector_store %arg14[%swap3A_88, %swap3A_89], %mul3A_87 {strides = array<i32>} : memref<128x128xf32, #tpu.memory_space<vmem>>, vector<16xf32>,
        %get3A_91 = arith.index_cast %add3A_50 : i32 to index
        %get3A_92 = arith.constant 96 : index
        %get3A_93 = tpu.vector_load %arg14[%get3A_91, %get3A_92] {strides = array<i32>} : memref<128x128xf32, #tpu.memory_space<vmem>>, vector<16xf32>,
        %mul3A_94 = arith.mulf %get3A_93, %gather3A : vector<16xf32>
        %swap3A_95 = arith.index_cast %add3A_50 : i32 to index
        %swap3A_96 = arith.constant 96 : index
        %swap3A_97 = tpu.vector_load %arg14[%swap3A_95, %swap3A_96] {strides = array<i32>} : memref<128x128xf32, #tpu.memory_space<vmem>>, vector<16xf32>,
        tpu.vector_store %arg14[%swap3A_95, %swap3A_96], %mul3A_94 {strides = array<i32>} : memref<128x128xf32, #tpu.memory_space<vmem>>, vector<16xf32>,
        %get3A_98 = arith.index_cast %add3A_50 : i32 to index
        %get3A_99 = arith.constant 112 : index
        %get3A_100 = tpu.vector_load %arg14[%get3A_98, %get3A_99] {strides = array<i32>} : memref<128x128xf32, #tpu.memory_space<vmem>>, vector<16xf32>,
        %mul3A_101 = arith.mulf %get3A_100, %gather3A : vector<16xf32>
        %swap3A_102 = arith.index_cast %add3A_50 : i32 to index
        %swap3A_103 = arith.constant 112 : index
        %swap3A_104 = tpu.vector_load %arg14[%swap3A_102, %swap3A_103] {strides = array<i32>} : memref<128x128xf32, #tpu.memory_space<vmem>>, vector<16xf32>,
        tpu.vector_store %arg14[%swap3A_102, %swap3A_103], %mul3A_101 {strides = array<i32>} : memref<128x128xf32, #tpu.memory_space<vmem>>, vector<16xf32>,
      }
      %scan3A_45 = arith.constant 128 : i32
      "tpu.region"() ({
        %run_scoped3A_46 = tpu.sem_alloc : memref<!tpu.dma_semaphore, #tpu.memory_space<semaphore_mem>>
        %dma_start3A_47 = arith.constant 0 : i32
        %dma_start3A_48 = arith.constant 0 : i32
        %dma_start3A_49 = tpu.memref_slice %arg15[%dma_start3A_47, %dma_start3A_48] : memref<10112x128xf32, #tpu.memory_space<vmem_shared>> -> memref<10112x128xf32, #tpu.memory_space<vmem_shared>>
        tpu.enqueue_indirect_dma source(%arg14 : memref<128x128xf32, #tpu.memory_space<vmem>>) target(%dma_start3A_49 : memref<10112x128xf32, #tpu.memory_space<vmem_shared>>) offsets(%arg12 : memref<128xi32, #tpu.memory_space<vmem>>) semaphore(%run_scoped3A_46 : memref<!tpu.dma_semaphore, #tpu.memory_space<semaphore_mem>>) {add = true}
        %dma_wait3A_50 = arith.constant 0 : i32
        %dma_wait3A_51 = arith.constant 0 : i32
        %dma_wait3A_52 = tpu.memref_slice %arg15[%dma_wait3A_50, %dma_wait3A_51] : memref<10112x128xf32, #tpu.memory_space<vmem_shared>> -> memref<10112x128xf32, #tpu.memory_space<vmem_shared>>
        tpu.wait_indirect_dma semaphore(%run_scoped3A_46 : memref<!tpu.dma_semaphore, #tpu.memory_space<semaphore_mem>>) src(%arg14 : memref<128x128xf32, #tpu.memory_space<vmem>>) dst(%dma_wait3A_52 : memref<10112x128xf32, #tpu.memory_space<vmem_shared>>)
        tpu.yield
      }) : () -> ()
    }
    %scan3A_13 = arith.constant 81 : i32
    %barrier3A_14 = arith.constant 0 : index
    tpu.barrier barrier_id(%barrier3A_14)
    %run_scoped3A_15 = arith.constant 1 : i32
    "tpu.region"() ({
      %run_scoped3A_32 = tpu.sem_alloc : memref<!tpu.dma_semaphore, #tpu.memory_space<semaphore_mem>>
      %dma_start3A = arith.constant 0 : i32
      %dma_start3A_33 = tpu.memref_slice %arg10[%arg0, %run_scoped3A_15, %mul3A_2, %dma_start3A] : memref<2x4x10112x128xf32, #tpu.memory_space<hbm>> -> memref<1x1x632x128xf32, #tpu.memory_space<hbm>>
      %dma_start3A_34 = tpu.memref_squeeze %dma_start3A_33 : memref<1x1x632x128xf32, #tpu.memory_space<hbm>> -> memref<632x128xf32, #tpu.memory_space<hbm>>
      %dma_start3A_35 = arith.constant 0 : i32
      %dma_start3A_36 = tpu.memref_slice %arg15[%mul3A_2, %dma_start3A_35] : memref<10112x128xf32, #tpu.memory_space<vmem_shared>> -> memref<632x128xf32, #tpu.memory_space<vmem_shared>>
      tpu.enqueue_dma source(%dma_start3A_36 : memref<632x128xf32, #tpu.memory_space<vmem_shared>>) target(%dma_start3A_34 : memref<632x128xf32, #tpu.memory_space<hbm>>) target_semaphore(%run_scoped3A_32 : memref<!tpu.dma_semaphore, #tpu.memory_space<semaphore_mem>>)
      %dma_wait3A = arith.constant 0 : i32
      %dma_wait3A_37 = tpu.memref_slice %arg10[%arg0, %run_scoped3A_15, %mul3A_2, %dma_wait3A] : memref<2x4x10112x128xf32, #tpu.memory_space<hbm>> -> memref<1x1x632x128xf32, #tpu.memory_space<hbm>>
      %dma_wait3A_38 = tpu.memref_squeeze %dma_wait3A_37 : memref<1x1x632x128xf32, #tpu.memory_space<hbm>> -> memref<632x128xf32, #tpu.memory_space<hbm>>
      %dma_wait3A_39 = arith.constant 0 : i32
      %dma_wait3A_40 = tpu.memref_slice %arg15[%mul3A_2, %dma_wait3A_39] : memref<10112x128xf32, #tpu.memory_space<vmem_shared>> -> memref<632x128xf32, #tpu.memory_space<vmem_shared>>
      tpu.wait_dma2 semaphore(%run_scoped3A_32 : memref<!tpu.dma_semaphore, #tpu.memory_space<semaphore_mem>>) src(%dma_wait3A_40 : memref<632x128xf32, #tpu.memory_space<vmem_shared>>) dst(%dma_wait3A_38 : memref<632x128xf32, #tpu.memory_space<hbm>>)
      tpu.yield
    }) : () -> ()
    "tpu.region"() ({
      %run_scoped3A_32 = tpu.sem_alloc : memref<!tpu.dma_semaphore, #tpu.memory_space<semaphore_mem>>
      %dma_start3A = arith.constant 0 : i32
      %dma_start3A_33 = tpu.memref_slice %arg15[%mul3A_2, %dma_start3A] : memref<10112x128xf32, #tpu.memory_space<vmem_shared>> -> memref<632x128xf32, #tpu.memory_space<vmem_shared>>
      %dma_start3A_34 = arith.constant 0 : i32
      %dma_start3A_35 = tpu.memref_slice %arg9[%mul3A_2, %dma_start3A_34] : memref<10112x128xf32, #tpu.memory_space<hbm>> -> memref<632x128xf32, #tpu.memory_space<hbm>>
      tpu.enqueue_dma source(%dma_start3A_35 : memref<632x128xf32, #tpu.memory_space<hbm>>) target(%dma_start3A_33 : memref<632x128xf32, #tpu.memory_space<vmem_shared>>) target_semaphore(%run_scoped3A_32 : memref<!tpu.dma_semaphore, #tpu.memory_space<semaphore_mem>>)
      %dma_wait3A = arith.constant 0 : i32
      %dma_wait3A_36 = tpu.memref_slice %arg15[%mul3A_2, %dma_wait3A] : memref<10112x128xf32, #tpu.memory_space<vmem_shared>> -> memref<632x128xf32, #tpu.memory_space<vmem_shared>>
      %dma_wait3A_37 = arith.constant 0 : i32
      %dma_wait3A_38 = tpu.memref_slice %arg9[%mul3A_2, %dma_wait3A_37] : memref<10112x128xf32, #tpu.memory_space<hbm>> -> memref<632x128xf32, #tpu.memory_space<hbm>>
      tpu.wait_dma2 semaphore(%run_scoped3A_32 : memref<!tpu.dma_semaphore, #tpu.memory_space<semaphore_mem>>) src(%dma_wait3A_38 : memref<632x128xf32, #tpu.memory_space<hbm>>) dst(%dma_wait3A_36 : memref<632x128xf32, #tpu.memory_space<vmem_shared>>)
      tpu.yield
    }) : () -> ()
    %barrier3A_16 = arith.constant 0 : index
    tpu.barrier barrier_id(%barrier3A_16)
    %scan3A_17 = arith.constant 0 : i32
    %scan3A_18 = arith.constant 81 : i32
    %scan3A_19 = arith.addi %scan3A_17, %scan3A_18 : i32
    %scan3A_20 = arith.constant 1 : i32
    scf.for %scan3A_32 = %scan3A_17 to %scan3A_19 step %scan3A_20  : i32 {
      %mul3A_33 = arith.constant 1 : i32
      %mul3A_34 = arith.muli %scan3A_32, %mul3A_33 : i32
      %add3A_35 = arith.constant 0 : i32
      %add3A_36 = arith.addi %add3A_35, %mul3A_34 : i32
      "tpu.region"() ({
        %run_scoped3A_46 = tpu.sem_alloc : memref<!tpu.dma_semaphore, #tpu.memory_space<semaphore_mem>>
        %dma_start3A_47 = arith.constant 0 : i32
        %dma_start3A_48 = tpu.memref_slice %arg6[%add3A, %add3A_36, %dma_start3A_47] : memref<32x81x128xi32, #tpu.memory_space<hbm>> -> memref<1x1x128xi32, #tpu.memory_space<hbm>>
        %dma_start3A_49 = tpu.memref_squeeze %dma_start3A_48 : memref<1x1x128xi32, #tpu.memory_space<hbm>> -> memref<128xi32, #tpu.memory_space<hbm>>
        %dma_start3A_50 = arith.constant 0 : i32
        %dma_start3A_51 = tpu.memref_slice %arg6[%add3A, %add3A_36, %dma_start3A_50] : memref<32x81x128xi32, #tpu.memory_space<hbm>> -> memref<1x1x128xi32, #tpu.memory_space<hbm>>
        %dma_start3A_52 = tpu.memref_squeeze %dma_start3A_51 : memref<1x1x128xi32, #tpu.memory_space<hbm>> -> memref<128xi32, #tpu.memory_space<hbm>>
        tpu.enqueue_dma source(%dma_start3A_52 : memref<128xi32, #tpu.memory_space<hbm>>) target(%arg11 : memref<128xi32, #tpu.memory_space<vmem>>) target_semaphore(%run_scoped3A_46 : memref<!tpu.dma_semaphore, #tpu.memory_space<semaphore_mem>>)
        %dma_wait3A_53 = arith.constant 0 : i32
        %dma_wait3A_54 = tpu.memref_slice %arg6[%add3A, %add3A_36, %dma_wait3A_53] : memref<32x81x128xi32, #tpu.memory_space<hbm>> -> memref<1x1x128xi32, #tpu.memory_space<hbm>>
        %dma_wait3A_55 = tpu.memref_squeeze %dma_wait3A_54 : memref<1x1x128xi32, #tpu.memory_space<hbm>> -> memref<128xi32, #tpu.memory_space<hbm>>
        %dma_wait3A_56 = arith.constant 0 : i32
        %dma_wait3A_57 = tpu.memref_slice %arg6[%add3A, %add3A_36, %dma_wait3A_56] : memref<32x81x128xi32, #tpu.memory_space<hbm>> -> memref<1x1x128xi32, #tpu.memory_space<hbm>>
        %dma_wait3A_58 = tpu.memref_squeeze %dma_wait3A_57 : memref<1x1x128xi32, #tpu.memory_space<hbm>> -> memref<128xi32, #tpu.memory_space<hbm>>
        tpu.wait_dma2 semaphore(%run_scoped3A_46 : memref<!tpu.dma_semaphore, #tpu.memory_space<semaphore_mem>>) src(%dma_wait3A_58 : memref<128xi32, #tpu.memory_space<hbm>>) dst(%arg11 : memref<128xi32, #tpu.memory_space<vmem>>)
        tpu.yield
      }) : () -> ()
      "tpu.region"() ({
        %run_scoped3A_46 = tpu.sem_alloc : memref<!tpu.dma_semaphore, #tpu.memory_space<semaphore_mem>>
        %dma_start3A_47 = arith.constant 0 : i32
        %dma_start3A_48 = tpu.memref_slice %arg7[%add3A, %add3A_36, %dma_start3A_47] : memref<32x81x128xi32, #tpu.memory_space<hbm>> -> memref<1x1x128xi32, #tpu.memory_space<hbm>>
        %dma_start3A_49 = tpu.memref_squeeze %dma_start3A_48 : memref<1x1x128xi32, #tpu.memory_space<hbm>> -> memref<128xi32, #tpu.memory_space<hbm>>
        %dma_start3A_50 = arith.constant 0 : i32
        %dma_start3A_51 = tpu.memref_slice %arg7[%add3A, %add3A_36, %dma_start3A_50] : memref<32x81x128xi32, #tpu.memory_space<hbm>> -> memref<1x1x128xi32, #tpu.memory_space<hbm>>
        %dma_start3A_52 = tpu.memref_squeeze %dma_start3A_51 : memref<1x1x128xi32, #tpu.memory_space<hbm>> -> memref<128xi32, #tpu.memory_space<hbm>>
        tpu.enqueue_dma source(%dma_start3A_52 : memref<128xi32, #tpu.memory_space<hbm>>) target(%arg12 : memref<128xi32, #tpu.memory_space<vmem>>) target_semaphore(%run_scoped3A_46 : memref<!tpu.dma_semaphore, #tpu.memory_space<semaphore_mem>>)
        %dma_wait3A_53 = arith.constant 0 : i32
        %dma_wait3A_54 = tpu.memref_slice %arg7[%add3A, %add3A_36, %dma_wait3A_53] : memref<32x81x128xi32, #tpu.memory_space<hbm>> -> memref<1x1x128xi32, #tpu.memory_space<hbm>>
        %dma_wait3A_55 = tpu.memref_squeeze %dma_wait3A_54 : memref<1x1x128xi32, #tpu.memory_space<hbm>> -> memref<128xi32, #tpu.memory_space<hbm>>
        %dma_wait3A_56 = arith.constant 0 : i32
        %dma_wait3A_57 = tpu.memref_slice %arg7[%add3A, %add3A_36, %dma_wait3A_56] : memref<32x81x128xi32, #tpu.memory_space<hbm>> -> memref<1x1x128xi32, #tpu.memory_space<hbm>>
        %dma_wait3A_58 = tpu.memref_squeeze %dma_wait3A_57 : memref<1x1x128xi32, #tpu.memory_space<hbm>> -> memref<128xi32, #tpu.memory_space<hbm>>
        tpu.wait_dma2 semaphore(%run_scoped3A_46 : memref<!tpu.dma_semaphore, #tpu.memory_space<semaphore_mem>>) src(%dma_wait3A_58 : memref<128xi32, #tpu.memory_space<hbm>>) dst(%arg12 : memref<128xi32, #tpu.memory_space<vmem>>)
        tpu.yield
      }) : () -> ()
      "tpu.region"() ({
        %run_scoped3A_46 = tpu.sem_alloc : memref<!tpu.dma_semaphore, #tpu.memory_space<semaphore_mem>>
        %dma_start3A_47 = arith.constant 0 : i32
        %dma_start3A_48 = tpu.memref_slice %arg8[%add3A, %add3A_36, %dma_start3A_47] : memref<32x81x128xf32, #tpu.memory_space<hbm>> -> memref<1x1x128xf32, #tpu.memory_space<hbm>>
        %dma_start3A_49 = tpu.memref_squeeze %dma_start3A_48 : memref<1x1x128xf32, #tpu.memory_space<hbm>> -> memref<128xf32, #tpu.memory_space<hbm>>
        %dma_start3A_50 = arith.constant 0 : i32
        %dma_start3A_51 = tpu.memref_slice %arg8[%add3A, %add3A_36, %dma_start3A_50] : memref<32x81x128xf32, #tpu.memory_space<hbm>> -> memref<1x1x128xf32, #tpu.memory_space<hbm>>
        %dma_start3A_52 = tpu.memref_squeeze %dma_start3A_51 : memref<1x1x128xf32, #tpu.memory_space<hbm>> -> memref<128xf32, #tpu.memory_space<hbm>>
        tpu.enqueue_dma source(%dma_start3A_52 : memref<128xf32, #tpu.memory_space<hbm>>) target(%arg13 : memref<128xf32, #tpu.memory_space<vmem>>) target_semaphore(%run_scoped3A_46 : memref<!tpu.dma_semaphore, #tpu.memory_space<semaphore_mem>>)
        %dma_wait3A_53 = arith.constant 0 : i32
        %dma_wait3A_54 = tpu.memref_slice %arg8[%add3A, %add3A_36, %dma_wait3A_53] : memref<32x81x128xf32, #tpu.memory_space<hbm>> -> memref<1x1x128xf32, #tpu.memory_space<hbm>>
        %dma_wait3A_55 = tpu.memref_squeeze %dma_wait3A_54 : memref<1x1x128xf32, #tpu.memory_space<hbm>> -> memref<128xf32, #tpu.memory_space<hbm>>
        %dma_wait3A_56 = arith.constant 0 : i32
        %dma_wait3A_57 = tpu.memref_slice %arg8[%add3A, %add3A_36, %dma_wait3A_56] : memref<32x81x128xf32, #tpu.memory_space<hbm>> -> memref<1x1x128xf32, #tpu.memory_space<hbm>>
        %dma_wait3A_58 = tpu.memref_squeeze %dma_wait3A_57 : memref<1x1x128xf32, #tpu.memory_space<hbm>> -> memref<128xf32, #tpu.memory_space<hbm>>
        tpu.wait_dma2 semaphore(%run_scoped3A_46 : memref<!tpu.dma_semaphore, #tpu.memory_space<semaphore_mem>>) src(%dma_wait3A_58 : memref<128xf32, #tpu.memory_space<hbm>>) dst(%arg13 : memref<128xf32, #tpu.memory_space<vmem>>)
        tpu.yield
      }) : () -> ()
      %dma_start3A = arith.constant 0 : i32
      %dma_start3A_37 = arith.constant 0 : i32
      %dma_start3A_38 = tpu.memref_slice %arg4[%dma_start3A, %dma_start3A_37] : memref<10000x128xf32, #tpu.memory_space<hbm>> -> memref<10000x128xf32, #tpu.memory_space<hbm>>
      tpu.enqueue_indirect_dma source(%dma_start3A_38 : memref<10000x128xf32, #tpu.memory_space<hbm>>) target(%arg14 : memref<128x128xf32, #tpu.memory_space<vmem>>) offsets(%arg11 : memref<128xi32, #tpu.memory_space<vmem>>) semaphore(%arg16 : memref<!tpu.dma_semaphore, #tpu.memory_space<semaphore_mem>>)
      %dma_wait3A = arith.constant 0 : i32
      %dma_wait3A_39 = arith.constant 0 : i32
      %dma_wait3A_40 = tpu.memref_slice %arg4[%dma_wait3A, %dma_wait3A_39] : memref<10000x128xf32, #tpu.memory_space<hbm>> -> memref<10000x128xf32, #tpu.memory_space<hbm>>
      tpu.wait_indirect_dma semaphore(%arg16 : memref<!tpu.dma_semaphore, #tpu.memory_space<semaphore_mem>>) src(%dma_wait3A_40 : memref<10000x128xf32, #tpu.memory_space<hbm>>) dst(%arg14 : memref<128x128xf32, #tpu.memory_space<vmem>>)
      %scan3A_41 = arith.constant 0 : i32
      %scan3A_42 = arith.constant 128 : i32
      %scan3A_43 = arith.addi %scan3A_41, %scan3A_42 : i32
      %scan3A_44 = arith.constant 1 : i32
      scf.for %scan3A_46 = %scan3A_41 to %scan3A_43 step %scan3A_44  : i32 {
        %mul3A_47 = arith.constant 1 : i32
        %mul3A_48 = arith.muli %scan3A_46, %mul3A_47 : i32
        %add3A_49 = arith.constant 0 : i32
        %add3A_50 = arith.addi %add3A_49, %mul3A_48 : i32
        %broadcast_in_dim3A = vector.broadcast %add3A_50 : i32 to vector<16xi32>
        %gather3A = tpu.vector_load_idx %arg13[%broadcast_in_dim3A] : memref<128xf32, #tpu.memory_space<vmem>>[vector<16xi32>], vector<16xf32>,
        %get3A = arith.index_cast %add3A_50 : i32 to index
        %get3A_51 = arith.constant 0 : index
        %get3A_52 = tpu.vector_load %arg14[%get3A, %get3A_51] {strides = array<i32>} : memref<128x128xf32, #tpu.memory_space<vmem>>, vector<16xf32>,
        %mul3A_53 = arith.mulf %get3A_52, %gather3A : vector<16xf32>
        %swap3A = arith.index_cast %add3A_50 : i32 to index
        %swap3A_54 = arith.constant 0 : index
        %swap3A_55 = tpu.vector_load %arg14[%swap3A, %swap3A_54] {strides = array<i32>} : memref<128x128xf32, #tpu.memory_space<vmem>>, vector<16xf32>,
        tpu.vector_store %arg14[%swap3A, %swap3A_54], %mul3A_53 {strides = array<i32>} : memref<128x128xf32, #tpu.memory_space<vmem>>, vector<16xf32>,
        %get3A_56 = arith.index_cast %add3A_50 : i32 to index
        %get3A_57 = arith.constant 16 : index
        %get3A_58 = tpu.vector_load %arg14[%get3A_56, %get3A_57] {strides = array<i32>} : memref<128x128xf32, #tpu.memory_space<vmem>>, vector<16xf32>,
        %mul3A_59 = arith.mulf %get3A_58, %gather3A : vector<16xf32>
        %swap3A_60 = arith.index_cast %add3A_50 : i32 to index
        %swap3A_61 = arith.constant 16 : index
        %swap3A_62 = tpu.vector_load %arg14[%swap3A_60, %swap3A_61] {strides = array<i32>} : memref<128x128xf32, #tpu.memory_space<vmem>>, vector<16xf32>,
        tpu.vector_store %arg14[%swap3A_60, %swap3A_61], %mul3A_59 {strides = array<i32>} : memref<128x128xf32, #tpu.memory_space<vmem>>, vector<16xf32>,
        %get3A_63 = arith.index_cast %add3A_50 : i32 to index
        %get3A_64 = arith.constant 32 : index
        %get3A_65 = tpu.vector_load %arg14[%get3A_63, %get3A_64] {strides = array<i32>} : memref<128x128xf32, #tpu.memory_space<vmem>>, vector<16xf32>,
        %mul3A_66 = arith.mulf %get3A_65, %gather3A : vector<16xf32>
        %swap3A_67 = arith.index_cast %add3A_50 : i32 to index
        %swap3A_68 = arith.constant 32 : index
        %swap3A_69 = tpu.vector_load %arg14[%swap3A_67, %swap3A_68] {strides = array<i32>} : memref<128x128xf32, #tpu.memory_space<vmem>>, vector<16xf32>,
        tpu.vector_store %arg14[%swap3A_67, %swap3A_68], %mul3A_66 {strides = array<i32>} : memref<128x128xf32, #tpu.memory_space<vmem>>, vector<16xf32>,
        %get3A_70 = arith.index_cast %add3A_50 : i32 to index
        %get3A_71 = arith.constant 48 : index
        %get3A_72 = tpu.vector_load %arg14[%get3A_70, %get3A_71] {strides = array<i32>} : memref<128x128xf32, #tpu.memory_space<vmem>>, vector<16xf32>,
        %mul3A_73 = arith.mulf %get3A_72, %gather3A : vector<16xf32>
        %swap3A_74 = arith.index_cast %add3A_50 : i32 to index
        %swap3A_75 = arith.constant 48 : index
        %swap3A_76 = tpu.vector_load %arg14[%swap3A_74, %swap3A_75] {strides = array<i32>} : memref<128x128xf32, #tpu.memory_space<vmem>>, vector<16xf32>,
        tpu.vector_store %arg14[%swap3A_74, %swap3A_75], %mul3A_73 {strides = array<i32>} : memref<128x128xf32, #tpu.memory_space<vmem>>, vector<16xf32>,
        %get3A_77 = arith.index_cast %add3A_50 : i32 to index
        %get3A_78 = arith.constant 64 : index
        %get3A_79 = tpu.vector_load %arg14[%get3A_77, %get3A_78] {strides = array<i32>} : memref<128x128xf32, #tpu.memory_space<vmem>>, vector<16xf32>,
        %mul3A_80 = arith.mulf %get3A_79, %gather3A : vector<16xf32>
        %swap3A_81 = arith.index_cast %add3A_50 : i32 to index
        %swap3A_82 = arith.constant 64 : index
        %swap3A_83 = tpu.vector_load %arg14[%swap3A_81, %swap3A_82] {strides = array<i32>} : memref<128x128xf32, #tpu.memory_space<vmem>>, vector<16xf32>,
        tpu.vector_store %arg14[%swap3A_81, %swap3A_82], %mul3A_80 {strides = array<i32>} : memref<128x128xf32, #tpu.memory_space<vmem>>, vector<16xf32>,
        %get3A_84 = arith.index_cast %add3A_50 : i32 to index
        %get3A_85 = arith.constant 80 : index
        %get3A_86 = tpu.vector_load %arg14[%get3A_84, %get3A_85] {strides = array<i32>} : memref<128x128xf32, #tpu.memory_space<vmem>>, vector<16xf32>,
        %mul3A_87 = arith.mulf %get3A_86, %gather3A : vector<16xf32>
        %swap3A_88 = arith.index_cast %add3A_50 : i32 to index
        %swap3A_89 = arith.constant 80 : index
        %swap3A_90 = tpu.vector_load %arg14[%swap3A_88, %swap3A_89] {strides = array<i32>} : memref<128x128xf32, #tpu.memory_space<vmem>>, vector<16xf32>,
        tpu.vector_store %arg14[%swap3A_88, %swap3A_89], %mul3A_87 {strides = array<i32>} : memref<128x128xf32, #tpu.memory_space<vmem>>, vector<16xf32>,
        %get3A_91 = arith.index_cast %add3A_50 : i32 to index
        %get3A_92 = arith.constant 96 : index
        %get3A_93 = tpu.vector_load %arg14[%get3A_91, %get3A_92] {strides = array<i32>} : memref<128x128xf32, #tpu.memory_space<vmem>>, vector<16xf32>,
        %mul3A_94 = arith.mulf %get3A_93, %gather3A : vector<16xf32>
        %swap3A_95 = arith.index_cast %add3A_50 : i32 to index
        %swap3A_96 = arith.constant 96 : index
        %swap3A_97 = tpu.vector_load %arg14[%swap3A_95, %swap3A_96] {strides = array<i32>} : memref<128x128xf32, #tpu.memory_space<vmem>>, vector<16xf32>,
        tpu.vector_store %arg14[%swap3A_95, %swap3A_96], %mul3A_94 {strides = array<i32>} : memref<128x128xf32, #tpu.memory_space<vmem>>, vector<16xf32>,
        %get3A_98 = arith.index_cast %add3A_50 : i32 to index
        %get3A_99 = arith.constant 112 : index
        %get3A_100 = tpu.vector_load %arg14[%get3A_98, %get3A_99] {strides = array<i32>} : memref<128x128xf32, #tpu.memory_space<vmem>>, vector<16xf32>,
        %mul3A_101 = arith.mulf %get3A_100, %gather3A : vector<16xf32>
        %swap3A_102 = arith.index_cast %add3A_50 : i32 to index
        %swap3A_103 = arith.constant 112 : index
        %swap3A_104 = tpu.vector_load %arg14[%swap3A_102, %swap3A_103] {strides = array<i32>} : memref<128x128xf32, #tpu.memory_space<vmem>>, vector<16xf32>,
        tpu.vector_store %arg14[%swap3A_102, %swap3A_103], %mul3A_101 {strides = array<i32>} : memref<128x128xf32, #tpu.memory_space<vmem>>, vector<16xf32>,
      }
      %scan3A_45 = arith.constant 128 : i32
      "tpu.region"() ({
        %run_scoped3A_46 = tpu.sem_alloc : memref<!tpu.dma_semaphore, #tpu.memory_space<semaphore_mem>>
        %dma_start3A_47 = arith.constant 0 : i32
        %dma_start3A_48 = arith.constant 0 : i32
        %dma_start3A_49 = tpu.memref_slice %arg15[%dma_start3A_47, %dma_start3A_48] : memref<10112x128xf32, #tpu.memory_space<vmem_shared>> -> memref<10112x128xf32, #tpu.memory_space<vmem_shared>>
        tpu.enqueue_indirect_dma source(%arg14 : memref<128x128xf32, #tpu.memory_space<vmem>>) target(%dma_start3A_49 : memref<10112x128xf32, #tpu.memory_space<vmem_shared>>) offsets(%arg12 : memref<128xi32, #tpu.memory_space<vmem>>) semaphore(%run_scoped3A_46 : memref<!tpu.dma_semaphore, #tpu.memory_space<semaphore_mem>>) {add = true}
        %dma_wait3A_50 = arith.constant 0 : i32
        %dma_wait3A_51 = arith.constant 0 : i32
        %dma_wait3A_52 = tpu.memref_slice %arg15[%dma_wait3A_50, %dma_wait3A_51] : memref<10112x128xf32, #tpu.memory_space<vmem_shared>> -> memref<10112x128xf32, #tpu.memory_space<vmem_shared>>
        tpu.wait_indirect_dma semaphore(%run_scoped3A_46 : memref<!tpu.dma_semaphore, #tpu.memory_space<semaphore_mem>>) src(%arg14 : memref<128x128xf32, #tpu.memory_space<vmem>>) dst(%dma_wait3A_52 : memref<10112x128xf32, #tpu.memory_space<vmem_shared>>)
        tpu.yield
      }) : () -> ()
    }
    %scan3A_21 = arith.constant 81 : i32
    %barrier3A_22 = arith.constant 0 : index
    tpu.barrier barrier_id(%barrier3A_22)
    %run_scoped3A_23 = arith.constant 2 : i32
    "tpu.region"() ({
      %run_scoped3A_32 = tpu.sem_alloc : memref<!tpu.dma_semaphore, #tpu.memory_space<semaphore_mem>>
      %dma_start3A = arith.constant 0 : i32
      %dma_start3A_33 = tpu.memref_slice %arg10[%arg0, %run_scoped3A_23, %mul3A_2, %dma_start3A] : memref<2x4x10112x128xf32, #tpu.memory_space<hbm>> -> memref<1x1x632x128xf32, #tpu.memory_space<hbm>>
      %dma_start3A_34 = tpu.memref_squeeze %dma_start3A_33 : memref<1x1x632x128xf32, #tpu.memory_space<hbm>> -> memref<632x128xf32, #tpu.memory_space<hbm>>
      %dma_start3A_35 = arith.constant 0 : i32
      %dma_start3A_36 = tpu.memref_slice %arg15[%mul3A_2, %dma_start3A_35] : memref<10112x128xf32, #tpu.memory_space<vmem_shared>> -> memref<632x128xf32, #tpu.memory_space<vmem_shared>>
      tpu.enqueue_dma source(%dma_start3A_36 : memref<632x128xf32, #tpu.memory_space<vmem_shared>>) target(%dma_start3A_34 : memref<632x128xf32, #tpu.memory_space<hbm>>) target_semaphore(%run_scoped3A_32 : memref<!tpu.dma_semaphore, #tpu.memory_space<semaphore_mem>>)
      %dma_wait3A = arith.constant 0 : i32
      %dma_wait3A_37 = tpu.memref_slice %arg10[%arg0, %run_scoped3A_23, %mul3A_2, %dma_wait3A] : memref<2x4x10112x128xf32, #tpu.memory_space<hbm>> -> memref<1x1x632x128xf32, #tpu.memory_space<hbm>>
      %dma_wait3A_38 = tpu.memref_squeeze %dma_wait3A_37 : memref<1x1x632x128xf32, #tpu.memory_space<hbm>> -> memref<632x128xf32, #tpu.memory_space<hbm>>
      %dma_wait3A_39 = arith.constant 0 : i32
      %dma_wait3A_40 = tpu.memref_slice %arg15[%mul3A_2, %dma_wait3A_39] : memref<10112x128xf32, #tpu.memory_space<vmem_shared>> -> memref<632x128xf32, #tpu.memory_space<vmem_shared>>
      tpu.wait_dma2 semaphore(%run_scoped3A_32 : memref<!tpu.dma_semaphore, #tpu.memory_space<semaphore_mem>>) src(%dma_wait3A_40 : memref<632x128xf32, #tpu.memory_space<vmem_shared>>) dst(%dma_wait3A_38 : memref<632x128xf32, #tpu.memory_space<hbm>>)
      tpu.yield
    }) : () -> ()
    "tpu.region"() ({
      %run_scoped3A_32 = tpu.sem_alloc : memref<!tpu.dma_semaphore, #tpu.memory_space<semaphore_mem>>
      %dma_start3A = arith.constant 0 : i32
      %dma_start3A_33 = tpu.memref_slice %arg15[%mul3A_2, %dma_start3A] : memref<10112x128xf32, #tpu.memory_space<vmem_shared>> -> memref<632x128xf32, #tpu.memory_space<vmem_shared>>
      %dma_start3A_34 = arith.constant 0 : i32
      %dma_start3A_35 = tpu.memref_slice %arg9[%mul3A_2, %dma_start3A_34] : memref<10112x128xf32, #tpu.memory_space<hbm>> -> memref<632x128xf32, #tpu.memory_space<hbm>>
      tpu.enqueue_dma source(%dma_start3A_35 : memref<632x128xf32, #tpu.memory_space<hbm>>) target(%dma_start3A_33 : memref<632x128xf32, #tpu.memory_space<vmem_shared>>) target_semaphore(%run_scoped3A_32 : memref<!tpu.dma_semaphore, #tpu.memory_space<semaphore_mem>>)
      %dma_wait3A = arith.constant 0 : i32
      %dma_wait3A_36 = tpu.memref_slice %arg15[%mul3A_2, %dma_wait3A] : memref<10112x128xf32, #tpu.memory_space<vmem_shared>> -> memref<632x128xf32, #tpu.memory_space<vmem_shared>>
      %dma_wait3A_37 = arith.constant 0 : i32
      %dma_wait3A_38 = tpu.memref_slice %arg9[%mul3A_2, %dma_wait3A_37] : memref<10112x128xf32, #tpu.memory_space<hbm>> -> memref<632x128xf32, #tpu.memory_space<hbm>>
      tpu.wait_dma2 semaphore(%run_scoped3A_32 : memref<!tpu.dma_semaphore, #tpu.memory_space<semaphore_mem>>) src(%dma_wait3A_38 : memref<632x128xf32, #tpu.memory_space<hbm>>) dst(%dma_wait3A_36 : memref<632x128xf32, #tpu.memory_space<vmem_shared>>)
      tpu.yield
    }) : () -> ()
    %barrier3A_24 = arith.constant 0 : index
    tpu.barrier barrier_id(%barrier3A_24)
    %scan3A_25 = arith.constant 0 : i32
    %scan3A_26 = arith.constant 81 : i32
    %scan3A_27 = arith.addi %scan3A_25, %scan3A_26 : i32
    %scan3A_28 = arith.constant 1 : i32
    scf.for %scan3A_32 = %scan3A_25 to %scan3A_27 step %scan3A_28  : i32 {
      %mul3A_33 = arith.constant 1 : i32
      %mul3A_34 = arith.muli %scan3A_32, %mul3A_33 : i32
      %add3A_35 = arith.constant 0 : i32
      %add3A_36 = arith.addi %add3A_35, %mul3A_34 : i32
      "tpu.region"() ({
        %run_scoped3A_46 = tpu.sem_alloc : memref<!tpu.dma_semaphore, #tpu.memory_space<semaphore_mem>>
        %dma_start3A_47 = arith.constant 0 : i32
        %dma_start3A_48 = tpu.memref_slice %arg6[%add3A, %add3A_36, %dma_start3A_47] : memref<32x81x128xi32, #tpu.memory_space<hbm>> -> memref<1x1x128xi32, #tpu.memory_space<hbm>>
        %dma_start3A_49 = tpu.memref_squeeze %dma_start3A_48 : memref<1x1x128xi32, #tpu.memory_space<hbm>> -> memref<128xi32, #tpu.memory_space<hbm>>
        %dma_start3A_50 = arith.constant 0 : i32
        %dma_start3A_51 = tpu.memref_slice %arg6[%add3A, %add3A_36, %dma_start3A_50] : memref<32x81x128xi32, #tpu.memory_space<hbm>> -> memref<1x1x128xi32, #tpu.memory_space<hbm>>
        %dma_start3A_52 = tpu.memref_squeeze %dma_start3A_51 : memref<1x1x128xi32, #tpu.memory_space<hbm>> -> memref<128xi32, #tpu.memory_space<hbm>>
        tpu.enqueue_dma source(%dma_start3A_52 : memref<128xi32, #tpu.memory_space<hbm>>) target(%arg11 : memref<128xi32, #tpu.memory_space<vmem>>) target_semaphore(%run_scoped3A_46 : memref<!tpu.dma_semaphore, #tpu.memory_space<semaphore_mem>>)
        %dma_wait3A_53 = arith.constant 0 : i32
        %dma_wait3A_54 = tpu.memref_slice %arg6[%add3A, %add3A_36, %dma_wait3A_53] : memref<32x81x128xi32, #tpu.memory_space<hbm>> -> memref<1x1x128xi32, #tpu.memory_space<hbm>>
        %dma_wait3A_55 = tpu.memref_squeeze %dma_wait3A_54 : memref<1x1x128xi32, #tpu.memory_space<hbm>> -> memref<128xi32, #tpu.memory_space<hbm>>
        %dma_wait3A_56 = arith.constant 0 : i32
        %dma_wait3A_57 = tpu.memref_slice %arg6[%add3A, %add3A_36, %dma_wait3A_56] : memref<32x81x128xi32, #tpu.memory_space<hbm>> -> memref<1x1x128xi32, #tpu.memory_space<hbm>>
        %dma_wait3A_58 = tpu.memref_squeeze %dma_wait3A_57 : memref<1x1x128xi32, #tpu.memory_space<hbm>> -> memref<128xi32, #tpu.memory_space<hbm>>
        tpu.wait_dma2 semaphore(%run_scoped3A_46 : memref<!tpu.dma_semaphore, #tpu.memory_space<semaphore_mem>>) src(%dma_wait3A_58 : memref<128xi32, #tpu.memory_space<hbm>>) dst(%arg11 : memref<128xi32, #tpu.memory_space<vmem>>)
        tpu.yield
      }) : () -> ()
      "tpu.region"() ({
        %run_scoped3A_46 = tpu.sem_alloc : memref<!tpu.dma_semaphore, #tpu.memory_space<semaphore_mem>>
        %dma_start3A_47 = arith.constant 0 : i32
        %dma_start3A_48 = tpu.memref_slice %arg7[%add3A, %add3A_36, %dma_start3A_47] : memref<32x81x128xi32, #tpu.memory_space<hbm>> -> memref<1x1x128xi32, #tpu.memory_space<hbm>>
        %dma_start3A_49 = tpu.memref_squeeze %dma_start3A_48 : memref<1x1x128xi32, #tpu.memory_space<hbm>> -> memref<128xi32, #tpu.memory_space<hbm>>
        %dma_start3A_50 = arith.constant 0 : i32
        %dma_start3A_51 = tpu.memref_slice %arg7[%add3A, %add3A_36, %dma_start3A_50] : memref<32x81x128xi32, #tpu.memory_space<hbm>> -> memref<1x1x128xi32, #tpu.memory_space<hbm>>
        %dma_start3A_52 = tpu.memref_squeeze %dma_start3A_51 : memref<1x1x128xi32, #tpu.memory_space<hbm>> -> memref<128xi32, #tpu.memory_space<hbm>>
        tpu.enqueue_dma source(%dma_start3A_52 : memref<128xi32, #tpu.memory_space<hbm>>) target(%arg12 : memref<128xi32, #tpu.memory_space<vmem>>) target_semaphore(%run_scoped3A_46 : memref<!tpu.dma_semaphore, #tpu.memory_space<semaphore_mem>>)
        %dma_wait3A_53 = arith.constant 0 : i32
        %dma_wait3A_54 = tpu.memref_slice %arg7[%add3A, %add3A_36, %dma_wait3A_53] : memref<32x81x128xi32, #tpu.memory_space<hbm>> -> memref<1x1x128xi32, #tpu.memory_space<hbm>>
        %dma_wait3A_55 = tpu.memref_squeeze %dma_wait3A_54 : memref<1x1x128xi32, #tpu.memory_space<hbm>> -> memref<128xi32, #tpu.memory_space<hbm>>
        %dma_wait3A_56 = arith.constant 0 : i32
        %dma_wait3A_57 = tpu.memref_slice %arg7[%add3A, %add3A_36, %dma_wait3A_56] : memref<32x81x128xi32, #tpu.memory_space<hbm>> -> memref<1x1x128xi32, #tpu.memory_space<hbm>>
        %dma_wait3A_58 = tpu.memref_squeeze %dma_wait3A_57 : memref<1x1x128xi32, #tpu.memory_space<hbm>> -> memref<128xi32, #tpu.memory_space<hbm>>
        tpu.wait_dma2 semaphore(%run_scoped3A_46 : memref<!tpu.dma_semaphore, #tpu.memory_space<semaphore_mem>>) src(%dma_wait3A_58 : memref<128xi32, #tpu.memory_space<hbm>>) dst(%arg12 : memref<128xi32, #tpu.memory_space<vmem>>)
        tpu.yield
      }) : () -> ()
      "tpu.region"() ({
        %run_scoped3A_46 = tpu.sem_alloc : memref<!tpu.dma_semaphore, #tpu.memory_space<semaphore_mem>>
        %dma_start3A_47 = arith.constant 0 : i32
        %dma_start3A_48 = tpu.memref_slice %arg8[%add3A, %add3A_36, %dma_start3A_47] : memref<32x81x128xf32, #tpu.memory_space<hbm>> -> memref<1x1x128xf32, #tpu.memory_space<hbm>>
        %dma_start3A_49 = tpu.memref_squeeze %dma_start3A_48 : memref<1x1x128xf32, #tpu.memory_space<hbm>> -> memref<128xf32, #tpu.memory_space<hbm>>
        %dma_start3A_50 = arith.constant 0 : i32
        %dma_start3A_51 = tpu.memref_slice %arg8[%add3A, %add3A_36, %dma_start3A_50] : memref<32x81x128xf32, #tpu.memory_space<hbm>> -> memref<1x1x128xf32, #tpu.memory_space<hbm>>
        %dma_start3A_52 = tpu.memref_squeeze %dma_start3A_51 : memref<1x1x128xf32, #tpu.memory_space<hbm>> -> memref<128xf32, #tpu.memory_space<hbm>>
        tpu.enqueue_dma source(%dma_start3A_52 : memref<128xf32, #tpu.memory_space<hbm>>) target(%arg13 : memref<128xf32, #tpu.memory_space<vmem>>) target_semaphore(%run_scoped3A_46 : memref<!tpu.dma_semaphore, #tpu.memory_space<semaphore_mem>>)
        %dma_wait3A_53 = arith.constant 0 : i32
        %dma_wait3A_54 = tpu.memref_slice %arg8[%add3A, %add3A_36, %dma_wait3A_53] : memref<32x81x128xf32, #tpu.memory_space<hbm>> -> memref<1x1x128xf32, #tpu.memory_space<hbm>>
        %dma_wait3A_55 = tpu.memref_squeeze %dma_wait3A_54 : memref<1x1x128xf32, #tpu.memory_space<hbm>> -> memref<128xf32, #tpu.memory_space<hbm>>
        %dma_wait3A_56 = arith.constant 0 : i32
        %dma_wait3A_57 = tpu.memref_slice %arg8[%add3A, %add3A_36, %dma_wait3A_56] : memref<32x81x128xf32, #tpu.memory_space<hbm>> -> memref<1x1x128xf32, #tpu.memory_space<hbm>>
        %dma_wait3A_58 = tpu.memref_squeeze %dma_wait3A_57 : memref<1x1x128xf32, #tpu.memory_space<hbm>> -> memref<128xf32, #tpu.memory_space<hbm>>
        tpu.wait_dma2 semaphore(%run_scoped3A_46 : memref<!tpu.dma_semaphore, #tpu.memory_space<semaphore_mem>>) src(%dma_wait3A_58 : memref<128xf32, #tpu.memory_space<hbm>>) dst(%arg13 : memref<128xf32, #tpu.memory_space<vmem>>)
        tpu.yield
      }) : () -> ()
      %dma_start3A = arith.constant 0 : i32
      %dma_start3A_37 = arith.constant 0 : i32
      %dma_start3A_38 = tpu.memref_slice %arg5[%dma_start3A, %dma_start3A_37] : memref<10000x128xf32, #tpu.memory_space<hbm>> -> memref<10000x128xf32, #tpu.memory_space<hbm>>
      tpu.enqueue_indirect_dma source(%dma_start3A_38 : memref<10000x128xf32, #tpu.memory_space<hbm>>) target(%arg14 : memref<128x128xf32, #tpu.memory_space<vmem>>) offsets(%arg11 : memref<128xi32, #tpu.memory_space<vmem>>) semaphore(%arg16 : memref<!tpu.dma_semaphore, #tpu.memory_space<semaphore_mem>>)
      %dma_wait3A = arith.constant 0 : i32
      %dma_wait3A_39 = arith.constant 0 : i32
      %dma_wait3A_40 = tpu.memref_slice %arg5[%dma_wait3A, %dma_wait3A_39] : memref<10000x128xf32, #tpu.memory_space<hbm>> -> memref<10000x128xf32, #tpu.memory_space<hbm>>
      tpu.wait_indirect_dma semaphore(%arg16 : memref<!tpu.dma_semaphore, #tpu.memory_space<semaphore_mem>>) src(%dma_wait3A_40 : memref<10000x128xf32, #tpu.memory_space<hbm>>) dst(%arg14 : memref<128x128xf32, #tpu.memory_space<vmem>>)
      %scan3A_41 = arith.constant 0 : i32
      %scan3A_42 = arith.constant 128 : i32
      %scan3A_43 = arith.addi %scan3A_41, %scan3A_42 : i32
      %scan3A_44 = arith.constant 1 : i32
      scf.for %scan3A_46 = %scan3A_41 to %scan3A_43 step %scan3A_44  : i32 {
        %mul3A_47 = arith.constant 1 : i32
        %mul3A_48 = arith.muli %scan3A_46, %mul3A_47 : i32
        %add3A_49 = arith.constant 0 : i32
        %add3A_50 = arith.addi %add3A_49, %mul3A_48 : i32
        %broadcast_in_dim3A = vector.broadcast %add3A_50 : i32 to vector<16xi32>
        %gather3A = tpu.vector_load_idx %arg13[%broadcast_in_dim3A] : memref<128xf32, #tpu.memory_space<vmem>>[vector<16xi32>], vector<16xf32>,
        %get3A = arith.index_cast %add3A_50 : i32 to index
        %get3A_51 = arith.constant 0 : index
        %get3A_52 = tpu.vector_load %arg14[%get3A, %get3A_51] {strides = array<i32>} : memref<128x128xf32, #tpu.memory_space<vmem>>, vector<16xf32>,
        %mul3A_53 = arith.mulf %get3A_52, %gather3A : vector<16xf32>
        %swap3A = arith.index_cast %add3A_50 : i32 to index
        %swap3A_54 = arith.constant 0 : index
        %swap3A_55 = tpu.vector_load %arg14[%swap3A, %swap3A_54] {strides = array<i32>} : memref<128x128xf32, #tpu.memory_space<vmem>>, vector<16xf32>,
        tpu.vector_store %arg14[%swap3A, %swap3A_54], %mul3A_53 {strides = array<i32>} : memref<128x128xf32, #tpu.memory_space<vmem>>, vector<16xf32>,
        %get3A_56 = arith.index_cast %add3A_50 : i32 to index
        %get3A_57 = arith.constant 16 : index
        %get3A_58 = tpu.vector_load %arg14[%get3A_56, %get3A_57] {strides = array<i32>} : memref<128x128xf32, #tpu.memory_space<vmem>>, vector<16xf32>,
        %mul3A_59 = arith.mulf %get3A_58, %gather3A : vector<16xf32>
        %swap3A_60 = arith.index_cast %add3A_50 : i32 to index
        %swap3A_61 = arith.constant 16 : index
        %swap3A_62 = tpu.vector_load %arg14[%swap3A_60, %swap3A_61] {strides = array<i32>} : memref<128x128xf32, #tpu.memory_space<vmem>>, vector<16xf32>,
        tpu.vector_store %arg14[%swap3A_60, %swap3A_61], %mul3A_59 {strides = array<i32>} : memref<128x128xf32, #tpu.memory_space<vmem>>, vector<16xf32>,
        %get3A_63 = arith.index_cast %add3A_50 : i32 to index
        %get3A_64 = arith.constant 32 : index
        %get3A_65 = tpu.vector_load %arg14[%get3A_63, %get3A_64] {strides = array<i32>} : memref<128x128xf32, #tpu.memory_space<vmem>>, vector<16xf32>,
        %mul3A_66 = arith.mulf %get3A_65, %gather3A : vector<16xf32>
        %swap3A_67 = arith.index_cast %add3A_50 : i32 to index
        %swap3A_68 = arith.constant 32 : index
        %swap3A_69 = tpu.vector_load %arg14[%swap3A_67, %swap3A_68] {strides = array<i32>} : memref<128x128xf32, #tpu.memory_space<vmem>>, vector<16xf32>,
        tpu.vector_store %arg14[%swap3A_67, %swap3A_68], %mul3A_66 {strides = array<i32>} : memref<128x128xf32, #tpu.memory_space<vmem>>, vector<16xf32>,
        %get3A_70 = arith.index_cast %add3A_50 : i32 to index
        %get3A_71 = arith.constant 48 : index
        %get3A_72 = tpu.vector_load %arg14[%get3A_70, %get3A_71] {strides = array<i32>} : memref<128x128xf32, #tpu.memory_space<vmem>>, vector<16xf32>,
        %mul3A_73 = arith.mulf %get3A_72, %gather3A : vector<16xf32>
        %swap3A_74 = arith.index_cast %add3A_50 : i32 to index
        %swap3A_75 = arith.constant 48 : index
        %swap3A_76 = tpu.vector_load %arg14[%swap3A_74, %swap3A_75] {strides = array<i32>} : memref<128x128xf32, #tpu.memory_space<vmem>>, vector<16xf32>,
        tpu.vector_store %arg14[%swap3A_74, %swap3A_75], %mul3A_73 {strides = array<i32>} : memref<128x128xf32, #tpu.memory_space<vmem>>, vector<16xf32>,
        %get3A_77 = arith.index_cast %add3A_50 : i32 to index
        %get3A_78 = arith.constant 64 : index
        %get3A_79 = tpu.vector_load %arg14[%get3A_77, %get3A_78] {strides = array<i32>} : memref<128x128xf32, #tpu.memory_space<vmem>>, vector<16xf32>,
        %mul3A_80 = arith.mulf %get3A_79, %gather3A : vector<16xf32>
        %swap3A_81 = arith.index_cast %add3A_50 : i32 to index
        %swap3A_82 = arith.constant 64 : index
        %swap3A_83 = tpu.vector_load %arg14[%swap3A_81, %swap3A_82] {strides = array<i32>} : memref<128x128xf32, #tpu.memory_space<vmem>>, vector<16xf32>,
        tpu.vector_store %arg14[%swap3A_81, %swap3A_82], %mul3A_80 {strides = array<i32>} : memref<128x128xf32, #tpu.memory_space<vmem>>, vector<16xf32>,
        %get3A_84 = arith.index_cast %add3A_50 : i32 to index
        %get3A_85 = arith.constant 80 : index
        %get3A_86 = tpu.vector_load %arg14[%get3A_84, %get3A_85] {strides = array<i32>} : memref<128x128xf32, #tpu.memory_space<vmem>>, vector<16xf32>,
        %mul3A_87 = arith.mulf %get3A_86, %gather3A : vector<16xf32>
        %swap3A_88 = arith.index_cast %add3A_50 : i32 to index
        %swap3A_89 = arith.constant 80 : index
        %swap3A_90 = tpu.vector_load %arg14[%swap3A_88, %swap3A_89] {strides = array<i32>} : memref<128x128xf32, #tpu.memory_space<vmem>>, vector<16xf32>,
        tpu.vector_store %arg14[%swap3A_88, %swap3A_89], %mul3A_87 {strides = array<i32>} : memref<128x128xf32, #tpu.memory_space<vmem>>, vector<16xf32>,
        %get3A_91 = arith.index_cast %add3A_50 : i32 to index
        %get3A_92 = arith.constant 96 : index
        %get3A_93 = tpu.vector_load %arg14[%get3A_91, %get3A_92] {strides = array<i32>} : memref<128x128xf32, #tpu.memory_space<vmem>>, vector<16xf32>,
        %mul3A_94 = arith.mulf %get3A_93, %gather3A : vector<16xf32>
        %swap3A_95 = arith.index_cast %add3A_50 : i32 to index
        %swap3A_96 = arith.constant 96 : index
        %swap3A_97 = tpu.vector_load %arg14[%swap3A_95, %swap3A_96] {strides = array<i32>} : memref<128x128xf32, #tpu.memory_space<vmem>>, vector<16xf32>,
        tpu.vector_store %arg14[%swap3A_95, %swap3A_96], %mul3A_94 {strides = array<i32>} : memref<128x128xf32, #tpu.memory_space<vmem>>, vector<16xf32>,
        %get3A_98 = arith.index_cast %add3A_50 : i32 to index
        %get3A_99 = arith.constant 112 : index
        %get3A_100 = tpu.vector_load %arg14[%get3A_98, %get3A_99] {strides = array<i32>} : memref<128x128xf32, #tpu.memory_space<vmem>>, vector<16xf32>,
        %mul3A_101 = arith.mulf %get3A_100, %gather3A : vector<16xf32>
        %swap3A_102 = arith.index_cast %add3A_50 : i32 to index
        %swap3A_103 = arith.constant 112 : index
        %swap3A_104 = tpu.vector_load %arg14[%swap3A_102, %swap3A_103] {strides = array<i32>} : memref<128x128xf32, #tpu.memory_space<vmem>>, vector<16xf32>,
        tpu.vector_store %arg14[%swap3A_102, %swap3A_103], %mul3A_101 {strides = array<i32>} : memref<128x128xf32, #tpu.memory_space<vmem>>, vector<16xf32>,
      }
      %scan3A_45 = arith.constant 128 : i32
      "tpu.region"() ({
        %run_scoped3A_46 = tpu.sem_alloc : memref<!tpu.dma_semaphore, #tpu.memory_space<semaphore_mem>>
        %dma_start3A_47 = arith.constant 0 : i32
        %dma_start3A_48 = arith.constant 0 : i32
        %dma_start3A_49 = tpu.memref_slice %arg15[%dma_start3A_47, %dma_start3A_48] : memref<10112x128xf32, #tpu.memory_space<vmem_shared>> -> memref<10112x128xf32, #tpu.memory_space<vmem_shared>>
        tpu.enqueue_indirect_dma source(%arg14 : memref<128x128xf32, #tpu.memory_space<vmem>>) target(%dma_start3A_49 : memref<10112x128xf32, #tpu.memory_space<vmem_shared>>) offsets(%arg12 : memref<128xi32, #tpu.memory_space<vmem>>) semaphore(%run_scoped3A_46 : memref<!tpu.dma_semaphore, #tpu.memory_space<semaphore_mem>>) {add = true}
        %dma_wait3A_50 = arith.constant 0 : i32
        %dma_wait3A_51 = arith.constant 0 : i32
        %dma_wait3A_52 = tpu.memref_slice %arg15[%dma_wait3A_50, %dma_wait3A_51] : memref<10112x128xf32, #tpu.memory_space<vmem_shared>> -> memref<10112x128xf32, #tpu.memory_space<vmem_shared>>
        tpu.wait_indirect_dma semaphore(%run_scoped3A_46 : memref<!tpu.dma_semaphore, #tpu.memory_space<semaphore_mem>>) src(%arg14 : memref<128x128xf32, #tpu.memory_space<vmem>>) dst(%dma_wait3A_52 : memref<10112x128xf32, #tpu.memory_space<vmem_shared>>)
        tpu.yield
      }) : () -> ()
    }
    %scan3A_29 = arith.constant 81 : i32
    %barrier3A_30 = arith.constant 0 : index
    tpu.barrier barrier_id(%barrier3A_30)
    %run_scoped3A_31 = arith.constant 3 : i32
    "tpu.region"() ({
      %run_scoped3A_32 = tpu.sem_alloc : memref<!tpu.dma_semaphore, #tpu.memory_space<semaphore_mem>>
      %dma_start3A = arith.constant 0 : i32
      %dma_start3A_33 = tpu.memref_slice %arg10[%arg0, %run_scoped3A_31, %mul3A_2, %dma_start3A] : memref<2x4x10112x128xf32, #tpu.memory_space<hbm>> -> memref<1x1x632x128xf32, #tpu.memory_space<hbm>>
      %dma_start3A_34 = tpu.memref_squeeze %dma_start3A_33 : memref<1x1x632x128xf32, #tpu.memory_space<hbm>> -> memref<632x128xf32, #tpu.memory_space<hbm>>
      %dma_start3A_35 = arith.constant 0 : i32
      %dma_start3A_36 = tpu.memref_slice %arg15[%mul3A_2, %dma_start3A_35] : memref<10112x128xf32, #tpu.memory_space<vmem_shared>> -> memref<632x128xf32, #tpu.memory_space<vmem_shared>>
      tpu.enqueue_dma source(%dma_start3A_36 : memref<632x128xf32, #tpu.memory_space<vmem_shared>>) target(%dma_start3A_34 : memref<632x128xf32, #tpu.memory_space<hbm>>) target_semaphore(%run_scoped3A_32 : memref<!tpu.dma_semaphore, #tpu.memory_space<semaphore_mem>>)
      %dma_wait3A = arith.constant 0 : i32
      %dma_wait3A_37 = tpu.memref_slice %arg10[%arg0, %run_scoped3A_31, %mul3A_2, %dma_wait3A] : memref<2x4x10112x128xf32, #tpu.memory_space<hbm>> -> memref<1x1x632x128xf32, #tpu.memory_space<hbm>>
      %dma_wait3A_38 = tpu.memref_squeeze %dma_wait3A_37 : memref<1x1x632x128xf32, #tpu.memory_space<hbm>> -> memref<632x128xf32, #tpu.memory_space<hbm>>
      %dma_wait3A_39 = arith.constant 0 : i32
      %dma_wait3A_40 = tpu.memref_slice %arg15[%mul3A_2, %dma_wait3A_39] : memref<10112x128xf32, #tpu.memory_space<vmem_shared>> -> memref<632x128xf32, #tpu.memory_space<vmem_shared>>
      tpu.wait_dma2 semaphore(%run_scoped3A_32 : memref<!tpu.dma_semaphore, #tpu.memory_space<semaphore_mem>>) src(%dma_wait3A_40 : memref<632x128xf32, #tpu.memory_space<vmem_shared>>) dst(%dma_wait3A_38 : memref<632x128xf32, #tpu.memory_space<hbm>>)
      tpu.yield
    }) : () -> ()
    return
  }
}

module attributes {stable_mosaic.version = 14 : i64} {
  func.func @body(%arg0: i32, %arg1: memref<1000x128xf32, #tpu.memory_space<vmem>>, %arg2: memref<128x512xf32, #tpu.memory_space<vmem>>, %arg3: memref<1x512xf32, #tpu.memory_space<vmem>>, %arg4: memref<1x512xf32, #tpu.memory_space<vmem>>, %arg5: memref<1000x512xf32, #tpu.memory_space<vmem>>, %arg6: memref<1000x1xf32, #tpu.memory_space<vmem>>, %arg7: memref<1000x1xf32, #tpu.memory_space<vmem>>) attributes {dimension_semantics = [#tpu.dimension_semantics<arbitrary>], iteration_bounds = array<i64: 10>, scalar_prefetch = 0 : i64, scratch_operands = 0 : i64, tpu.core_type = #tpu.core_type<tc>, window_params = [{transform_indices = @transform_0, window_bounds = array<i64: 1000, 128>}, {pipeline_mode = #tpu.pipeline_mode<synchronous>, transform_indices = @transform_1, window_bounds = array<i64: 128, 512>}, {pipeline_mode = #tpu.pipeline_mode<synchronous>, transform_indices = @transform_2, window_bounds = array<i64: 1, 512>}, {pipeline_mode = #tpu.pipeline_mode<synchronous>, transform_indices = @transform_3, window_bounds = array<i64: 1, 512>}, {transform_indices = @transform_4, window_bounds = array<i64: 1000, 512>}, {transform_indices = @transform_5, window_bounds = array<i64: 1000, 1>}, {transform_indices = @transform_6, window_bounds = array<i64: 1000, 1>}]} {
    %get3A = arith.constant 0 : index
    %get3A_0 = arith.constant 0 : index
    %get3A_1 = vector.load %arg1[%get3A, %get3A_0] : memref<1000x128xf32, #tpu.memory_space<vmem>>, vector<1000x128xf32>
    %get3A_2 = arith.constant 0 : index
    %get3A_3 = arith.constant 0 : index
    %get3A_4 = vector.load %arg2[%get3A_2, %get3A_3] : memref<128x512xf32, #tpu.memory_space<vmem>>, vector<128x512xf32>
    %dot_general3A = arith.constant dense<0.000000e+00> : vector<1000x512xf32>
    %dot_general3A_5 = tpu.matmul %get3A_1, %get3A_4, %dot_general3A {dimension_numbers = #tpu.dot_dimension_numbers<[1], [0], [0], [1], [0, 0, 1, 1], [], []>, transpose_lhs_hint = false} : vector<1000x128xf32>, vector<128x512xf32>, vector<1000x512xf32> -> vector<1000x512xf32>
    %swap3A = arith.constant 0 : index
    %swap3A_6 = arith.constant 0 : index
    %swap3A_7 = vector.load %arg5[%swap3A, %swap3A_6] : memref<1000x512xf32, #tpu.memory_space<vmem>>, vector<1000x512xf32>
    tpu.vector_store %arg5[%swap3A, %swap3A_6], %dot_general3A_5 {strides = array<i32>} : memref<1000x512xf32, #tpu.memory_space<vmem>>, vector<1000x512xf32>,
    %get3A_8 = arith.constant 0 : index
    %get3A_9 = arith.constant 0 : index
    %get3A_10 = vector.load %arg3[%get3A_8, %get3A_9] : memref<1x512xf32, #tpu.memory_space<vmem>>, vector<1x512xf32>
    %mul3A = vector.broadcast %get3A_10 : vector<1x512xf32> to vector<1000x512xf32>
    %mul3A_11 = arith.mulf %dot_general3A_5, %mul3A : vector<1000x512xf32>
    %reduce_sum3A = arith.constant dense<0.000000e+00> : vector<1000xf32>
    %reduce_sum3A_12 = vector.multi_reduction <add>, %mul3A_11, %reduce_sum3A [1] : vector<1000x512xf32> to vector<1000xf32>
    %broadcast_in_dim3A = vector.shape_cast %reduce_sum3A_12 : vector<1000xf32> to vector<1000x1xf32>
    %swap3A_13 = arith.constant 0 : index
    %swap3A_14 = arith.constant 0 : index
    %swap3A_15 = vector.load %arg6[%swap3A_13, %swap3A_14] : memref<1000x1xf32, #tpu.memory_space<vmem>>, vector<1000x1xf32>
    tpu.vector_store %arg6[%swap3A_13, %swap3A_14], %broadcast_in_dim3A {strides = array<i32>} : memref<1000x1xf32, #tpu.memory_space<vmem>>, vector<1000x1xf32>,
    %get3A_16 = arith.constant 0 : index
    %get3A_17 = arith.constant 0 : index
    %get3A_18 = vector.load %arg4[%get3A_16, %get3A_17] : memref<1x512xf32, #tpu.memory_space<vmem>>, vector<1x512xf32>
    %mul3A_19 = vector.broadcast %get3A_18 : vector<1x512xf32> to vector<1000x512xf32>
    %mul3A_20 = arith.mulf %dot_general3A_5, %mul3A_19 : vector<1000x512xf32>
    %reduce_sum3A_21 = arith.constant dense<0.000000e+00> : vector<1000xf32>
    %reduce_sum3A_22 = vector.multi_reduction <add>, %mul3A_20, %reduce_sum3A_21 [1] : vector<1000x512xf32> to vector<1000xf32>
    %broadcast_in_dim3A_23 = vector.shape_cast %reduce_sum3A_22 : vector<1000xf32> to vector<1000x1xf32>
    %swap3A_24 = arith.constant 0 : index
    %swap3A_25 = arith.constant 0 : index
    %swap3A_26 = vector.load %arg7[%swap3A_24, %swap3A_25] : memref<1000x1xf32, #tpu.memory_space<vmem>>, vector<1000x1xf32>
    tpu.vector_store %arg7[%swap3A_24, %swap3A_25], %broadcast_in_dim3A_23 {strides = array<i32>} : memref<1000x1xf32, #tpu.memory_space<vmem>>, vector<1000x1xf32>,
    return
  }
  func.func @transform_0(%arg0: i32) -> (i32, i32) {
    %c0_i32 = arith.constant 0 : i32
    %c0_i32_0 = arith.constant 0 : i32
    return %arg0, %c0_i32 : i32, i32
  }
  func.func @transform_1(%arg0: i32) -> (i32, i32) {
    %c0_i32 = arith.constant 0 : i32
    %c0_i32_0 = arith.constant 0 : i32
    %c0_i32_1 = arith.constant 0 : i32
    return %c0_i32, %c0_i32_0 : i32, i32
  }
  func.func @transform_2(%arg0: i32) -> (i32, i32) {
    %c0_i32 = arith.constant 0 : i32
    %c0_i32_0 = arith.constant 0 : i32
    %c0_i32_1 = arith.constant 0 : i32
    return %c0_i32, %c0_i32_0 : i32, i32
  }
  func.func @transform_3(%arg0: i32) -> (i32, i32) {
    %c0_i32 = arith.constant 0 : i32
    %c0_i32_0 = arith.constant 0 : i32
    %c0_i32_1 = arith.constant 0 : i32
    return %c0_i32, %c0_i32_0 : i32, i32
  }
  func.func @transform_4(%arg0: i32) -> (i32, i32) {
    %c0_i32 = arith.constant 0 : i32
    %c0_i32_0 = arith.constant 0 : i32
    return %arg0, %c0_i32 : i32, i32
  }
  func.func @transform_5(%arg0: i32) -> (i32, i32) {
    %c0_i32 = arith.constant 0 : i32
    %c0_i32_0 = arith.constant 0 : i32
    return %arg0, %c0_i32 : i32, i32
  }
  func.func @transform_6(%arg0: i32) -> (i32, i32) {
    %c0_i32 = arith.constant 0 : i32
    %c0_i32_0 = arith.constant 0 : i32
    return %arg0, %c0_i32 : i32, i32
  }
}

module attributes {stable_mosaic.version = 14 : i64} {
  func.func @body(%arg0: i32, %arg1: memref<2x4x1000x128xf32, #tpu.memory_space<vmem>>, %arg2: memref<2x1000x16xf32, #tpu.memory_space<vmem>>, %arg3: memref<1x512xf32, #tpu.memory_space<vmem>>, %arg4: memref<1000x512xf32, #tpu.memory_space<vmem>>, %arg5: memref<2x512xf32, #tpu.memory_space<vmem>>) attributes {dimension_semantics = [#tpu.dimension_semantics<arbitrary>], iteration_bounds = array<i64: 10>, scalar_prefetch = 0 : i64, scratch_operands = 0 : i64, tpu.core_type = #tpu.core_type<tc>, window_params = [{transform_indices = @transform_0, window_bounds = array<i64: 2, 4, 1000, 128>}, {transform_indices = @transform_1, window_bounds = array<i64: 2, 1000, 16>}, {pipeline_mode = #tpu.pipeline_mode<synchronous>, transform_indices = @transform_2, window_bounds = array<i64: 1, 512>}, {transform_indices = @transform_3, window_bounds = array<i64: 1000, 512>}, {pipeline_mode = #tpu.pipeline_mode<synchronous>, transform_indices = @transform_4, window_bounds = array<i64: 2, 512>}]} {
    %get3A = arith.constant 0 : index
    %get3A_0 = arith.constant 0 : index
    %get3A_1 = arith.constant 0 : index
    %get3A_2 = arith.constant 0 : index
    %get3A_3 = vector.load %arg1[%get3A, %get3A_0, %get3A_1, %get3A_2] : memref<2x4x1000x128xf32, #tpu.memory_space<vmem>>, vector<2x4x1000x128xf32>
    %slice3A = vector.extract_strided_slice %get3A_3 {offsets = [0, 0, 0, 0], sizes = [1, 4, 1000, 128], strides = [1, 1, 1, 1]} : vector<2x4x1000x128xf32> to vector<1x4x1000x128xf32>
    %squeeze3A = vector.shape_cast %slice3A : vector<1x4x1000x128xf32> to vector<4x1000x128xf32>
    %slice3A_4 = vector.extract_strided_slice %get3A_3 {offsets = [1, 0, 0, 0], sizes = [1, 4, 1000, 128], strides = [1, 1, 1, 1]} : vector<2x4x1000x128xf32> to vector<1x4x1000x128xf32>
    %squeeze3A_5 = vector.shape_cast %slice3A_4 : vector<1x4x1000x128xf32> to vector<4x1000x128xf32>
    %add3A = arith.addf %squeeze3A, %squeeze3A_5 : vector<4x1000x128xf32>
    %slice3A_6 = vector.extract_strided_slice %add3A {offsets = [0, 0, 0], sizes = [1, 1000, 128], strides = [1, 1, 1]} : vector<4x1000x128xf32> to vector<1x1000x128xf32>
    %squeeze3A_7 = vector.shape_cast %slice3A_6 : vector<1x1000x128xf32> to vector<1000x128xf32>
    %slice3A_8 = vector.extract_strided_slice %add3A {offsets = [1, 0, 0], sizes = [1, 1000, 128], strides = [1, 1, 1]} : vector<4x1000x128xf32> to vector<1x1000x128xf32>
    %squeeze3A_9 = vector.shape_cast %slice3A_8 : vector<1x1000x128xf32> to vector<1000x128xf32>
    %slice3A_10 = vector.extract_strided_slice %add3A {offsets = [2, 0, 0], sizes = [1, 1000, 128], strides = [1, 1, 1]} : vector<4x1000x128xf32> to vector<1x1000x128xf32>
    %squeeze3A_11 = vector.shape_cast %slice3A_10 : vector<1x1000x128xf32> to vector<1000x128xf32>
    %slice3A_12 = vector.extract_strided_slice %add3A {offsets = [3, 0, 0], sizes = [1, 1000, 128], strides = [1, 1, 1]} : vector<4x1000x128xf32> to vector<1x1000x128xf32>
    %squeeze3A_13 = vector.shape_cast %slice3A_12 : vector<1x1000x128xf32> to vector<1000x128xf32>
    %concatenate3A = tpu.concatenate %squeeze3A_7, %squeeze3A_9, %squeeze3A_11, %squeeze3A_13 in 1 : vector<1000x128xf32>, vector<1000x128xf32>, vector<1000x128xf32>, vector<1000x128xf32> -> vector<1000x512xf32>
    %get3A_14 = arith.constant 0 : index
    %get3A_15 = arith.constant 0 : index
    %get3A_16 = arith.constant 0 : index
    %get3A_17 = vector.load %arg2[%get3A_14, %get3A_15, %get3A_16] : memref<2x1000x16xf32, #tpu.memory_space<vmem>>, vector<1x1000x1xf32>
    %get3A_18 = vector.shape_cast %get3A_17 : vector<1x1000x1xf32> to vector<1000xf32>
    %get3A_19 = arith.constant 1 : index
    %get3A_20 = arith.constant 0 : index
    %get3A_21 = arith.constant 0 : index
    %get3A_22 = vector.load %arg2[%get3A_19, %get3A_20, %get3A_21] : memref<2x1000x16xf32, #tpu.memory_space<vmem>>, vector<1x1000x1xf32>
    %get3A_23 = vector.shape_cast %get3A_22 : vector<1x1000x1xf32> to vector<1000xf32>
    %add3A_24 = arith.addf %get3A_18, %get3A_23 : vector<1000xf32>
    %broadcast_in_dim3A = vector.shape_cast %add3A_24 : vector<1000xf32> to vector<1000x1xf32>
    %add3A_25 = arith.constant 1.000000e-16 : f32
    %add3A_26 = vector.broadcast %add3A_25 : f32 to vector<1000x1xf32>
    %add3A_27 = arith.addf %broadcast_in_dim3A, %add3A_26 : vector<1000x1xf32>
    %div3A = vector.broadcast %add3A_27 : vector<1000x1xf32> to vector<1000x512xf32>
    %div3A_28 = arith.divf %concatenate3A, %div3A : vector<1000x512xf32>
    %get3A_29 = arith.constant 0 : index
    %get3A_30 = arith.constant 0 : index
    %get3A_31 = vector.load %arg3[%get3A_29, %get3A_30] : memref<1x512xf32, #tpu.memory_space<vmem>>, vector<1x512xf32>
    %add3A_32 = vector.broadcast %get3A_31 : vector<1x512xf32> to vector<1000x512xf32>
    %add3A_33 = arith.addf %div3A_28, %add3A_32 : vector<1000x512xf32>
    %swap3A = arith.constant 0 : index
    %swap3A_34 = arith.constant 0 : index
    %swap3A_35 = vector.load %arg4[%swap3A, %swap3A_34] : memref<1000x512xf32, #tpu.memory_space<vmem>>, vector<1000x512xf32>
    tpu.vector_store %arg4[%swap3A, %swap3A_34], %add3A_33 {strides = array<i32>} : memref<1000x512xf32, #tpu.memory_space<vmem>>, vector<1000x512xf32>,
    %reduce_sum3A = arith.constant dense<0.000000e+00> : vector<512xf32>
    %reduce_sum3A_36 = vector.multi_reduction <add>, %add3A_33, %reduce_sum3A [0] : vector<1000x512xf32> to vector<512xf32>
    %broadcast_in_dim3A_37 = vector.shape_cast %reduce_sum3A_36 : vector<512xf32> to vector<1x512xf32>
    %mul3A = arith.mulf %add3A_33, %add3A_33 : vector<1000x512xf32>
    %reduce_sum3A_38 = arith.constant dense<0.000000e+00> : vector<512xf32>
    %reduce_sum3A_39 = vector.multi_reduction <add>, %mul3A, %reduce_sum3A_38 [0] : vector<1000x512xf32> to vector<512xf32>
    %broadcast_in_dim3A_40 = vector.shape_cast %reduce_sum3A_39 : vector<512xf32> to vector<1x512xf32>
    %concatenate3A_41 = tpu.concatenate %broadcast_in_dim3A_37, %broadcast_in_dim3A_40 in 0 : vector<1x512xf32>, vector<1x512xf32> -> vector<2x512xf32>
    %eq3A = arith.constant 0 : i32
    %eq3A_42 = arith.cmpi eq, %arg0, %eq3A : i32
    %convert_element_type3A = arith.extui %eq3A_42 : i1 to i32
    %cond3A = arith.constant 0 : i32
    %cond3A_43 = arith.cmpi ne, %convert_element_type3A, %cond3A : i32
    scf.if %cond3A_43 {
      %swap3A_48 = arith.constant 0 : index
      %swap3A_49 = arith.constant 0 : index
      %swap3A_50 = vector.load %arg5[%swap3A_48, %swap3A_49] : memref<2x512xf32, #tpu.memory_space<vmem>>, vector<2x512xf32>
      tpu.vector_store %arg5[%swap3A_48, %swap3A_49], %concatenate3A_41 {strides = array<i32>} : memref<2x512xf32, #tpu.memory_space<vmem>>, vector<2x512xf32>,
    } else {
    }
    %ne3A = arith.constant 0 : i32
    %ne3A_44 = arith.cmpi ne, %arg0, %ne3A : i32
    %convert_element_type3A_45 = arith.extui %ne3A_44 : i1 to i32
    %cond3A_46 = arith.constant 0 : i32
    %cond3A_47 = arith.cmpi ne, %convert_element_type3A_45, %cond3A_46 : i32
    scf.if %cond3A_47 {
      %get3A_48 = arith.constant 0 : index
      %get3A_49 = arith.constant 0 : index
      %get3A_50 = vector.load %arg5[%get3A_48, %get3A_49] : memref<2x512xf32, #tpu.memory_space<vmem>>, vector<2x512xf32>
      %add3A_51 = arith.addf %get3A_50, %concatenate3A_41 : vector<2x512xf32>
      %swap3A_52 = arith.constant 0 : index
      %swap3A_53 = arith.constant 0 : index
      %swap3A_54 = vector.load %arg5[%swap3A_52, %swap3A_53] : memref<2x512xf32, #tpu.memory_space<vmem>>, vector<2x512xf32>
      tpu.vector_store %arg5[%swap3A_52, %swap3A_53], %add3A_51 {strides = array<i32>} : memref<2x512xf32, #tpu.memory_space<vmem>>, vector<2x512xf32>,
    } else {
    }
    return
  }
  func.func @transform_0(%arg0: i32) -> (i32, i32, i32, i32) {
    %c0_i32 = arith.constant 0 : i32
    %c0_i32_0 = arith.constant 0 : i32
    %c0_i32_1 = arith.constant 0 : i32
    %c0_i32_2 = arith.constant 0 : i32
    return %c0_i32, %c0_i32_0, %arg0, %c0_i32_1 : i32, i32, i32, i32
  }
  func.func @transform_1(%arg0: i32) -> (i32, i32, i32) {
    %c0_i32 = arith.constant 0 : i32
    %c0_i32_0 = arith.constant 0 : i32
    %c0_i32_1 = arith.constant 0 : i32
    return %c0_i32, %arg0, %c0_i32_0 : i32, i32, i32
  }
  func.func @transform_2(%arg0: i32) -> (i32, i32) {
    %c0_i32 = arith.constant 0 : i32
    %c0_i32_0 = arith.constant 0 : i32
    %c0_i32_1 = arith.constant 0 : i32
    return %c0_i32, %c0_i32_0 : i32, i32
  }
  func.func @transform_3(%arg0: i32) -> (i32, i32) {
    %c0_i32 = arith.constant 0 : i32
    %c0_i32_0 = arith.constant 0 : i32
    return %arg0, %c0_i32 : i32, i32
  }
  func.func @transform_4(%arg0: i32) -> (i32, i32) {
    %c0_i32 = arith.constant 0 : i32
    %c0_i32_0 = arith.constant 0 : i32
    %c0_i32_1 = arith.constant 0 : i32
    return %c0_i32, %c0_i32_0 : i32, i32
  }
}

module attributes {stable_mosaic.version = 14 : i64} {
  func.func @body(%arg0: i32, %arg1: memref<1000x512xf32, #tpu.memory_space<vmem>>, %arg2: memref<2x512xf32, #tpu.memory_space<vmem>>, %arg3: memref<1x512xf32, #tpu.memory_space<vmem>>, %arg4: memref<1x512xf32, #tpu.memory_space<vmem>>, %arg5: memref<512x128xf32, #tpu.memory_space<vmem>>, %arg6: memref<1x128xf32, #tpu.memory_space<vmem>>, %arg7: memref<1x128xf32, #tpu.memory_space<vmem>>, %arg8: memref<1000x128xf32, #tpu.memory_space<vmem>>, %arg9: memref<1000x1xf32, #tpu.memory_space<vmem>>, %arg10: memref<1000x1xf32, #tpu.memory_space<vmem>>) attributes {dimension_semantics = [#tpu.dimension_semantics<arbitrary>], iteration_bounds = array<i64: 10>, scalar_prefetch = 0 : i64, scratch_operands = 0 : i64, tpu.core_type = #tpu.core_type<tc>, window_params = [{transform_indices = @transform_0, window_bounds = array<i64: 1000, 512>}, {pipeline_mode = #tpu.pipeline_mode<synchronous>, transform_indices = @transform_1, window_bounds = array<i64: 2, 512>}, {pipeline_mode = #tpu.pipeline_mode<synchronous>, transform_indices = @transform_2, window_bounds = array<i64: 1, 512>}, {pipeline_mode = #tpu.pipeline_mode<synchronous>, transform_indices = @transform_3, window_bounds = array<i64: 1, 512>}, {pipeline_mode = #tpu.pipeline_mode<synchronous>, transform_indices = @transform_4, window_bounds = array<i64: 512, 128>}, {pipeline_mode = #tpu.pipeline_mode<synchronous>, transform_indices = @transform_5, window_bounds = array<i64: 1, 128>}, {pipeline_mode = #tpu.pipeline_mode<synchronous>, transform_indices = @transform_6, window_bounds = array<i64: 1, 128>}, {transform_indices = @transform_7, window_bounds = array<i64: 1000, 128>}, {transform_indices = @transform_8, window_bounds = array<i64: 1000, 1>}, {transform_indices = @transform_9, window_bounds = array<i64: 1000, 1>}]} {
    %get3A = arith.constant 0 : index
    %get3A_0 = arith.constant 0 : index
    %get3A_1 = vector.load %arg2[%get3A, %get3A_0] : memref<2x512xf32, #tpu.memory_space<vmem>>, vector<2x512xf32>
    %slice3A = vector.extract_strided_slice %get3A_1 {offsets = [0, 0], sizes = [1, 512], strides = [1, 1]} : vector<2x512xf32> to vector<1x512xf32>
    %div3A = arith.constant 1.000000e+04 : f32
    %div3A_2 = vector.broadcast %div3A : f32 to vector<1x512xf32>
    %div3A_3 = arith.divf %slice3A, %div3A_2 : vector<1x512xf32>
    %slice3A_4 = vector.extract_strided_slice %get3A_1 {offsets = [1, 0], sizes = [1, 512], strides = [1, 1]} : vector<2x512xf32> to vector<1x512xf32>
    %div3A_5 = arith.constant 1.000000e+04 : f32
    %div3A_6 = vector.broadcast %div3A_5 : f32 to vector<1x512xf32>
    %div3A_7 = arith.divf %slice3A_4, %div3A_6 : vector<1x512xf32>
    %mul3A = arith.mulf %div3A_3, %div3A_3 : vector<1x512xf32>
    %sub3A = arith.subf %div3A_7, %mul3A : vector<1x512xf32>
    %get3A_8 = arith.constant 0 : index
    %get3A_9 = arith.constant 0 : index
    %get3A_10 = vector.load %arg1[%get3A_8, %get3A_9] : memref<1000x512xf32, #tpu.memory_space<vmem>>, vector<1000x512xf32>
    %sub3A_11 = vector.broadcast %div3A_3 : vector<1x512xf32> to vector<1000x512xf32>
    %sub3A_12 = arith.subf %get3A_10, %sub3A_11 : vector<1000x512xf32>
    %add3A = arith.constant 9.99999974E-6 : f32
    %add3A_13 = vector.broadcast %add3A : f32 to vector<1x512xf32>
    %add3A_14 = arith.addf %sub3A, %add3A_13 : vector<1x512xf32>
    %rsqrt3A = math.rsqrt %add3A_14 : vector<1x512xf32>
    %mul3A_15 = vector.broadcast %rsqrt3A : vector<1x512xf32> to vector<1000x512xf32>
    %mul3A_16 = arith.mulf %sub3A_12, %mul3A_15 : vector<1000x512xf32>
    %get3A_17 = arith.constant 0 : index
    %get3A_18 = arith.constant 0 : index
    %get3A_19 = vector.load %arg3[%get3A_17, %get3A_18] : memref<1x512xf32, #tpu.memory_space<vmem>>, vector<1x512xf32>
    %mul3A_20 = vector.broadcast %get3A_19 : vector<1x512xf32> to vector<1000x512xf32>
    %mul3A_21 = arith.mulf %mul3A_16, %mul3A_20 : vector<1000x512xf32>
    %get3A_22 = arith.constant 0 : index
    %get3A_23 = arith.constant 0 : index
    %get3A_24 = vector.load %arg4[%get3A_22, %get3A_23] : memref<1x512xf32, #tpu.memory_space<vmem>>, vector<1x512xf32>
    %add3A_25 = vector.broadcast %get3A_24 : vector<1x512xf32> to vector<1000x512xf32>
    %add3A_26 = arith.addf %mul3A_21, %add3A_25 : vector<1000x512xf32>
    %gt3A = arith.constant 0.000000e+00 : f32
    %gt3A_27 = vector.broadcast %gt3A : f32 to vector<1000x512xf32>
    %gt3A_28 = arith.cmpf ogt, %add3A_26, %gt3A_27 : vector<1000x512xf32>
    %min3A = arith.constant 0.000000e+00 : f32
    %min3A_29 = vector.broadcast %min3A : f32 to vector<1000x512xf32>
    %min3A_30 = arith.minimumf %add3A_26, %min3A_29 : vector<1000x512xf32>
    %exp3A = math.exp %min3A_30 : vector<1000x512xf32>
    %sub3A_31 = arith.constant 1.000000e+00 : f32
    %sub3A_32 = vector.broadcast %sub3A_31 : f32 to vector<1000x512xf32>
    %sub3A_33 = arith.subf %exp3A, %sub3A_32 : vector<1000x512xf32>
    %select_n3A = arith.select %gt3A_28, %add3A_26, %sub3A_33 : vector<1000x512xi1>, vector<1000x512xf32>
    %get3A_34 = arith.constant 0 : index
    %get3A_35 = arith.constant 0 : index
    %get3A_36 = vector.load %arg5[%get3A_34, %get3A_35] : memref<512x128xf32, #tpu.memory_space<vmem>>, vector<512x128xf32>
    %dot_general3A = arith.constant dense<0.000000e+00> : vector<1000x128xf32>
    %dot_general3A_37 = tpu.matmul %select_n3A, %get3A_36, %dot_general3A {dimension_numbers = #tpu.dot_dimension_numbers<[1], [0], [0], [1], [0, 0, 1, 1], [], []>, transpose_lhs_hint = false} : vector<1000x512xf32>, vector<512x128xf32>, vector<1000x128xf32> -> vector<1000x128xf32>
    %swap3A = arith.constant 0 : index
    %swap3A_38 = arith.constant 0 : index
    %swap3A_39 = vector.load %arg8[%swap3A, %swap3A_38] : memref<1000x128xf32, #tpu.memory_space<vmem>>, vector<1000x128xf32>
    tpu.vector_store %arg8[%swap3A, %swap3A_38], %dot_general3A_37 {strides = array<i32>} : memref<1000x128xf32, #tpu.memory_space<vmem>>, vector<1000x128xf32>,
    %get3A_40 = arith.constant 0 : index
    %get3A_41 = arith.constant 0 : index
    %get3A_42 = vector.load %arg6[%get3A_40, %get3A_41] : memref<1x128xf32, #tpu.memory_space<vmem>>, vector<1x128xf32>
    %mul3A_43 = vector.broadcast %get3A_42 : vector<1x128xf32> to vector<1000x128xf32>
    %mul3A_44 = arith.mulf %dot_general3A_37, %mul3A_43 : vector<1000x128xf32>
    %reduce_sum3A = arith.constant dense<0.000000e+00> : vector<1000xf32>
    %reduce_sum3A_45 = vector.multi_reduction <add>, %mul3A_44, %reduce_sum3A [1] : vector<1000x128xf32> to vector<1000xf32>
    %broadcast_in_dim3A = vector.shape_cast %reduce_sum3A_45 : vector<1000xf32> to vector<1000x1xf32>
    %swap3A_46 = arith.constant 0 : index
    %swap3A_47 = arith.constant 0 : index
    %swap3A_48 = vector.load %arg9[%swap3A_46, %swap3A_47] : memref<1000x1xf32, #tpu.memory_space<vmem>>, vector<1000x1xf32>
    tpu.vector_store %arg9[%swap3A_46, %swap3A_47], %broadcast_in_dim3A {strides = array<i32>} : memref<1000x1xf32, #tpu.memory_space<vmem>>, vector<1000x1xf32>,
    %get3A_49 = arith.constant 0 : index
    %get3A_50 = arith.constant 0 : index
    %get3A_51 = vector.load %arg7[%get3A_49, %get3A_50] : memref<1x128xf32, #tpu.memory_space<vmem>>, vector<1x128xf32>
    %mul3A_52 = vector.broadcast %get3A_51 : vector<1x128xf32> to vector<1000x128xf32>
    %mul3A_53 = arith.mulf %dot_general3A_37, %mul3A_52 : vector<1000x128xf32>
    %reduce_sum3A_54 = arith.constant dense<0.000000e+00> : vector<1000xf32>
    %reduce_sum3A_55 = vector.multi_reduction <add>, %mul3A_53, %reduce_sum3A_54 [1] : vector<1000x128xf32> to vector<1000xf32>
    %broadcast_in_dim3A_56 = vector.shape_cast %reduce_sum3A_55 : vector<1000xf32> to vector<1000x1xf32>
    %swap3A_57 = arith.constant 0 : index
    %swap3A_58 = arith.constant 0 : index
    %swap3A_59 = vector.load %arg10[%swap3A_57, %swap3A_58] : memref<1000x1xf32, #tpu.memory_space<vmem>>, vector<1000x1xf32>
    tpu.vector_store %arg10[%swap3A_57, %swap3A_58], %broadcast_in_dim3A_56 {strides = array<i32>} : memref<1000x1xf32, #tpu.memory_space<vmem>>, vector<1000x1xf32>,
    return
  }
  func.func @transform_0(%arg0: i32) -> (i32, i32) {
    %c0_i32 = arith.constant 0 : i32
    %c0_i32_0 = arith.constant 0 : i32
    return %arg0, %c0_i32 : i32, i32
  }
  func.func @transform_1(%arg0: i32) -> (i32, i32) {
    %c0_i32 = arith.constant 0 : i32
    %c0_i32_0 = arith.constant 0 : i32
    %c0_i32_1 = arith.constant 0 : i32
    return %c0_i32, %c0_i32_0 : i32, i32
  }
  func.func @transform_2(%arg0: i32) -> (i32, i32) {
    %c0_i32 = arith.constant 0 : i32
    %c0_i32_0 = arith.constant 0 : i32
    %c0_i32_1 = arith.constant 0 : i32
    return %c0_i32, %c0_i32_0 : i32, i32
  }
  func.func @transform_3(%arg0: i32) -> (i32, i32) {
    %c0_i32 = arith.constant 0 : i32
    %c0_i32_0 = arith.constant 0 : i32
    %c0_i32_1 = arith.constant 0 : i32
    return %c0_i32, %c0_i32_0 : i32, i32
  }
  func.func @transform_4(%arg0: i32) -> (i32, i32) {
    %c0_i32 = arith.constant 0 : i32
    %c0_i32_0 = arith.constant 0 : i32
    %c0_i32_1 = arith.constant 0 : i32
    return %c0_i32, %c0_i32_0 : i32, i32
  }
  func.func @transform_5(%arg0: i32) -> (i32, i32) {
    %c0_i32 = arith.constant 0 : i32
    %c0_i32_0 = arith.constant 0 : i32
    %c0_i32_1 = arith.constant 0 : i32
    return %c0_i32, %c0_i32_0 : i32, i32
  }
  func.func @transform_6(%arg0: i32) -> (i32, i32) {
    %c0_i32 = arith.constant 0 : i32
    %c0_i32_0 = arith.constant 0 : i32
    %c0_i32_1 = arith.constant 0 : i32
    return %c0_i32, %c0_i32_0 : i32, i32
  }
  func.func @transform_7(%arg0: i32) -> (i32, i32) {
    %c0_i32 = arith.constant 0 : i32
    %c0_i32_0 = arith.constant 0 : i32
    return %arg0, %c0_i32 : i32, i32
  }
  func.func @transform_8(%arg0: i32) -> (i32, i32) {
    %c0_i32 = arith.constant 0 : i32
    %c0_i32_0 = arith.constant 0 : i32
    return %arg0, %c0_i32 : i32, i32
  }
  func.func @transform_9(%arg0: i32) -> (i32, i32) {
    %c0_i32 = arith.constant 0 : i32
    %c0_i32_0 = arith.constant 0 : i32
    return %arg0, %c0_i32 : i32, i32
  }
}

module attributes {stable_mosaic.version = 14 : i64} {
  func.func @body(%arg0: i32, %arg1: memref<2x1000x128xf32, #tpu.memory_space<vmem>>, %arg2: memref<2x1000x16xf32, #tpu.memory_space<vmem>>, %arg3: memref<1x128xf32, #tpu.memory_space<vmem>>, %arg4: memref<128x128xf32, #tpu.memory_space<vmem>>, %arg5: memref<1x128xf32, #tpu.memory_space<vmem>>, %arg6: memref<1000x128xf32, #tpu.memory_space<vmem>>, %arg7: memref<1000x128xf32, #tpu.memory_space<vmem>>) attributes {dimension_semantics = [#tpu.dimension_semantics<arbitrary>], iteration_bounds = array<i64: 10>, scalar_prefetch = 0 : i64, scratch_operands = 0 : i64, tpu.core_type = #tpu.core_type<tc>, window_params = [{transform_indices = @transform_0, window_bounds = array<i64: 2, 1000, 128>}, {transform_indices = @transform_1, window_bounds = array<i64: 2, 1000, 16>}, {pipeline_mode = #tpu.pipeline_mode<synchronous>, transform_indices = @transform_2, window_bounds = array<i64: 1, 128>}, {pipeline_mode = #tpu.pipeline_mode<synchronous>, transform_indices = @transform_3, window_bounds = array<i64: 128, 128>}, {pipeline_mode = #tpu.pipeline_mode<synchronous>, transform_indices = @transform_4, window_bounds = array<i64: 1, 128>}, {transform_indices = @transform_5, window_bounds = array<i64: 1000, 128>}, {transform_indices = @transform_6, window_bounds = array<i64: 1000, 128>}]} {
    %get3A = arith.constant 0 : index
    %get3A_0 = arith.constant 0 : index
    %get3A_1 = arith.constant 0 : index
    %get3A_2 = vector.load %arg1[%get3A, %get3A_0, %get3A_1] : memref<2x1000x128xf32, #tpu.memory_space<vmem>>, vector<1x1000x128xf32>
    %get3A_3 = vector.shape_cast %get3A_2 : vector<1x1000x128xf32> to vector<1000x128xf32>
    %get3A_4 = arith.constant 1 : index
    %get3A_5 = arith.constant 0 : index
    %get3A_6 = arith.constant 0 : index
    %get3A_7 = vector.load %arg1[%get3A_4, %get3A_5, %get3A_6] : memref<2x1000x128xf32, #tpu.memory_space<vmem>>, vector<1x1000x128xf32>
    %get3A_8 = vector.shape_cast %get3A_7 : vector<1x1000x128xf32> to vector<1000x128xf32>
    %add3A = arith.addf %get3A_3, %get3A_8 : vector<1000x128xf32>
    %get3A_9 = arith.constant 0 : index
    %get3A_10 = arith.constant 0 : index
    %get3A_11 = arith.constant 0 : index
    %get3A_12 = vector.load %arg2[%get3A_9, %get3A_10, %get3A_11] : memref<2x1000x16xf32, #tpu.memory_space<vmem>>, vector<1x1000x1xf32>
    %get3A_13 = vector.shape_cast %get3A_12 : vector<1x1000x1xf32> to vector<1000xf32>
    %get3A_14 = arith.constant 1 : index
    %get3A_15 = arith.constant 0 : index
    %get3A_16 = arith.constant 0 : index
    %get3A_17 = vector.load %arg2[%get3A_14, %get3A_15, %get3A_16] : memref<2x1000x16xf32, #tpu.memory_space<vmem>>, vector<1x1000x1xf32>
    %get3A_18 = vector.shape_cast %get3A_17 : vector<1x1000x1xf32> to vector<1000xf32>
    %add3A_19 = arith.addf %get3A_13, %get3A_18 : vector<1000xf32>
    %broadcast_in_dim3A = vector.shape_cast %add3A_19 : vector<1000xf32> to vector<1000x1xf32>
    %add3A_20 = arith.constant 1.000000e-16 : f32
    %add3A_21 = vector.broadcast %add3A_20 : f32 to vector<1000x1xf32>
    %add3A_22 = arith.addf %broadcast_in_dim3A, %add3A_21 : vector<1000x1xf32>
    %div3A = vector.broadcast %add3A_22 : vector<1000x1xf32> to vector<1000x128xf32>
    %div3A_23 = arith.divf %add3A, %div3A : vector<1000x128xf32>
    %get3A_24 = arith.constant 0 : index
    %get3A_25 = arith.constant 0 : index
    %get3A_26 = vector.load %arg3[%get3A_24, %get3A_25] : memref<1x128xf32, #tpu.memory_space<vmem>>, vector<1x128xf32>
    %add3A_27 = vector.broadcast %get3A_26 : vector<1x128xf32> to vector<1000x128xf32>
    %add3A_28 = arith.addf %div3A_23, %add3A_27 : vector<1000x128xf32>
    %swap3A = arith.constant 0 : index
    %swap3A_29 = arith.constant 0 : index
    %swap3A_30 = vector.load %arg6[%swap3A, %swap3A_29] : memref<1000x128xf32, #tpu.memory_space<vmem>>, vector<1000x128xf32>
    tpu.vector_store %arg6[%swap3A, %swap3A_29], %add3A_28 {strides = array<i32>} : memref<1000x128xf32, #tpu.memory_space<vmem>>, vector<1000x128xf32>,
    %get3A_31 = arith.constant 0 : index
    %get3A_32 = arith.constant 0 : index
    %get3A_33 = vector.load %arg4[%get3A_31, %get3A_32] : memref<128x128xf32, #tpu.memory_space<vmem>>, vector<128x128xf32>
    %dot_general3A = arith.constant dense<0.000000e+00> : vector<1000x128xf32>
    %dot_general3A_34 = tpu.matmul %add3A_28, %get3A_33, %dot_general3A {dimension_numbers = #tpu.dot_dimension_numbers<[1], [0], [0], [1], [0, 0, 1, 1], [], []>, transpose_lhs_hint = false} : vector<1000x128xf32>, vector<128x128xf32>, vector<1000x128xf32> -> vector<1000x128xf32>
    %get3A_35 = arith.constant 0 : index
    %get3A_36 = arith.constant 0 : index
    %get3A_37 = vector.load %arg5[%get3A_35, %get3A_36] : memref<1x128xf32, #tpu.memory_space<vmem>>, vector<1x128xf32>
    %add3A_38 = vector.broadcast %get3A_37 : vector<1x128xf32> to vector<1000x128xf32>
    %add3A_39 = arith.addf %dot_general3A_34, %add3A_38 : vector<1000x128xf32>
    %swap3A_40 = arith.constant 0 : index
    %swap3A_41 = arith.constant 0 : index
    %swap3A_42 = vector.load %arg7[%swap3A_40, %swap3A_41] : memref<1000x128xf32, #tpu.memory_space<vmem>>, vector<1000x128xf32>
    tpu.vector_store %arg7[%swap3A_40, %swap3A_41], %add3A_39 {strides = array<i32>} : memref<1000x128xf32, #tpu.memory_space<vmem>>, vector<1000x128xf32>,
    return
  }
  func.func @transform_0(%arg0: i32) -> (i32, i32, i32) {
    %c0_i32 = arith.constant 0 : i32
    %c0_i32_0 = arith.constant 0 : i32
    %c0_i32_1 = arith.constant 0 : i32
    return %c0_i32, %arg0, %c0_i32_0 : i32, i32, i32
  }
  func.func @transform_1(%arg0: i32) -> (i32, i32, i32) {
    %c0_i32 = arith.constant 0 : i32
    %c0_i32_0 = arith.constant 0 : i32
    %c0_i32_1 = arith.constant 0 : i32
    return %c0_i32, %arg0, %c0_i32_0 : i32, i32, i32
  }
  func.func @transform_2(%arg0: i32) -> (i32, i32) {
    %c0_i32 = arith.constant 0 : i32
    %c0_i32_0 = arith.constant 0 : i32
    %c0_i32_1 = arith.constant 0 : i32
    return %c0_i32, %c0_i32_0 : i32, i32
  }
  func.func @transform_3(%arg0: i32) -> (i32, i32) {
    %c0_i32 = arith.constant 0 : i32
    %c0_i32_0 = arith.constant 0 : i32
    %c0_i32_1 = arith.constant 0 : i32
    return %c0_i32, %c0_i32_0 : i32, i32
  }
  func.func @transform_4(%arg0: i32) -> (i32, i32) {
    %c0_i32 = arith.constant 0 : i32
    %c0_i32_0 = arith.constant 0 : i32
    %c0_i32_1 = arith.constant 0 : i32
    return %c0_i32, %c0_i32_0 : i32, i32
  }
  func.func @transform_5(%arg0: i32) -> (i32, i32) {
    %c0_i32 = arith.constant 0 : i32
    %c0_i32_0 = arith.constant 0 : i32
    return %arg0, %c0_i32 : i32, i32
  }
  func.func @transform_6(%arg0: i32) -> (i32, i32) {
    %c0_i32 = arith.constant 0 : i32
    %c0_i32_0 = arith.constant 0 : i32
    return %arg0, %c0_i32 : i32, i32
  }
}

</mosaic_0001>

<sc_bundles>
// kernel: kernel.10.cloned.1.call-start
scs
__scs_entry_jumppad:
0x0: {  	(pc) =	sbr.rel $0x88, $3  }
0x1: {  	(tag) =	ssettag $0x0;
	lr =	simm.s32 $0x1  }
0x2: {  	[smem:$0x3F93] =	sst lr;
	_ =	strace $0xD0000000  }
0x3: {  	_ = 	snop  }
0x4: {  	_ = 	snop  }
0x5: {  	_ = 	snop  }
0x6: {  	_ = 	snop  }
0x7: {  	_ = 	snop  }
__scs_overlays_trampoline_lowered:
0x8: {  	[smem:$0x3FA2] =	sst s0  }
0x9: {  	[smem:$0x3FA3] =	sst s1  }
0xa: {  	[smem:$0x3FA4] =	sst s2  }
0xb: {  	[smem:$0x3FA5] =	sst s3  }
0xc: {  	[smem:$0x3FA6] =	sst s4  }
0xd: {  	[smem:$0x3FA7] =	sst s5  }
0xe: {  	[smem:$0x3FA8] =	sst s6  }
0xf: {  	[smem:$0x3FA9] =	sst s7  }
0x10: {  	[smem:$0x3FAA] =	sst s8  }
0x11: {  	[smem:$0x3FAB] =	sst s9;
	s0 =	simm.s32 @!p0 $0x0  }
0x12: {  	s1 =	sld [smem:$0x3F91];
	s0 =	simm.s32 @p0 $0x1  }
0x13: {  	[smem:$0x3FAC] =	sst s0;
	s0 =	simm.s32 @!p1 $0x0  }
0x14: {  	s2 =	sld [smem:$0x3F90];
	s0 =	simm.s32 @p1 $0x1  }
0x15: {  	[smem:$0x3FAD] =	sst s0;
	s0 =	simm.s32 @!p2 $0x0  }
0x16: {  	s3 =	sld [smem:$0x3FDB];
	s0 =	simm.s32 @p2 $0x1  }
0x17: {  	s4 =	simm.s32 $0x1BF5;
	[smem:$0x3FAF] =	sst s0  }
0x18: {  	s0 =	sld [smem:$0x3F92];
	_ =	swait.ge [sflag:s4], $0x0  }
0x19: {  	s7 =	sld [smem:$0x3F93]  }
0x1a: {  	s8 =	sadd.s32 $0xFFFFE003, lr  }
0x1b: {  	s9 =	sadd.s32 $0xFFFFFEF7, lr;
	s5 =	simm.s32 $0xFFFFFFFF;
	p2 =	slt.u32 s8, $0xFFFFF086  }
0x1c: {  	p1 =	slt.u32 s9, $0xF7A;
	s5 =	simm.s32 @!p2 $0x0  }
0x1d: {  	s5 =	simm.s32 @p1 $0x1;
	p0 =	seq.s32 s7, s2  }
0x1e: {  	s7 =	smul.u32 @!p0 $0xF7A, s2;
	p2 =	seq.s32 @!p0 s5, $0x0  }
0x1f: {  	s9 =	smul.u32 $0xF7A, s1;
	s8 =	simm.s32 @!p0 $0x1BF5;
	p2 =	por !p2, p0  }
0x20: {  	[sflag:s8] =	ssyncset.s32 @!p0 $0xFFFFF086;
	s6 =	sadd.s32 @!p0 s3, s7;
	s7 =	simm.s32 @!p0 $0x108  }
0x21: {  	s3 =	sadd.s32 s3, s9;
	s6 =	sadd.s32 @!p0 $0x88, s6;
	s7 =	simm.s32 @p2 $0x1082  }
0x22: {  	[simem:s7], [sflag:s8] =	dma.local @!p0 [hbm:s6], $0xF7A  }
0x23: {  	s9 =	sor.u32 $0xD0000000, s2;
	s6 =	simm.s32 $0x108;
	_ =	swait.ge @!p0 [sflag:s8], $0x0  }
0x24: {  	s3 =	sadd.s32 $0x88, s3;
	s6 =	simm.s32 @!p1 $0x1082;
	[sflag:s4] =	ssyncset.s32 $0xFFFFF086  }
0x25: {  	[simem:s6], [sflag:s4] =	dma.local [hbm:s3], $0xF7A  }
0x26: {  	[smem:$0x3F93] =	sst s1;
	(tag) =	ssettag s2;
	_ =	strace s9  }
0x27: {  	s1 =	sld [smem:$0x3FA3]  }
0x28: {  	s2 =	sld [smem:$0x3FA4]  }
0x29: {  	s4 =	sld [smem:$0x3FA6]  }
0x2a: {  	p0 =	seq.s32 s5, $0x0;
	s5 =	sld [smem:$0x3FA7]  }
0x2b: {  	s6 =	sld [smem:$0x3FA8]  }
0x2c: {  	s7 =	sld [smem:$0x3FA9]  }
0x2d: {  	s3 =	simm.s32 $0x108;
	s8 =	sld [smem:$0x3FAA]  }
0x2e: {  	s3 =	simm.s32 @!p0 $0x1082;
	s9 =	sld [smem:$0x3FAB]  }
0x2f: {  	lr =	sadd.s32 s0, s3;
	s0 =	sld [smem:$0x3FA2]  }
0x30: {  	s3 =	sld [smem:$0x3FA5]  }
0x31: {  	[smem:$0x3FAE] =	sst s10  }
0x32: {  	s10 =	sld [smem:$0x3FAC];
	_ =	sdelay $0x3  }
0x33: {  	p0 =	seq.s32 s10, $0x1;
	s10 =	sld [smem:$0x3FAE];
	_ =	sdelay $0x3  }
0x34: {  	[smem:$0x3FAE] =	sst s10  }
0x35: {  	s10 =	sld [smem:$0x3FAD];
	_ =	sdelay $0x3  }
0x36: {  	p1 =	seq.s32 s10, $0x1;
	s10 =	sld [smem:$0x3FAE];
	_ =	sdelay $0x3  }
0x37: {  	[smem:$0x3FAE] =	sst s10  }
0x38: {  	s10 =	sld [smem:$0x3FAF]  }
0x39: {  	_ = 	snop;
	(pc) =	sbr.ind lr, $3  }
0x3a: {  	_ = 	snop  }
0x3b: {  	_ = 	snop  }
0x3c: {  	p2 =	seq.s32 s10, $0x1;
	s10 =	sld [smem:$0x3FAE]  }
0x3d: {  	_ =	shalt  }
0x3e: {  	_ =	shalt  }
0x3f: {  	_ =	shalt  }
0x40: {  	_ =	shalt  }
0x41: {  	_ =	shalt  }
0x42: {  	_ =	shalt  }
0x43: {  	_ =	shalt  }
0x44: {  	_ =	shalt  }
0x45: {  	_ =	shalt  }
0x46: {  	_ =	shalt  }
0x47: {  	_ =	shalt  }
0x48: {  	_ =	shalt  }
0x49: {  	_ =	shalt  }
0x4a: {  	_ =	shalt  }
0x4b: {  	_ =	shalt  }
0x4c: {  	_ =	shalt  }
0x4d: {  	_ =	shalt  }
0x4e: {  	_ =	shalt  }
0x4f: {  	_ =	shalt  }
0x50: {  	_ =	shalt  }
0x51: {  	_ =	shalt  }
0x52: {  	_ =	shalt  }
0x53: {  	_ =	shalt  }
0x54: {  	_ =	shalt  }
0x55: {  	_ =	shalt  }
0x56: {  	_ =	shalt  }
0x57: {  	_ =	shalt  }
0x58: {  	_ =	shalt  }
0x59: {  	_ =	shalt  }
0x5a: {  	_ =	shalt  }
0x5b: {  	_ =	shalt  }
0x5c: {  	_ =	shalt  }
0x5d: {  	_ =	shalt  }
0x5e: {  	_ =	shalt  }
0x5f: {  	_ =	shalt  }
0x60: {  	_ =	shalt  }
0x61: {  	_ =	shalt  }
0x62: {  	_ =	shalt  }
0x63: {  	_ =	shalt  }
0x64: {  	_ =	shalt  }
0x65: {  	_ =	shalt  }
0x66: {  	_ =	shalt  }
0x67: {  	_ =	shalt  }
0x68: {  	_ =	shalt  }
0x69: {  	_ =	shalt  }
0x6a: {  	_ =	shalt  }
0x6b: {  	_ =	shalt  }
0x6c: {  	_ =	shalt  }
0x6d: {  	_ =	shalt  }
0x6e: {  	_ =	shalt  }
0x6f: {  	_ =	shalt  }
0x70: {  	_ =	shalt  }
0x71: {  	_ =	shalt  }
0x72: {  	_ =	shalt  }
0x73: {  	_ =	shalt  }
0x74: {  	_ =	shalt  }
0x75: {  	_ =	shalt  }
0x76: {  	_ =	shalt  }
0x77: {  	_ =	shalt  }
0x78: {  	_ =	shalt  }
0x79: {  	_ =	shalt  }
0x7a: {  	_ =	shalt  }
0x7b: {  	_ =	shalt  }
0x7c: {  	_ =	shalt  }
0x7d: {  	_ =	shalt  }
0x7e: {  	_ =	shalt  }
0x7f: {  	_ =	shalt  }
0x80: {  	_ =	shalt  }
0x81: {  	_ =	shalt  }
0x82: {  	_ =	shalt  }
0x83: {  	_ =	shalt  }
0x84: {  	_ =	shalt  }
0x85: {  	_ =	shalt  }
0x86: {  	_ =	shalt  }
0x87: {  	_ =	shalt  }
.Lfunc_end0:
.L_simem_size_0:
called_computation_lowered:
.L_overlay_start_0:
0x88: {  	s2 =	sld [smem:$0x3FD9]  }
0x89: {  	s3 =	sld [smem:$0x3FFE];
	_ =	sdelay $0x1  }
0x8a: {  	s1 =	srdreg.scid  }
0x8b: {  	s0 =	sand.u32 $0x1, s1  }
0x8c: {  	s14 =	sshll.u32 s0, $0xA;
	s2 =	sadd.s32 s3, s2  }
0x8d: {  	s2 =	sadd.s32 s2, s14  }
0x8e: {  	[smem:$0x3FBA] =	sst s2  }
0x8f: {  	_ = 	snop  }
0x90: {  	s2 =	sld [smem:$0x3FD0];
	_ =	sdelay $0x2  }
0x91: {  	s15 =	simm.s32 $0xA;
	s4 =	simm.s32 $0x10  }
0x92: {  	[smem:s4], [sflag:s15] =	dma.local [hbm:s2], $0x1  }
0x93: {  	_ =	swait.eq [sflag:s15], $0x1  }
0x94: {  	[sflag:s15] =	ssyncset.done $0x0  }
0x95: {  	[sflag:s15] =	ssyncadd.s32 $0xFFFFFFFF  }
0x96: {  	s16 =	sld [smem:$0x10];
	(tm) =	ssettm $0x1  }
0x97: {  	s17 =	sld [smem:$0x3FFB];
	_ =	sdelay $0x3  }
0x98: {  	_ =	strace s17  }
0x99: {  	s3 =	sld [smem:$0x3FFC];
	_ =	sdelay $0x3  }
0x9a: {  	_ =	strace s3  }
0x9b: {  	s3 =	sld [smem:$0x3FFD];
	_ =	sdelay $0x3  }
0x9c: {  	_ =	strace s3  }
0x9d: {  	_ =	strace $0x8FFFFFFF  }
0x9e: {  	s18 =	sld [smem:$0x3FDB];
	_ =	sdelay $0x1  }
0x9f: {  	s19 =	simm.s32 $_scs_section_size  }
0xa0: {  	s5 =	simm.s32 $_size__tile_overlayer_lowered;
	s6 =	simm.s32 $_tile_overlayer_lowered  }
0xa1: {  	s22 =	simm.s32 $0x1BFF;
	s21 =	sshll.u32 s6, $0x1;
	s3 =	sadd.s32 s19, s18  }
0xa2: {  	s7 =	simm.s32 $0x0;
	s20 =	sshll.u32 s5, $0x1;
	s5 =	sadd.s32 s21, s3  }
0xa3: {  	[timem:s7], [sflag:s22] =	dma.local [hbm:s5], s20  }
0xa4: {  	_ =	swait.ge [sflag:s22], s20  }
0xa5: {  	s4 =	ssub.s32 $0x0, s20;
	[sflag:s22] =	ssyncset.done $0x0  }
0xa6: {  	[sflag:s22] =	ssyncadd.s32 s4;
	_ =	sdelay $0x1  }
0xa7: {  	s23 =	simm.s32 $0x1B8B  }
0xa8: {  	_ =	swait.ge [sflag:s23], $0x1  }
0xa9: {  	[sflag:s23] =	ssyncset.done $0x0  }
0xaa: {  	s25 =	simm.s32 $0x1B8E;
	s24 =	sld [smem:$0x3FFE];
	[sflag:s23] =	ssyncadd.s32 $0xFFFFFFFF  }
0xab: {  	s26 =	simm.s32 $execute0_lowered;
	[smem:$0x3FD2] =	sst s25  }
0xac: {  	s5 =	sshll.u32 s26, $0x1;
	_ =	strace $0x80000046;
	[dreg:$0x1] =	wrdreg $0xFFFFFFFF  }
0xad: {  	s28 =	simm.s32 $_size_execute0_lowered;
	s3 =	sadd.s32 s3, s5;
	[dreg:$0x0] =	wrdreg $0x0  }
0xae: {  	s5 =	sshll.u32 s28, $0x1;
	[dreg:$0x2] =	wrdreg s3  }
0xaf: {  	[dreg:$0x3] =	wrdreg s5  }
0xb0: {  	[dreg:$0x4] =	wrdreg $0xC0  }
0xb1: {  	_ =	task [dreg:s7], $0x5FFFF  }
0xb2: {  	[dreg:$0x1] =	wrdreg $0xFFFFFFFF  }
0xb3: {  	[dreg:$0x0] =	wrdreg $0x60  }
0xb4: {  	[dreg:$0x2] =	wrdreg s24  }
0xb5: {  	[dreg:$0x3] =	wrdreg s16  }
0xb6: {  	[dreg:$0x4] =	wrdreg $0x90800  }
0xb7: {  	[dreg:$0x5] =	wrdreg $0x9  }
0xb8: {  	_ =	task.clear_ibuf [dreg:s7], $0x6FFFF;
	_ =	strace $0x90000046  }
0xb9: {  	s29 =	simm.s32 $0x9;
	_ =	strace $0x80000048  }
0xba: {  	_ =	swait.ge [sflag:s29], $0x1  }
0xbb: {  	[sflag:s29] =	ssyncadd.s32 $0xFFFFFFFF  }
0xbc: {  	_ =	strace $0x90000048  }
0xbd: {  	_ =	sfence  }
0xbe: {  	s30 =	sld [smem:$0x0];
	_ =	sdelay $0x2  }
0xbf: {  	s31 =	sshll.u32 s1, $0xD;
	s1 =	sshrl.u32 s1, $0x2  }
0xc0: {  	s3 =	sand.u32 $0x4000, s31;
	s1 =	sadd.s32 s1, s30  }
0xc1: {  	s0 =	sor.u32 s3, s0;
	s1 =	sshll.u32 s1, $0x11  }
0xc2: {  	s0 =	sor.u32 s1, s0  }
0xc3: {  	s0 =	sadd.s32 $0x8F2B, s0  }
0xc4: {  	[sflag:s0] =	ssyncadd.remote.s32 $0x1  }
0xc5: {  	_ =	sfence.sel $0xFFFF  }
0xc6: {  	[dreg:$0x0] =	wrdreg $0xFFFFFFFF;
	(pc) =	sbr.abs _section_cstart, $3  }
0xc7: {  	[dreg:$0x1] =	wrdreg $0xFFFFFFFF  }
0xc8: {  	_ =	task.clear_ibuf [dreg:s7], $0x2FFFF;
	_ =	strace $0x9FFFFFFF  }
0xc9: {  	(tm) =	ssettm $0x7FFFFFFF  }
tec
execute0_lowered:
.L_overlay_start_1:
0x0: {  	(tag) =	ssettag $0x1  }
0x1: {  	s9 =	rddreg [dreg:$0x0]  }
0x2: {  	s2 =	rddreg [dreg:$0x1]  }
0x3: {  	s3 =	rddreg [dreg:$0x2]  }
0x4: {  	s0 =	rddreg [dreg:$0x3];
	s1 =	stileid.u32  }
0x5: {  	s5 =	srdreg.scid;
	s4 =	simm.s32 $0x0;
	s17 =	simm.s32 $0x4F00  }
0x6: {  	s18 =	simm.s32 $0x4F80;
	s19 =	simm.s32 $0x5000;
	s20 =	simm.s32 $0x80  }
0x7: {  	s21 =	simm.s32 $0x5080;
	s22 =	simm.s32 $0x0;
	s8 =	smul.u32 $0x13C00, s1  }
0x8: {  	s10 =	sand.u32 $0x1, s5;
	[smem:$0x7FF] =	sst s4;
	s5 =	sadd.s32 $0xE200, s9  }
0x9: {  	s6 =	sadd.s32 $0x3200, s9;
	s7 =	sadd.s32 $0xB5600, s9;
	s13 =	smul.u32 $0x4F000, s1  }
0xa: {  	s15 =	sshll.u32 s1, $0x6;
	s11 =	smul.u32 $0x13C000, s10;
	_ =	strace $0x80000047  }
0xb: {  	s31 =	ssub.s32 $0x2, s10;
	s10 =	sshll.u32 s10, $0x4;
	s15 =	sor.u32 $0x1C01, s15  }
0xc: {  	s12 =	sshrl.u32 s8, $0x3;
	s14 =	sshrl.u32 s31, $0x1;
	s13 =	sshrl.u32 s13, $0x2  }
0xd: {  	s10 =	sor.u32 s1, s10;
	s8 =	sadd.s32 s8, s11;
	s29 =	sadd.s32 s12, s9  }
0xe: {  	s14 =	ssub.s32 s31, s14;
	s16 =	sadd.s32 s13, s3;
	s10 =	smul.u32 $0x2C00, s10  }
0xf: {  	s13 =	simm.s32 $0x1;
	s30 =	sshrl.u32 s8, $0x3;
	s8 =	sadd.s32 $0xDD400, s9  }
0x10: {  	s16 =	sshrl.u32 s16, $0x3;
	s12 =	sadd.s32 s30, s9;
	s9 =	sadd.s32 $0xB5C00, s29  }
0x11: {  	s11 =	sadd.s32 $0xE8400, s12;
	s12 =	smax.u32 s14, $0x1;
	s14 =	simm.s32 $0x2780  }
.LBB2_1:
0x12: {  	[tilespmem:s4], [sflag:$0x1] =	stream.linear.gather [hbm4b:s2+s4], $0x2780, $0x38;
	[tilespmem:$0xB800] =	vst v63  }
0x13: {  	_ =	swait.ge [sflag:s13], $0x2780  }
0x14: {  	[sflag:s13] =	ssyncset.done $0x0  }
0x15: {  	[sflag:s13] =	ssyncadd.s32 $0xFFFFD880  }
0x16: {  	[tilespmem:s14], [sflag:$0x1] =	stream.linear.gather [hbm4b:s7+s4], $0x2780, $0x38;
	[tilespmem:$0xB800] =	vst v63  }
0x17: {  	_ =	swait.ge [sflag:s13], $0x2780  }
0x18: {  	[sflag:s13] =	ssyncset.done $0x0  }
0x19: {  	[sflag:s13] =	ssyncadd.s32 $0xFFFFD880  }
0x1a: {  	[spmem:s16], [sflag:s15] =	dma.local [hbm:s9], $0x2780  }
0x1b: {  	_ =	swait.ge [sflag:s13], $0x2780  }
0x1c: {  	[sflag:s13] =	ssyncset.done $0x0  }
0x1d: {  	[sflag:s13] =	ssyncadd.s32 $0xFFFFD880  }
0x1e: {  	s23 =	simm.s32 $0x0;
	[bflag:$0x0] =	sbarrier.arrive $0xFFFF  }
.LBB2_2:
0x1f: {  	s24 =	sshll.u32 s23, $0x7  }
0x20: {  	s25 =	sand.u32 $0x3C00, s24  }
0x21: {  	s24 =	sand.u32 $0x380, s24;
	s25 =	sadd.s32 s10, s25  }
0x22: {  	s24 =	sor.u32 s24, s25  }
0x23: {  	s24 =	sshrl.u32 s24, $0x3  }
0x24: {  	s28 =	simm.s32 $0x0;
	s26 =	sadd.s32 s5, s24  }
0x25: {  	[tilespmem:s17], [sflag:$0x1] =	stream.linear.gather [hbm4b:s26+s28], $0x80, $0x38;
	[tilespmem:$0xB800] =	vst v63  }
0x26: {  	_ =	swait.ge [sflag:s13], $0x80  }
0x27: {  	[sflag:s13] =	ssyncset.done $0x0  }
0x28: {  	s29 =	sadd.s32 s6, s24;
	[sflag:s13] =	ssyncadd.s32 $0xFFFFFF80  }
0x29: {  	[tilespmem:s18], [sflag:$0x1] =	stream.linear.gather [hbm4b:s29+s28], $0x80, $0x38;
	[tilespmem:$0xB800] =	vst v63  }
0x2a: {  	_ =	swait.ge [sflag:s13], $0x80  }
0x2b: {  	[sflag:s13] =	ssyncset.done $0x0  }
0x2c: {  	[sflag:s13] =	ssyncadd.s32 $0xFFFFFF80  }
0x2d: {  	v0 =	vld [tilespmem:$0x4F00]  }
0x2e: {  	v1 =	vld [tilespmem:$0x4F80];
	_ =	sdelay $0x6  }
0x2f: {  	v0 =	vld.idx.msk [tilespmem:v0+s28+$0x0], $0xffff  }
0x30: {  	v1 =	vld.idx.msk [tilespmem:v1+s14+$0x0], $0xffff;
	_ =	sdelay $0x4  }
0x31: {  	v0 =	vadd.f32 v1, v0;
	_ =	sdelay $0x1  }
0x32: {  	v1 =	vmul.f32 $2.000000030e-01, v0  }
0x33: {  	vm0 =	vge.f32 v0, $0.0e+00  }
0x34: {  	v0 =	vsel vm0, v0, v1  }
0x35: {  	v0 =	vmul.f32 $1.442695020e+00, v0;
	_ =	sdelay $0x1  }
0x36: {  	(erf) = vpow2.f32 v0;
	_ =	sdelay $0x2  }
0x37: {  	v0 =	vld [tilespmem:$0x4F10]  }
0x38: {  	v1 =	vld [tilespmem:$0x4F90];
	_ =	sdelay $0x4  }
0x39: {  	v2 =	vpop (erf)  }
0x3a: {  	[tilespmem:$0x5000] =	vst v2  }
0x3b: {  	v0 =	vld.idx.msk [tilespmem:v0+s28+$0x0], $0xffff  }
0x3c: {  	v1 =	vld.idx.msk [tilespmem:v1+s14+$0x0], $0xffff;
	_ =	sdelay $0x4  }
0x3d: {  	v0 =	vadd.f32 v1, v0;
	_ =	sdelay $0x1  }
0x3e: {  	v1 =	vmul.f32 $2.000000030e-01, v0  }
0x3f: {  	vm9 =	vge.f32 v0, $0.0e+00  }
0x40: {  	v0 =	vsel vm9, v0, v1  }
0x41: {  	v0 =	vmul.f32 $1.442695020e+00, v0;
	_ =	sdelay $0x1  }
0x42: {  	(erf) = vpow2.f32 v0;
	_ =	sdelay $0x2  }
0x43: {  	v0 =	vld [tilespmem:$0x4F20]  }
0x44: {  	v1 =	vld [tilespmem:$0x4FA0];
	_ =	sdelay $0x4  }
0x45: {  	v2 =	vpop (erf)  }
0x46: {  	[tilespmem:$0x5010] =	vst v2  }
0x47: {  	v0 =	vld.idx.msk [tilespmem:v0+s28+$0x0], $0xffff  }
0x48: {  	v1 =	vld.idx.msk [tilespmem:v1+s14+$0x0], $0xffff;
	_ =	sdelay $0x4  }
0x49: {  	v0 =	vadd.f32 v1, v0;
	_ =	sdelay $0x1  }
0x4a: {  	v1 =	vmul.f32 $2.000000030e-01, v0  }
0x4b: {  	vm10 =	vge.f32 v0, $0.0e+00  }
0x4c: {  	v0 =	vsel vm10, v0, v1  }
0x4d: {  	v0 =	vmul.f32 $1.442695020e+00, v0;
	_ =	sdelay $0x1  }
0x4e: {  	(erf) = vpow2.f32 v0;
	_ =	sdelay $0x2  }
0x4f: {  	v0 =	vld [tilespmem:$0x4F30]  }
0x50: {  	v1 =	vld [tilespmem:$0x4FB0];
	_ =	sdelay $0x4  }
0x51: {  	v2 =	vpop (erf)  }
0x52: {  	[tilespmem:$0x5020] =	vst v2  }
0x53: {  	v0 =	vld.idx.msk [tilespmem:v0+s28+$0x0], $0xffff  }
0x54: {  	v1 =	vld.idx.msk [tilespmem:v1+s14+$0x0], $0xffff;
	_ =	sdelay $0x4  }
0x55: {  	v0 =	vadd.f32 v1, v0;
	_ =	sdelay $0x1  }
0x56: {  	v1 =	vmul.f32 $2.000000030e-01, v0  }
0x57: {  	vm11 =	vge.f32 v0, $0.0e+00  }
0x58: {  	v0 =	vsel vm11, v0, v1  }
0x59: {  	v0 =	vmul.f32 $1.442695020e+00, v0;
	_ =	sdelay $0x1  }
0x5a: {  	(erf) = vpow2.f32 v0;
	_ =	sdelay $0x2  }
0x5b: {  	v0 =	vld [tilespmem:$0x4F40]  }
0x5c: {  	v1 =	vld [tilespmem:$0x4FC0];
	_ =	sdelay $0x4  }
0x5d: {  	v2 =	vpop (erf)  }
0x5e: {  	[tilespmem:$0x5030] =	vst v2  }
0x5f: {  	v0 =	vld.idx.msk [tilespmem:v0+s28+$0x0], $0xffff  }
0x60: {  	v1 =	vld.idx.msk [tilespmem:v1+s14+$0x0], $0xffff;
	_ =	sdelay $0x4  }
0x61: {  	v0 =	vadd.f32 v1, v0;
	_ =	sdelay $0x1  }
0x62: {  	v1 =	vmul.f32 $2.000000030e-01, v0  }
0x63: {  	vm12 =	vge.f32 v0, $0.0e+00  }
0x64: {  	v0 =	vsel vm12, v0, v1  }
0x65: {  	v0 =	vmul.f32 $1.442695020e+00, v0;
	_ =	sdelay $0x1  }
0x66: {  	(erf) = vpow2.f32 v0;
	_ =	sdelay $0x2  }
0x67: {  	v0 =	vld [tilespmem:$0x4F50]  }
0x68: {  	v1 =	vld [tilespmem:$0x4FD0];
	_ =	sdelay $0x4  }
0x69: {  	v2 =	vpop (erf)  }
0x6a: {  	[tilespmem:$0x5040] =	vst v2  }
0x6b: {  	v0 =	vld.idx.msk [tilespmem:v0+s28+$0x0], $0xffff  }
0x6c: {  	v1 =	vld.idx.msk [tilespmem:v1+s14+$0x0], $0xffff;
	_ =	sdelay $0x4  }
0x6d: {  	v0 =	vadd.f32 v1, v0;
	_ =	sdelay $0x1  }
0x6e: {  	v1 =	vmul.f32 $2.000000030e-01, v0  }
0x6f: {  	vm13 =	vge.f32 v0, $0.0e+00  }
0x70: {  	v0 =	vsel vm13, v0, v1  }
0x71: {  	v0 =	vmul.f32 $1.442695020e+00, v0;
	_ =	sdelay $0x1  }
0x72: {  	(erf) = vpow2.f32 v0;
	_ =	sdelay $0x2  }
0x73: {  	v0 =	vld [tilespmem:$0x4F60]  }
0x74: {  	v1 =	vld [tilespmem:$0x4FE0];
	_ =	sdelay $0x4  }
0x75: {  	v2 =	vpop (erf)  }
0x76: {  	[tilespmem:$0x5050] =	vst v2  }
0x77: {  	v0 =	vld.idx.msk [tilespmem:v0+s28+$0x0], $0xffff  }
0x78: {  	v1 =	vld.idx.msk [tilespmem:v1+s14+$0x0], $0xffff;
	_ =	sdelay $0x4  }
0x79: {  	v0 =	vadd.f32 v1, v0;
	_ =	sdelay $0x1  }
0x7a: {  	v1 =	vmul.f32 $2.000000030e-01, v0  }
0x7b: {  	vm14 =	vge.f32 v0, $0.0e+00  }
0x7c: {  	v0 =	vsel vm14, v0, v1  }
0x7d: {  	v0 =	vmul.f32 $1.442695020e+00, v0;
	_ =	sdelay $0x1  }
0x7e: {  	(erf) = vpow2.f32 v0;
	_ =	sdelay $0x2  }
0x7f: {  	v0 =	vld [tilespmem:$0x4F70]  }
0x80: {  	v1 =	vld [tilespmem:$0x4FF0];
	_ =	sdelay $0x4  }
0x81: {  	v2 =	vpop (erf)  }
0x82: {  	[tilespmem:$0x5060] =	vst v2  }
0x83: {  	v0 =	vld.idx.msk [tilespmem:v0+s28+$0x0], $0xffff  }
0x84: {  	v1 =	vld.idx.msk [tilespmem:v1+s14+$0x0], $0xffff;
	_ =	sdelay $0x4  }
0x85: {  	v0 =	vadd.f32 v1, v0;
	_ =	sdelay $0x1  }
0x86: {  	v1 =	vmul.f32 $2.000000030e-01, v0  }
0x87: {  	vm15 =	vge.f32 v0, $0.0e+00  }
0x88: {  	v0 =	vsel vm15, v0, v1  }
0x89: {  	v0 =	vmul.f32 $1.442695020e+00, v0;
	_ =	sdelay $0x1  }
0x8a: {  	(erf) = vpow2.f32 v0;
	_ =	sdelay $0x5  }
0x8b: {  	v0 =	vmov s28;
	_ =	sdelay $0x2  }
0x8c: {  	v1 =	vpop (erf)  }
0x8d: {  	[tilespmem:$0x5070] =	vst v1  }
0x8e: {  	s30 =	simm.s32 $0x1;
	v0 =	vld.idx.msk [tilespmem:v0+s19+$0x0], $0xffff  }
0x8f: {  	v1 =	vmov s30;
	_ =	sdelay $0x2  }
0x90: {  	s25 =	simm.s32 $0x5080  }
0x91: {  	[tilespmem:s25+$0x0] =	vst v0  }
0x92: {  	s31 =	simm.s32 $0x2;
	v0 =	vld.idx.msk [tilespmem:v1+s19+$0x0], $0xffff  }
0x93: {  	s26 =	simm.s32 $0x3;
	v1 =	vmov s31  }
.LBB2_3:
0x94: {  	p0 =	sne.s32 s26, $0x7F;
	_ =	sdelay $0x1  }
.Ltmp0:
0x95: {  	s25 =	sadd.s32 $0x80, s25;
	(pc) =	sbr.rel @p0 .LBB2_3-.Ltmp0, $3  }
0x96: {  	[tilespmem:s25+$0x0] =	vst v0  }
0x97: {  	v0 =	vld.idx.msk [tilespmem:v1+s19+$0x0], $0xffff;
	_ =	sdelay $0x1  }
0x98: {  	v1 =	vmov s26;
	s26 =	sadd.s32 $0x1, s26  }
0x99: {  	_ =	sdelay $0x1  }
0x9a: {  	s25 =	sadd.s32 $0x80, s25  }
0x9b: {  	[tilespmem:s25+$0x0] =	vst v0  }
0x9c: {  	v0 =	vld.idx.msk [tilespmem:v1+s19+$0x0], $0xffff;
	_ =	sdelay $0x3  }
0x9d: {  	s25 =	sadd.s32 $0x80, s25  }
0x9e: {  	[tilespmem:s25+$0x0] =	vst v0  }
0x9f: {  	[spmem:s3] =	stream.indirect.scatter.add.f32 [tilespmem:s21], [sflag:$0x1], $0x10, s18, s20, $0xb8;
	[tilespmem:$0xB800] =	vst v63  }
0xa0: {  	s23 =	sadd.s32 $0x1, s23;
	_ =	swait.ge [sflag:s13], $0x800  }
0xa1: {  	p0 =	sne.s32 s23, $0x51;
	[sflag:s13] =	ssyncset.done $0x0  }
.Ltmp1:
0xa2: {  	s24 =	sadd.s32 s8, s24;
	[sflag:s13] =	ssyncadd.s32 $0xFFFFF800;
	(pc) =	sbr.rel @p0 .LBB2_2-.Ltmp1, $4  }
0xa3: {  	[hbm4b:s24+s4] =	stream.linear.scatter [tilespmem:s19], [sflag:$0x1], $0x80, $0x38;
	[tilespmem:$0xB800] =	vst v63  }
0xa4: {  	_ =	swait.ge [sflag:s13], $0x80  }
0xa5: {  	[sflag:s13] =	ssyncset.done $0x0  }
0xa6: {  	[sflag:s13] =	ssyncadd.s32 $0xFFFFFF80  }
0xa7: {  	s22 =	sadd.s32 $0x1, s22  }
0xa8: {  	p0 =	sne.s32 s22, s12  }
.Ltmp2:
0xa9: {  	[bflag:$0x0] =	sbarrier.arrive $0xFFFF;
	(pc) =	sbr.rel @p0 .LBB2_1-.Ltmp2, $4  }
0xaa: {  	[hbm:s11], [sflag:s15] =	dma.local [spmem:s16], $0x2780  }
0xab: {  	_ =	swait.ge [sflag:s13], $0x2780  }
0xac: {  	[sflag:s13] =	ssyncset.done $0x0  }
0xad: {  	[sflag:s13] =	ssyncadd.s32 $0xFFFFD880  }
0xae: {  	_ =	sfence.sel $0x180000  }
0xaf: {  	[bflag:$0x0] =	sbarrier.arrive $0xFFFF  }
0xb0: {  	p0 =	sne.s32 s1, $0x0;
	_ =	strace $0x90000047  }
0xb1: {  	s0 =	sadd.s32 @!p0 $0x100000, s0;
	[bflag:$0x2] =	sbarrier.arrive $0xFFFF  }
0xb2: {  	[sflag:s0] =	ssyncadd.tile.s32 @!p0 $0x1;
	_ =	shalt  }
.Lfunc_end2:
_tile_overlayer_lowered:
.L_overlay_start_2:
0xb3: {  	(tag) =	ssettag $0x2  }
0xb4: {  	s0 =	rddreg [dreg:$0x0];
	s2 =	stileid.u32  }
0xb5: {  	s1 =	rddreg [dreg:$0x1];
	p0 =	sne.s32 s2, $0x0  }
0xb6: {  	s3 =	rddreg [dreg:$0x2];
	[bflag:$0x3] =	sbarrier.arrive $0xFFFF;
	s2 =	simm.s32 @!p0 $0x1C01  }
0xb7: {  	[timem:s3], [sflag:s2] =	dma.local @!p0 [hbm:s0], s1  }
0xb8: {  	s0 =	simm.s32 @!p0 $0x1  }
0xb9: {  	_ =	swait.ge @!p0 [sflag:s0], s1  }
0xba: {  	s1 =	ssub.s32 @!p0 $0x0, s1;
	[sflag:s0] =	ssyncset.done @!p0 $0x0  }
0xbb: {  	[sflag:s0] =	ssyncadd.s32 @!p0 s1  }
0xbc: {  	[bflag:$0x3] =	sbarrier.arrive $0xFFFF  }
0xbd: {  	_ =	shalt  }

// kernel: kernel.13.cloned.1.call-start
scs
__scs_entry_jumppad:
0x0: {  	(pc) =	sbr.rel $0x88, $3  }
0x1: {  	(tag) =	ssettag $0x0;
	lr =	simm.s32 $0x1  }
0x2: {  	[smem:$0x3F93] =	sst lr;
	_ =	strace $0xD0000000  }
0x3: {  	_ = 	snop  }
0x4: {  	_ = 	snop  }
0x5: {  	_ = 	snop  }
0x6: {  	_ = 	snop  }
0x7: {  	_ = 	snop  }
__scs_overlays_trampoline_lowered:
0x8: {  	[smem:$0x3FA2] =	sst s0  }
0x9: {  	[smem:$0x3FA3] =	sst s1  }
0xa: {  	[smem:$0x3FA4] =	sst s2  }
0xb: {  	[smem:$0x3FA5] =	sst s3  }
0xc: {  	[smem:$0x3FA6] =	sst s4  }
0xd: {  	[smem:$0x3FA7] =	sst s5  }
0xe: {  	[smem:$0x3FA8] =	sst s6  }
0xf: {  	[smem:$0x3FA9] =	sst s7  }
0x10: {  	[smem:$0x3FAA] =	sst s8  }
0x11: {  	[smem:$0x3FAB] =	sst s9;
	s0 =	simm.s32 @!p0 $0x0  }
0x12: {  	s1 =	sld [smem:$0x3F91];
	s0 =	simm.s32 @p0 $0x1  }
0x13: {  	[smem:$0x3FAC] =	sst s0;
	s0 =	simm.s32 @!p1 $0x0  }
0x14: {  	s2 =	sld [smem:$0x3F90];
	s0 =	simm.s32 @p1 $0x1  }
0x15: {  	[smem:$0x3FAD] =	sst s0;
	s0 =	simm.s32 @!p2 $0x0  }
0x16: {  	s3 =	sld [smem:$0x3FDB];
	s0 =	simm.s32 @p2 $0x1  }
0x17: {  	s4 =	simm.s32 $0x1BF5;
	[smem:$0x3FAF] =	sst s0  }
0x18: {  	s0 =	sld [smem:$0x3F92];
	_ =	swait.ge [sflag:s4], $0x0  }
0x19: {  	s7 =	sld [smem:$0x3F93]  }
0x1a: {  	s8 =	sadd.s32 $0xFFFFE003, lr  }
0x1b: {  	s9 =	sadd.s32 $0xFFFFFEF7, lr;
	s5 =	simm.s32 $0xFFFFFFFF;
	p2 =	slt.u32 s8, $0xFFFFF086  }
0x1c: {  	p1 =	slt.u32 s9, $0xF7A;
	s5 =	simm.s32 @!p2 $0x0  }
0x1d: {  	s5 =	simm.s32 @p1 $0x1;
	p0 =	seq.s32 s7, s2  }
0x1e: {  	s7 =	smul.u32 @!p0 $0xF7A, s2;
	p2 =	seq.s32 @!p0 s5, $0x0  }
0x1f: {  	s9 =	smul.u32 $0xF7A, s1;
	s8 =	simm.s32 @!p0 $0x1BF5;
	p2 =	por !p2, p0  }
0x20: {  	[sflag:s8] =	ssyncset.s32 @!p0 $0xFFFFF086;
	s6 =	sadd.s32 @!p0 s3, s7;
	s7 =	simm.s32 @!p0 $0x108  }
0x21: {  	s3 =	sadd.s32 s3, s9;
	s6 =	sadd.s32 @!p0 $0x88, s6;
	s7 =	simm.s32 @p2 $0x1082  }
0x22: {  	[simem:s7], [sflag:s8] =	dma.local @!p0 [hbm:s6], $0xF7A  }
0x23: {  	s9 =	sor.u32 $0xD0000000, s2;
	s6 =	simm.s32 $0x108;
	_ =	swait.ge @!p0 [sflag:s8], $0x0  }
0x24: {  	s3 =	sadd.s32 $0x88, s3;
	s6 =	simm.s32 @!p1 $0x1082;
	[sflag:s4] =	ssyncset.s32 $0xFFFFF086  }
0x25: {  	[simem:s6], [sflag:s4] =	dma.local [hbm:s3], $0xF7A  }
0x26: {  	[smem:$0x3F93] =	sst s1;
	(tag) =	ssettag s2;
	_ =	strace s9  }
0x27: {  	s1 =	sld [smem:$0x3FA3]  }
0x28: {  	s2 =	sld [smem:$0x3FA4]  }
0x29: {  	s4 =	sld [smem:$0x3FA6]  }
0x2a: {  	p0 =	seq.s32 s5, $0x0;
	s5 =	sld [smem:$0x3FA7]  }
0x2b: {  	s6 =	sld [smem:$0x3FA8]  }
0x2c: {  	s7 =	sld [smem:$0x3FA9]  }
0x2d: {  	s3 =	simm.s32 $0x108;
	s8 =	sld [smem:$0x3FAA]  }
0x2e: {  	s3 =	simm.s32 @!p0 $0x1082;
	s9 =	sld [smem:$0x3FAB]  }
0x2f: {  	lr =	sadd.s32 s0, s3;
	s0 =	sld [smem:$0x3FA2]  }
0x30: {  	s3 =	sld [smem:$0x3FA5]  }
0x31: {  	[smem:$0x3FAE] =	sst s10  }
0x32: {  	s10 =	sld [smem:$0x3FAC];
	_ =	sdelay $0x3  }
0x33: {  	p0 =	seq.s32 s10, $0x1;
	s10 =	sld [smem:$0x3FAE];
	_ =	sdelay $0x3  }
0x34: {  	[smem:$0x3FAE] =	sst s10  }
0x35: {  	s10 =	sld [smem:$0x3FAD];
	_ =	sdelay $0x3  }
0x36: {  	p1 =	seq.s32 s10, $0x1;
	s10 =	sld [smem:$0x3FAE];
	_ =	sdelay $0x3  }
0x37: {  	[smem:$0x3FAE] =	sst s10  }
0x38: {  	s10 =	sld [smem:$0x3FAF]  }
0x39: {  	_ = 	snop;
	(pc) =	sbr.ind lr, $3  }
0x3a: {  	_ = 	snop  }
0x3b: {  	_ = 	snop  }
0x3c: {  	p2 =	seq.s32 s10, $0x1;
	s10 =	sld [smem:$0x3FAE]  }
0x3d: {  	_ =	shalt  }
0x3e: {  	_ =	shalt  }
0x3f: {  	_ =	shalt  }
0x40: {  	_ =	shalt  }
0x41: {  	_ =	shalt  }
0x42: {  	_ =	shalt  }
0x43: {  	_ =	shalt  }
0x44: {  	_ =	shalt  }
0x45: {  	_ =	shalt  }
0x46: {  	_ =	shalt  }
0x47: {  	_ =	shalt  }
0x48: {  	_ =	shalt  }
0x49: {  	_ =	shalt  }
0x4a: {  	_ =	shalt  }
0x4b: {  	_ =	shalt  }
0x4c: {  	_ =	shalt  }
0x4d: {  	_ =	shalt  }
0x4e: {  	_ =	shalt  }
0x4f: {  	_ =	shalt  }
0x50: {  	_ =	shalt  }
0x51: {  	_ =	shalt  }
0x52: {  	_ =	shalt  }
0x53: {  	_ =	shalt  }
0x54: {  	_ =	shalt  }
0x55: {  	_ =	shalt  }
0x56: {  	_ =	shalt  }
0x57: {  	_ =	shalt  }
0x58: {  	_ =	shalt  }
0x59: {  	_ =	shalt  }
0x5a: {  	_ =	shalt  }
0x5b: {  	_ =	shalt  }
0x5c: {  	_ =	shalt  }
0x5d: {  	_ =	shalt  }
0x5e: {  	_ =	shalt  }
0x5f: {  	_ =	shalt  }
0x60: {  	_ =	shalt  }
0x61: {  	_ =	shalt  }
0x62: {  	_ =	shalt  }
0x63: {  	_ =	shalt  }
0x64: {  	_ =	shalt  }
0x65: {  	_ =	shalt  }
0x66: {  	_ =	shalt  }
0x67: {  	_ =	shalt  }
0x68: {  	_ =	shalt  }
0x69: {  	_ =	shalt  }
0x6a: {  	_ =	shalt  }
0x6b: {  	_ =	shalt  }
0x6c: {  	_ =	shalt  }
0x6d: {  	_ =	shalt  }
0x6e: {  	_ =	shalt  }
0x6f: {  	_ =	shalt  }
0x70: {  	_ =	shalt  }
0x71: {  	_ =	shalt  }
0x72: {  	_ =	shalt  }
0x73: {  	_ =	shalt  }
0x74: {  	_ =	shalt  }
0x75: {  	_ =	shalt  }
0x76: {  	_ =	shalt  }
0x77: {  	_ =	shalt  }
0x78: {  	_ =	shalt  }
0x79: {  	_ =	shalt  }
0x7a: {  	_ =	shalt  }
0x7b: {  	_ =	shalt  }
0x7c: {  	_ =	shalt  }
0x7d: {  	_ =	shalt  }
0x7e: {  	_ =	shalt  }
0x7f: {  	_ =	shalt  }
0x80: {  	_ =	shalt  }
0x81: {  	_ =	shalt  }
0x82: {  	_ =	shalt  }
0x83: {  	_ =	shalt  }
0x84: {  	_ =	shalt  }
0x85: {  	_ =	shalt  }
0x86: {  	_ =	shalt  }
0x87: {  	_ =	shalt  }
.Lfunc_end0:
.L_simem_size_0:
called_computation.1_lowered:
.L_overlay_start_0:
0x88: {  	s2 =	sld [smem:$0x3FD9]  }
0x89: {  	s3 =	sld [smem:$0x3FFE];
	_ =	sdelay $0x1  }
0x8a: {  	s1 =	srdreg.scid  }
0x8b: {  	s0 =	sand.u32 $0x1, s1  }
0x8c: {  	s14 =	sshll.u32 s0, $0xA;
	s2 =	sadd.s32 s3, s2  }
0x8d: {  	s2 =	sadd.s32 s2, s14  }
0x8e: {  	[smem:$0x3FBA] =	sst s2  }
0x8f: {  	_ = 	snop  }
0x90: {  	s2 =	sld [smem:$0x3FD0];
	_ =	sdelay $0x2  }
0x91: {  	s15 =	simm.s32 $0xA;
	s4 =	simm.s32 $0x10  }
0x92: {  	[smem:s4], [sflag:s15] =	dma.local [hbm:s2], $0x1  }
0x93: {  	_ =	swait.eq [sflag:s15], $0x1  }
0x94: {  	[sflag:s15] =	ssyncset.done $0x0  }
0x95: {  	[sflag:s15] =	ssyncadd.s32 $0xFFFFFFFF  }
0x96: {  	s16 =	sld [smem:$0x11];
	(tm) =	ssettm $0x1  }
0x97: {  	s17 =	sld [smem:$0x3FFB];
	_ =	sdelay $0x3  }
0x98: {  	_ =	strace s17  }
0x99: {  	s3 =	sld [smem:$0x3FFC];
	_ =	sdelay $0x3  }
0x9a: {  	_ =	strace s3  }
0x9b: {  	s3 =	sld [smem:$0x3FFD];
	_ =	sdelay $0x3  }
0x9c: {  	_ =	strace s3  }
0x9d: {  	_ =	strace $0x8FFFFFFF  }
0x9e: {  	s18 =	sld [smem:$0x3FDB];
	_ =	sdelay $0x1  }
0x9f: {  	s19 =	simm.s32 $_scs_section_size  }
0xa0: {  	s5 =	simm.s32 $_size__tile_overlayer_lowered;
	s6 =	simm.s32 $_tile_overlayer_lowered  }
0xa1: {  	s22 =	simm.s32 $0x1BFF;
	s21 =	sshll.u32 s6, $0x1;
	s3 =	sadd.s32 s19, s18  }
0xa2: {  	s7 =	simm.s32 $0x0;
	s20 =	sshll.u32 s5, $0x1;
	s5 =	sadd.s32 s21, s3  }
0xa3: {  	[timem:s7], [sflag:s22] =	dma.local [hbm:s5], s20  }
0xa4: {  	_ =	swait.ge [sflag:s22], s20  }
0xa5: {  	s4 =	ssub.s32 $0x0, s20;
	[sflag:s22] =	ssyncset.done $0x0  }
0xa6: {  	[sflag:s22] =	ssyncadd.s32 s4;
	_ =	sdelay $0x1  }
0xa7: {  	s23 =	simm.s32 $0x1B8B  }
0xa8: {  	_ =	swait.ge [sflag:s23], $0x1  }
0xa9: {  	[sflag:s23] =	ssyncset.done $0x0  }
0xaa: {  	s25 =	simm.s32 $0x1B8E;
	s24 =	sld [smem:$0x3FFE];
	[sflag:s23] =	ssyncadd.s32 $0xFFFFFFFF  }
0xab: {  	s26 =	simm.s32 $execute0_lowered;
	[smem:$0x3FD2] =	sst s25  }
0xac: {  	s5 =	sshll.u32 s26, $0x1;
	_ =	strace $0x80000049;
	[dreg:$0x1] =	wrdreg $0xFFFFFFFF  }
0xad: {  	s28 =	simm.s32 $_size_execute0_lowered;
	s3 =	sadd.s32 s3, s5;
	[dreg:$0x0] =	wrdreg $0x0  }
0xae: {  	s5 =	sshll.u32 s28, $0x1;
	[dreg:$0x2] =	wrdreg s3  }
0xaf: {  	[dreg:$0x3] =	wrdreg s5  }
0xb0: {  	[dreg:$0x4] =	wrdreg $0xC0  }
0xb1: {  	_ =	task [dreg:s7], $0x5FFFF  }
0xb2: {  	[dreg:$0x1] =	wrdreg $0xFFFFFFFF  }
0xb3: {  	[dreg:$0x0] =	wrdreg $0x60  }
0xb4: {  	[dreg:$0x2] =	wrdreg s24  }
0xb5: {  	[dreg:$0x3] =	wrdreg s16  }
0xb6: {  	[dreg:$0x4] =	wrdreg $0x41800  }
0xb7: {  	[dreg:$0x5] =	wrdreg $0x9  }
0xb8: {  	_ =	task.clear_ibuf [dreg:s7], $0x6FFFF;
	_ =	strace $0x90000049  }
0xb9: {  	s29 =	simm.s32 $0x9;
	_ =	strace $0x8000004B  }
0xba: {  	_ =	swait.ge [sflag:s29], $0x1  }
0xbb: {  	[sflag:s29] =	ssyncadd.s32 $0xFFFFFFFF  }
0xbc: {  	_ =	strace $0x9000004B  }
0xbd: {  	_ =	sfence  }
0xbe: {  	s30 =	sld [smem:$0x0];
	_ =	sdelay $0x2  }
0xbf: {  	s31 =	sshll.u32 s1, $0xD;
	s1 =	sshrl.u32 s1, $0x2  }
0xc0: {  	s3 =	sand.u32 $0x4000, s31;
	s1 =	sadd.s32 s1, s30  }
0xc1: {  	s0 =	sor.u32 s3, s0;
	s1 =	sshll.u32 s1, $0x11  }
0xc2: {  	s0 =	sor.u32 s1, s0  }
0xc3: {  	s0 =	sadd.s32 $0x8F2B, s0  }
0xc4: {  	[sflag:s0] =	ssyncadd.remote.s32 $0x1  }
0xc5: {  	_ =	sfence.sel $0xFFFF  }
0xc6: {  	[dreg:$0x0] =	wrdreg $0xFFFFFFFF;
	(pc) =	sbr.abs _section_cstart, $3  }
0xc7: {  	[dreg:$0x1] =	wrdreg $0xFFFFFFFF  }
0xc8: {  	_ =	task.clear_ibuf [dreg:s7], $0x2FFFF;
	_ =	strace $0x9FFFFFFF  }
0xc9: {  	(tm) =	ssettm $0x7FFFFFFF  }
tec
execute0_lowered:
.L_overlay_start_1:
0x0: {  	(tag) =	ssettag $0x1  }
0x1: {  	s11 =	rddreg [dreg:$0x0]  }
0x2: {  	s1 =	rddreg [dreg:$0x1]  }
0x3: {  	s2 =	rddreg [dreg:$0x2]  }
0x4: {  	s0 =	rddreg [dreg:$0x3]  }
0x5: {  	s4 =	simm.s32 $0x0;
	s3 =	stileid.u32;
	s7 =	srdreg.scid  }
0x6: {  	s21 =	simm.s32 $0x80;
	s22 =	simm.s32 $0x100;
	s23 =	simm.s32 $0x180  }
0x7: {  	s24 =	simm.s32 $0x1;
	[smem:$0x7FF] =	sst s4;
	s5 =	sadd.s32 $0x185800, s11  }
0x8: {  	s6 =	sadd.s32 $0x15E600, s11;
	s12 =	smul.u32 $0x13C00, s3;
	s13 =	sand.u32 $0x1, s7  }
0x9: {  	s7 =	sadd.s32 $0x137400, s11;
	s8 =	sadd.s32 $0xE200, s11;
	s9 =	sadd.s32 $0x3200, s11  }
0xa: {  	s10 =	sadd.s32 $0xDD400, s11;
	s17 =	smul.u32 $0x4F000, s3;
	s31 =	sshll.u32 s3, $0x6  }
0xb: {  	_ =	strace $0x8000004A;
	s14 =	smul.u32 $0x4F0000, s13;
	s28 =	ssub.s32 $0x2, s13  }
0xc: {  	s29 =	sshll.u32 s13, $0x4;
	s15 =	sshrl.u32 s12, $0x3;
	s16 =	sshrl.u32 s28, $0x1  }
0xd: {  	s13 =	sor.u32 s3, s29;
	s30 =	sshrl.u32 s17, $0x2;
	s12 =	sadd.s32 s12, s14  }
0xe: {  	s15 =	sadd.s32 s15, s11;
	s13 =	smul.u32 $0x2C00, s13;
	s12 =	sshrl.u32 s12, $0x3  }
0xf: {  	s18 =	sadd.s32 s12, s11;
	s11 =	sadd.s32 $0x19200, s15;
	s12 =	sor.u32 $0x1C02, s31  }
0x10: {  	s19 =	ssub.s32 s28, s16;
	s14 =	sadd.s32 $0x1ACA00, s18;
	s15 =	sadd.s32 $0x1D4200, s18  }
0x11: {  	s20 =	sadd.s32 s30, s2;
	s16 =	sadd.s32 $0x1FBA00, s18;
	s17 =	sadd.s32 $0x223200, s18  }
0x12: {  	s18 =	smax.u32 s19, $0x1;
	s19 =	sshrl.u32 s20, $0x3;
	s20 =	simm.s32 $0x2  }
.LBB2_1:
0x13: {  	[spmem:s19], [sflag:s12] =	dma.local [hbm:s11], $0x2780  }
0x14: {  	_ =	swait.ge [sflag:s20], $0x2780  }
0x15: {  	[sflag:s20] =	ssyncset.done $0x0  }
0x16: {  	[sflag:s20] =	ssyncadd.s32 $0xFFFFD880  }
0x17: {  	s25 =	simm.s32 $0x0;
	[bflag:$0x0] =	sbarrier.arrive $0xFFFF  }
.LBB2_2:
0x18: {  	s26 =	sshll.u32 s25, $0x7  }
0x19: {  	s28 =	sand.u32 $0x3C00, s26  }
0x1a: {  	s26 =	sand.u32 $0x380, s26;
	s28 =	sadd.s32 s13, s28  }
0x1b: {  	s26 =	sor.u32 s26, s28  }
0x1c: {  	s26 =	sshrl.u32 s26, $0x3  }
0x1d: {  	s29 =	simm.s32 $0x0;
	s28 =	sadd.s32 s8, s26  }
0x1e: {  	[tilespmem:s29], [sflag:$0x2] =	stream.linear.gather [hbm4b:s28+s29], $0x80, $0x38;
	[tilespmem:$0x17D80] =	vst v63  }
0x1f: {  	_ =	swait.ge [sflag:s20], $0x80  }
0x20: {  	[sflag:s20] =	ssyncset.done $0x0  }
0x21: {  	s28 =	sadd.s32 s9, s26;
	[sflag:s20] =	ssyncadd.s32 $0xFFFFFF80  }
0x22: {  	[tilespmem:s21], [sflag:$0x2] =	stream.linear.gather [hbm4b:s28+s29], $0x80, $0x38;
	[tilespmem:$0x17D80] =	vst v63  }
0x23: {  	_ =	swait.ge [sflag:s20], $0x80  }
0x24: {  	[sflag:s20] =	ssyncset.done $0x0  }
0x25: {  	s26 =	sadd.s32 s10, s26;
	[sflag:s20] =	ssyncadd.s32 $0xFFFFFF80  }
0x26: {  	[tilespmem:s22], [sflag:$0x2] =	stream.linear.gather [hbm4b:s26+s29], $0x80, $0x38;
	[tilespmem:$0x17D80] =	vst v63  }
0x27: {  	_ =	swait.ge [sflag:s20], $0x80  }
0x28: {  	[sflag:s20] =	ssyncset.done $0x0  }
0x29: {  	[sflag:s20] =	ssyncadd.s32 $0xFFFFFF80  }
0x2a: {  	[tilespmem:s23], [sflag:$0x1] =	stream.indirect.gather [hbm4b:s5+s21], $0x80, s29, s21, $0xb8;
	[tilespmem:$0x17D80] =	vst v63  }
0x2b: {  	_ =	swait.ge [sflag:s24], $0x4000  }
0x2c: {  	v0 =	vmov s29;
	[sflag:s24] =	ssyncset.done $0x0  }
0x2d: {  	s26 =	simm.s32 $0x1C0;
	[sflag:s24] =	ssyncadd.s32 $0xFFFFC000  }
0x2e: {  	v4 =	vld [tilespmem:s26+$0x30]  }
0x2f: {  	v7 =	vld [tilespmem:s26+$0x10]  }
0x30: {  	v5 =	vld [tilespmem:s26+$0xFFFFFFC0]  }
0x31: {  	v1 =	vld.idx.msk [tilespmem:v0+s22+$0x0], $0xffff  }
0x32: {  	v9 =	vld [tilespmem:s26+$0xFFFFFFE0]  }
0x33: {  	v0 =	vld [tilespmem:s26+$0xFFFFFFF0]  }
0x34: {  	v2 =	vld [tilespmem:s26+$0x20]  }
0x35: {  	v3 =	vld [tilespmem:s26+$0xFFFFFFD0]  }
0x36: {  	v8 =	vmul.f32 v4, v1;
	v4 =	vld [tilespmem:s26+$0x0]  }
0x37: {  	v6 =	vmul.f32 v5, v1  }
0x38: {  	s28 =	simm.s32 $0x1;
	s29 =	simm.s32 $0x1C0;
	v5 =	vmul.f32 v9, v1;
	v7 =	vmul.f32 v7, v1  }
.LBB2_3:
0x39: {  	p0 =	sne.s32 s28, $0x7F  }
0x3a: {  	v3 =	vmul.f32 v3, v1;
	v2 =	vmul.f32 v2, v1;
	[tilespmem:s26+$0x30] =	vst v8;
	s29 =	sadd.s32 $0x80, s29;
	s30 =	smov.u32 s28;
	s28 =	sadd.s32 $0x1, s28  }
0x3b: {  	[tilespmem:s26+$0xFFFFFFC0] =	vst v6;
	v6 =	vmul.f32 v0, v1;
	v1 =	vmul.f32 v4, v1  }
0x3c: {  	[tilespmem:s26+$0x10] =	vst v7  }
0x3d: {  	v4 =	vmov s30;
	[tilespmem:s26+$0xFFFFFFE0] =	vst v5  }
0x3e: {  	v0 =	vld [tilespmem:s29+$0xFFFFFFF0];
	[tilespmem:s26+$0xFFFFFFF0] =	vst v6  }
0x3f: {  	v5 =	vld [tilespmem:s29+$0x30];
	[tilespmem:s26+$0x0] =	vst v1  }
0x40: {  	v7 =	vld [tilespmem:s29+$0x10];
	[tilespmem:s26+$0x20] =	vst v2  }
0x41: {  	v6 =	vld [tilespmem:s29+$0xFFFFFFC0];
	[tilespmem:s26+$0xFFFFFFD0] =	vst v3;
	s26 =	smov.u32 s29  }
0x42: {  	v1 =	vld.idx.msk [tilespmem:v4+s22+$0x0], $0xffff  }
0x43: {  	v9 =	vld [tilespmem:s29+$0xFFFFFFE0]  }
0x44: {  	v2 =	vld [tilespmem:s29+$0x20]  }
.Ltmp0:
0x45: {  	v3 =	vld [tilespmem:s29+$0xFFFFFFD0];
	(pc) =	sbr.rel @p0 .LBB2_3-.Ltmp0, $3  }
0x46: {  	v4 =	vld [tilespmem:s29+$0x0];
	_ =	sdelay $0x1  }
0x47: {  	v6 =	vmul.f32 v6, v1;
	v8 =	vmul.f32 v5, v1  }
0x48: {  	v7 =	vmul.f32 v7, v1;
	v5 =	vmul.f32 v9, v1  }
0x49: {  	[tilespmem:s26+$0x30] =	vst v8  }
0x4a: {  	[tilespmem:s26+$0xFFFFFFC0] =	vst v6  }
0x4b: {  	v0 =	vmul.f32 v0, v1;
	[tilespmem:s26+$0x10] =	vst v7  }
0x4c: {  	v2 =	vmul.f32 v2, v1;
	[tilespmem:s26+$0xFFFFFFE0] =	vst v5  }
0x4d: {  	v63 =	vmul.f32 v3, v1;
	[tilespmem:s26+$0xFFFFFFF0] =	vst v0  }
0x4e: {  	s25 =	sadd.s32 $0x1, s25;
	v4 =	vmul.f32 v4, v1;
	[tilespmem:s26+$0x20] =	vst v2  }
0x4f: {  	p0 =	sne.s32 s25, $0x51;
	[tilespmem:s26+$0xFFFFFFD0] =	vst v63  }
.Ltmp1:
0x50: {  	[tilespmem:s26+$0x0] =	vst v4;
	(pc) =	sbr.rel @p0 .LBB2_2-.Ltmp1, $4  }
0x51: {  	[spmem:s2] =	stream.indirect.scatter.add.f32 [tilespmem:s23], [sflag:$0x2], $0x80, s21, s21, $0xb8;
	[tilespmem:$0x17D80] =	vst v63  }
0x52: {  	_ =	swait.ge [sflag:s20], $0x4000  }
0x53: {  	[sflag:s20] =	ssyncset.done $0x0  }
0x54: {  	[sflag:s20] =	ssyncadd.s32 $0xFFFFC000  }
0x55: {  	[bflag:$0x0] =	sbarrier.arrive $0xFFFF  }
0x56: {  	[hbm:s14], [sflag:s12] =	dma.local [spmem:s19], $0x2780  }
0x57: {  	_ =	swait.ge [sflag:s20], $0x2780  }
0x58: {  	[sflag:s20] =	ssyncset.done $0x0  }
0x59: {  	[sflag:s20] =	ssyncadd.s32 $0xFFFFD880  }
0x5a: {  	[spmem:s19], [sflag:s12] =	dma.local [hbm:s11], $0x2780  }
0x5b: {  	_ =	swait.ge [sflag:s20], $0x2780  }
0x5c: {  	[sflag:s20] =	ssyncset.done $0x0  }
0x5d: {  	[sflag:s20] =	ssyncadd.s32 $0xFFFFD880  }
0x5e: {  	s25 =	simm.s32 $0x0;
	s26 =	simm.s32 $0x0;
	[bflag:$0x0] =	sbarrier.arrive $0xFFFF  }
.LBB2_6:
0x5f: {  	s28 =	sshll.u32 s26, $0x7  }
0x60: {  	s29 =	sand.u32 $0x3C00, s28  }
0x61: {  	s28 =	sand.u32 $0x380, s28;
	s29 =	sadd.s32 s13, s29  }
0x62: {  	s28 =	sor.u32 s28, s29  }
0x63: {  	s28 =	sshrl.u32 s28, $0x3  }
0x64: {  	s29 =	sadd.s32 s8, s28  }
0x65: {  	[tilespmem:s25], [sflag:$0x2] =	stream.linear.gather [hbm4b:s29+s25], $0x80, $0x38;
	[tilespmem:$0x17D80] =	vst v63  }
0x66: {  	_ =	swait.ge [sflag:s20], $0x80  }
0x67: {  	[sflag:s20] =	ssyncset.done $0x0  }
0x68: {  	s29 =	sadd.s32 s9, s28;
	[sflag:s20] =	ssyncadd.s32 $0xFFFFFF80  }
0x69: {  	[tilespmem:s21], [sflag:$0x2] =	stream.linear.gather [hbm4b:s29+s25], $0x80, $0x38;
	[tilespmem:$0x17D80] =	vst v63  }
0x6a: {  	_ =	swait.ge [sflag:s20], $0x80  }
0x6b: {  	[sflag:s20] =	ssyncset.done $0x0  }
0x6c: {  	s28 =	sadd.s32 s10, s28;
	[sflag:s20] =	ssyncadd.s32 $0xFFFFFF80  }
0x6d: {  	[tilespmem:s22], [sflag:$0x2] =	stream.linear.gather [hbm4b:s28+s25], $0x80, $0x38;
	[tilespmem:$0x17D80] =	vst v63  }
0x6e: {  	_ =	swait.ge [sflag:s20], $0x80  }
0x6f: {  	[sflag:s20] =	ssyncset.done $0x0  }
0x70: {  	[sflag:s20] =	ssyncadd.s32 $0xFFFFFF80  }
0x71: {  	[tilespmem:s23], [sflag:$0x1] =	stream.indirect.gather [hbm4b:s6+s21], $0x80, s25, s21, $0xb8;
	[tilespmem:$0x17D80] =	vst v63  }
0x72: {  	_ =	swait.ge [sflag:s24], $0x4000  }
0x73: {  	v0 =	vmov s25;
	[sflag:s24] =	ssyncset.done $0x0  }
0x74: {  	s28 =	simm.s32 $0x1C0;
	[sflag:s24] =	ssyncadd.s32 $0xFFFFC000  }
0x75: {  	v4 =	vld [tilespmem:s28+$0x30]  }
0x76: {  	v7 =	vld [tilespmem:s28+$0x10]  }
0x77: {  	v5 =	vld [tilespmem:s28+$0xFFFFFFC0]  }
0x78: {  	v1 =	vld.idx.msk [tilespmem:v0+s22+$0x0], $0xffff  }
0x79: {  	v9 =	vld [tilespmem:s28+$0xFFFFFFE0]  }
0x7a: {  	v0 =	vld [tilespmem:s28+$0xFFFFFFF0]  }
0x7b: {  	v2 =	vld [tilespmem:s28+$0x20]  }
0x7c: {  	v3 =	vld [tilespmem:s28+$0xFFFFFFD0]  }
0x7d: {  	v8 =	vmul.f32 v4, v1;
	v4 =	vld [tilespmem:s28+$0x0]  }
0x7e: {  	v6 =	vmul.f32 v5, v1  }
0x7f: {  	s30 =	simm.s32 $0x1C0;
	s29 =	simm.s32 $0x1;
	v5 =	vmul.f32 v9, v1;
	v7 =	vmul.f32 v7, v1  }
.LBB2_7:
0x80: {  	p0 =	sne.s32 s29, $0x7F  }
0x81: {  	v3 =	vmul.f32 v3, v1;
	v2 =	vmul.f32 v2, v1;
	[tilespmem:s28+$0x30] =	vst v8;
	s30 =	sadd.s32 $0x80, s30;
	s31 =	smov.u32 s29;
	s29 =	sadd.s32 $0x1, s29  }
0x82: {  	[tilespmem:s28+$0xFFFFFFC0] =	vst v6;
	v6 =	vmul.f32 v0, v1;
	v1 =	vmul.f32 v4, v1  }
0x83: {  	[tilespmem:s28+$0x10] =	vst v7  }
0x84: {  	v4 =	vmov s31;
	[tilespmem:s28+$0xFFFFFFE0] =	vst v5  }
0x85: {  	v0 =	vld [tilespmem:s30+$0xFFFFFFF0];
	[tilespmem:s28+$0xFFFFFFF0] =	vst v6  }
0x86: {  	v5 =	vld [tilespmem:s30+$0x30];
	[tilespmem:s28+$0x0] =	vst v1  }
0x87: {  	v7 =	vld [tilespmem:s30+$0x10];
	[tilespmem:s28+$0x20] =	vst v2  }
0x88: {  	v6 =	vld [tilespmem:s30+$0xFFFFFFC0];
	[tilespmem:s28+$0xFFFFFFD0] =	vst v3;
	s28 =	smov.u32 s30  }
0x89: {  	v1 =	vld.idx.msk [tilespmem:v4+s22+$0x0], $0xffff  }
0x8a: {  	v9 =	vld [tilespmem:s30+$0xFFFFFFE0]  }
0x8b: {  	v2 =	vld [tilespmem:s30+$0x20]  }
.Ltmp2:
0x8c: {  	v3 =	vld [tilespmem:s30+$0xFFFFFFD0];
	(pc) =	sbr.rel @p0 .LBB2_7-.Ltmp2, $3  }
0x8d: {  	v4 =	vld [tilespmem:s30+$0x0];
	_ =	sdelay $0x1  }
0x8e: {  	v6 =	vmul.f32 v6, v1;
	v8 =	vmul.f32 v5, v1  }
0x8f: {  	v7 =	vmul.f32 v7, v1;
	v5 =	vmul.f32 v9, v1  }
0x90: {  	[tilespmem:s28+$0x30] =	vst v8  }
0x91: {  	[tilespmem:s28+$0xFFFFFFC0] =	vst v6  }
0x92: {  	v0 =	vmul.f32 v0, v1;
	[tilespmem:s28+$0x10] =	vst v7  }
0x93: {  	v2 =	vmul.f32 v2, v1;
	[tilespmem:s28+$0xFFFFFFE0] =	vst v5  }
0x94: {  	v63 =	vmul.f32 v3, v1;
	[tilespmem:s28+$0xFFFFFFF0] =	vst v0  }
0x95: {  	s26 =	sadd.s32 $0x1, s26;
	v4 =	vmul.f32 v4, v1;
	[tilespmem:s28+$0x20] =	vst v2  }
0x96: {  	p0 =	sne.s32 s26, $0x51;
	[tilespmem:s28+$0xFFFFFFD0] =	vst v63  }
.Ltmp3:
0x97: {  	[tilespmem:s28+$0x0] =	vst v4;
	(pc) =	sbr.rel @p0 .LBB2_6-.Ltmp3, $4  }
0x98: {  	[spmem:s2] =	stream.indirect.scatter.add.f32 [tilespmem:s23], [sflag:$0x2], $0x80, s21, s21, $0xb8;
	[tilespmem:$0x17D80] =	vst v63  }
0x99: {  	_ =	swait.ge [sflag:s20], $0x4000  }
0x9a: {  	[sflag:s20] =	ssyncset.done $0x0  }
0x9b: {  	[sflag:s20] =	ssyncadd.s32 $0xFFFFC000  }
0x9c: {  	[bflag:$0x0] =	sbarrier.arrive $0xFFFF  }
0x9d: {  	[hbm:s15], [sflag:s12] =	dma.local [spmem:s19], $0x2780  }
0x9e: {  	_ =	swait.ge [sflag:s20], $0x2780  }
0x9f: {  	[sflag:s20] =	ssyncset.done $0x0  }
0xa0: {  	[sflag:s20] =	ssyncadd.s32 $0xFFFFD880  }
0xa1: {  	[spmem:s19], [sflag:s12] =	dma.local [hbm:s11], $0x2780  }
0xa2: {  	_ =	swait.ge [sflag:s20], $0x2780  }
0xa3: {  	[sflag:s20] =	ssyncset.done $0x0  }
0xa4: {  	[sflag:s20] =	ssyncadd.s32 $0xFFFFD880  }
0xa5: {  	s25 =	simm.s32 $0x0;
	s26 =	simm.s32 $0x0;
	[bflag:$0x0] =	sbarrier.arrive $0xFFFF  }
.LBB2_10:
0xa6: {  	s28 =	sshll.u32 s26, $0x7  }
0xa7: {  	s29 =	sand.u32 $0x3C00, s28  }
0xa8: {  	s28 =	sand.u32 $0x380, s28;
	s29 =	sadd.s32 s13, s29  }
0xa9: {  	s28 =	sor.u32 s28, s29  }
0xaa: {  	s28 =	sshrl.u32 s28, $0x3  }
0xab: {  	s29 =	sadd.s32 s8, s28  }
0xac: {  	[tilespmem:s25], [sflag:$0x2] =	stream.linear.gather [hbm4b:s29+s25], $0x80, $0x38;
	[tilespmem:$0x17D80] =	vst v63  }
0xad: {  	_ =	swait.ge [sflag:s20], $0x80  }
0xae: {  	[sflag:s20] =	ssyncset.done $0x0  }
0xaf: {  	s29 =	sadd.s32 s9, s28;
	[sflag:s20] =	ssyncadd.s32 $0xFFFFFF80  }
0xb0: {  	[tilespmem:s21], [sflag:$0x2] =	stream.linear.gather [hbm4b:s29+s25], $0x80, $0x38;
	[tilespmem:$0x17D80] =	vst v63  }
0xb1: {  	_ =	swait.ge [sflag:s20], $0x80  }
0xb2: {  	[sflag:s20] =	ssyncset.done $0x0  }
0xb3: {  	s28 =	sadd.s32 s10, s28;
	[sflag:s20] =	ssyncadd.s32 $0xFFFFFF80  }
0xb4: {  	[tilespmem:s22], [sflag:$0x2] =	stream.linear.gather [hbm4b:s28+s25], $0x80, $0x38;
	[tilespmem:$0x17D80] =	vst v63  }
0xb5: {  	_ =	swait.ge [sflag:s20], $0x80  }
0xb6: {  	[sflag:s20] =	ssyncset.done $0x0  }
0xb7: {  	[sflag:s20] =	ssyncadd.s32 $0xFFFFFF80  }
0xb8: {  	[tilespmem:s23], [sflag:$0x1] =	stream.indirect.gather [hbm4b:s7+s21], $0x80, s25, s21, $0xb8;
	[tilespmem:$0x17D80] =	vst v63  }
0xb9: {  	_ =	swait.ge [sflag:s24], $0x4000  }
0xba: {  	v0 =	vmov s25;
	[sflag:s24] =	ssyncset.done $0x0  }
0xbb: {  	s28 =	simm.s32 $0x1C0;
	[sflag:s24] =	ssyncadd.s32 $0xFFFFC000  }
0xbc: {  	v4 =	vld [tilespmem:s28+$0x30]  }
0xbd: {  	v7 =	vld [tilespmem:s28+$0x10]  }
0xbe: {  	v5 =	vld [tilespmem:s28+$0xFFFFFFC0]  }
0xbf: {  	v1 =	vld.idx.msk [tilespmem:v0+s22+$0x0], $0xffff  }
0xc0: {  	v9 =	vld [tilespmem:s28+$0xFFFFFFE0]  }
0xc1: {  	v0 =	vld [tilespmem:s28+$0xFFFFFFF0]  }
0xc2: {  	v2 =	vld [tilespmem:s28+$0x20]  }
0xc3: {  	v3 =	vld [tilespmem:s28+$0xFFFFFFD0]  }
0xc4: {  	v8 =	vmul.f32 v4, v1;
	v4 =	vld [tilespmem:s28+$0x0]  }
0xc5: {  	v6 =	vmul.f32 v5, v1  }
0xc6: {  	s30 =	simm.s32 $0x1C0;
	s29 =	simm.s32 $0x1;
	v5 =	vmul.f32 v9, v1;
	v7 =	vmul.f32 v7, v1  }
.LBB2_11:
0xc7: {  	p0 =	sne.s32 s29, $0x7F  }
0xc8: {  	v3 =	vmul.f32 v3, v1;
	v2 =	vmul.f32 v2, v1;
	[tilespmem:s28+$0x30] =	vst v8;
	s30 =	sadd.s32 $0x80, s30;
	s31 =	smov.u32 s29;
	s29 =	sadd.s32 $0x1, s29  }
0xc9: {  	[tilespmem:s28+$0xFFFFFFC0] =	vst v6;
	v6 =	vmul.f32 v0, v1;
	v1 =	vmul.f32 v4, v1  }
0xca: {  	[tilespmem:s28+$0x10] =	vst v7  }
0xcb: {  	v4 =	vmov s31;
	[tilespmem:s28+$0xFFFFFFE0] =	vst v5  }
0xcc: {  	v0 =	vld [tilespmem:s30+$0xFFFFFFF0];
	[tilespmem:s28+$0xFFFFFFF0] =	vst v6  }
0xcd: {  	v5 =	vld [tilespmem:s30+$0x30];
	[tilespmem:s28+$0x0] =	vst v1  }
0xce: {  	v7 =	vld [tilespmem:s30+$0x10];
	[tilespmem:s28+$0x20] =	vst v2  }
0xcf: {  	v6 =	vld [tilespmem:s30+$0xFFFFFFC0];
	[tilespmem:s28+$0xFFFFFFD0] =	vst v3;
	s28 =	smov.u32 s30  }
0xd0: {  	v1 =	vld.idx.msk [tilespmem:v4+s22+$0x0], $0xffff  }
0xd1: {  	v9 =	vld [tilespmem:s30+$0xFFFFFFE0]  }
0xd2: {  	v2 =	vld [tilespmem:s30+$0x20]  }
.Ltmp4:
0xd3: {  	v3 =	vld [tilespmem:s30+$0xFFFFFFD0];
	(pc) =	sbr.rel @p0 .LBB2_11-.Ltmp4, $3  }
0xd4: {  	v4 =	vld [tilespmem:s30+$0x0];
	_ =	sdelay $0x1  }
0xd5: {  	v6 =	vmul.f32 v6, v1;
	v8 =	vmul.f32 v5, v1  }
0xd6: {  	v7 =	vmul.f32 v7, v1;
	v5 =	vmul.f32 v9, v1  }
0xd7: {  	[tilespmem:s28+$0x30] =	vst v8  }
0xd8: {  	[tilespmem:s28+$0xFFFFFFC0] =	vst v6  }
0xd9: {  	v0 =	vmul.f32 v0, v1;
	[tilespmem:s28+$0x10] =	vst v7  }
0xda: {  	v2 =	vmul.f32 v2, v1;
	[tilespmem:s28+$0xFFFFFFE0] =	vst v5  }
0xdb: {  	v63 =	vmul.f32 v3, v1;
	[tilespmem:s28+$0xFFFFFFF0] =	vst v0  }
0xdc: {  	s26 =	sadd.s32 $0x1, s26;
	v4 =	vmul.f32 v4, v1;
	[tilespmem:s28+$0x20] =	vst v2  }
0xdd: {  	p0 =	sne.s32 s26, $0x51;
	[tilespmem:s28+$0xFFFFFFD0] =	vst v63  }
.Ltmp5:
0xde: {  	[tilespmem:s28+$0x0] =	vst v4;
	(pc) =	sbr.rel @p0 .LBB2_10-.Ltmp5, $4  }
0xdf: {  	[spmem:s2] =	stream.indirect.scatter.add.f32 [tilespmem:s23], [sflag:$0x2], $0x80, s21, s21, $0xb8;
	[tilespmem:$0x17D80] =	vst v63  }
0xe0: {  	_ =	swait.ge [sflag:s20], $0x4000  }
0xe1: {  	[sflag:s20] =	ssyncset.done $0x0  }
0xe2: {  	[sflag:s20] =	ssyncadd.s32 $0xFFFFC000  }
0xe3: {  	[bflag:$0x0] =	sbarrier.arrive $0xFFFF  }
0xe4: {  	[hbm:s16], [sflag:s12] =	dma.local [spmem:s19], $0x2780  }
0xe5: {  	_ =	swait.ge [sflag:s20], $0x2780  }
0xe6: {  	[sflag:s20] =	ssyncset.done $0x0  }
0xe7: {  	[sflag:s20] =	ssyncadd.s32 $0xFFFFD880  }
0xe8: {  	[spmem:s19], [sflag:s12] =	dma.local [hbm:s11], $0x2780  }
0xe9: {  	_ =	swait.ge [sflag:s20], $0x2780  }
0xea: {  	[sflag:s20] =	ssyncset.done $0x0  }
0xeb: {  	[sflag:s20] =	ssyncadd.s32 $0xFFFFD880  }
0xec: {  	s25 =	simm.s32 $0x0;
	s26 =	simm.s32 $0x0;
	[bflag:$0x0] =	sbarrier.arrive $0xFFFF  }
.LBB2_14:
0xed: {  	s28 =	sshll.u32 s26, $0x7  }
0xee: {  	s29 =	sand.u32 $0x3C00, s28  }
0xef: {  	s28 =	sand.u32 $0x380, s28;
	s29 =	sadd.s32 s13, s29  }
0xf0: {  	s28 =	sor.u32 s28, s29  }
0xf1: {  	s28 =	sshrl.u32 s28, $0x3  }
0xf2: {  	s29 =	sadd.s32 s8, s28  }
0xf3: {  	[tilespmem:s25], [sflag:$0x2] =	stream.linear.gather [hbm4b:s29+s25], $0x80, $0x38;
	[tilespmem:$0x17D80] =	vst v63  }
0xf4: {  	_ =	swait.ge [sflag:s20], $0x80  }
0xf5: {  	[sflag:s20] =	ssyncset.done $0x0  }
0xf6: {  	s29 =	sadd.s32 s9, s28;
	[sflag:s20] =	ssyncadd.s32 $0xFFFFFF80  }
0xf7: {  	[tilespmem:s21], [sflag:$0x2] =	stream.linear.gather [hbm4b:s29+s25], $0x80, $0x38;
	[tilespmem:$0x17D80] =	vst v63  }
0xf8: {  	_ =	swait.ge [sflag:s20], $0x80  }
0xf9: {  	[sflag:s20] =	ssyncset.done $0x0  }
0xfa: {  	s28 =	sadd.s32 s10, s28;
	[sflag:s20] =	ssyncadd.s32 $0xFFFFFF80  }
0xfb: {  	[tilespmem:s22], [sflag:$0x2] =	stream.linear.gather [hbm4b:s28+s25], $0x80, $0x38;
	[tilespmem:$0x17D80] =	vst v63  }
0xfc: {  	_ =	swait.ge [sflag:s20], $0x80  }
0xfd: {  	[sflag:s20] =	ssyncset.done $0x0  }
0xfe: {  	[sflag:s20] =	ssyncadd.s32 $0xFFFFFF80  }
0xff: {  	[tilespmem:s23], [sflag:$0x1] =	stream.indirect.gather [hbm4b:s1+s21], $0x80, s25, s21, $0xb8;
	[tilespmem:$0x17D80] =	vst v63  }
0x100: {  	_ =	swait.ge [sflag:s24], $0x4000  }
0x101: {  	v0 =	vmov s25;
	[sflag:s24] =	ssyncset.done $0x0  }
0x102: {  	s28 =	simm.s32 $0x1C0;
	[sflag:s24] =	ssyncadd.s32 $0xFFFFC000  }
0x103: {  	v4 =	vld [tilespmem:s28+$0x30]  }
0x104: {  	v7 =	vld [tilespmem:s28+$0x10]  }
0x105: {  	v5 =	vld [tilespmem:s28+$0xFFFFFFC0]  }
0x106: {  	v1 =	vld.idx.msk [tilespmem:v0+s22+$0x0], $0xffff  }
0x107: {  	v9 =	vld [tilespmem:s28+$0xFFFFFFE0]  }
0x108: {  	v0 =	vld [tilespmem:s28+$0xFFFFFFF0]  }
0x109: {  	v2 =	vld [tilespmem:s28+$0x20]  }
0x10a: {  	v3 =	vld [tilespmem:s28+$0xFFFFFFD0]  }
0x10b: {  	v8 =	vmul.f32 v4, v1;
	v4 =	vld [tilespmem:s28+$0x0]  }
0x10c: {  	v6 =	vmul.f32 v5, v1  }
0x10d: {  	s30 =	simm.s32 $0x1C0;
	s29 =	simm.s32 $0x1;
	v5 =	vmul.f32 v9, v1;
	v7 =	vmul.f32 v7, v1  }
.LBB2_15:
0x10e: {  	p0 =	sne.s32 s29, $0x7F  }
0x10f: {  	v3 =	vmul.f32 v3, v1;
	v2 =	vmul.f32 v2, v1;
	[tilespmem:s28+$0x30] =	vst v8;
	s30 =	sadd.s32 $0x80, s30;
	s31 =	smov.u32 s29;
	s29 =	sadd.s32 $0x1, s29  }
0x110: {  	[tilespmem:s28+$0xFFFFFFC0] =	vst v6;
	v6 =	vmul.f32 v0, v1;
	v1 =	vmul.f32 v4, v1  }
0x111: {  	[tilespmem:s28+$0x10] =	vst v7  }
0x112: {  	v4 =	vmov s31;
	[tilespmem:s28+$0xFFFFFFE0] =	vst v5  }
0x113: {  	v0 =	vld [tilespmem:s30+$0xFFFFFFF0];
	[tilespmem:s28+$0xFFFFFFF0] =	vst v6  }
0x114: {  	v5 =	vld [tilespmem:s30+$0x30];
	[tilespmem:s28+$0x0] =	vst v1  }
0x115: {  	v7 =	vld [tilespmem:s30+$0x10];
	[tilespmem:s28+$0x20] =	vst v2  }
0x116: {  	v6 =	vld [tilespmem:s30+$0xFFFFFFC0];
	[tilespmem:s28+$0xFFFFFFD0] =	vst v3;
	s28 =	smov.u32 s30  }
0x117: {  	v1 =	vld.idx.msk [tilespmem:v4+s22+$0x0], $0xffff  }
0x118: {  	v9 =	vld [tilespmem:s30+$0xFFFFFFE0]  }
0x119: {  	v2 =	vld [tilespmem:s30+$0x20]  }
.Ltmp6:
0x11a: {  	v3 =	vld [tilespmem:s30+$0xFFFFFFD0];
	(pc) =	sbr.rel @p0 .LBB2_15-.Ltmp6, $3  }
0x11b: {  	v4 =	vld [tilespmem:s30+$0x0];
	_ =	sdelay $0x1  }
0x11c: {  	v6 =	vmul.f32 v6, v1;
	v8 =	vmul.f32 v5, v1  }
0x11d: {  	v7 =	vmul.f32 v7, v1;
	v5 =	vmul.f32 v9, v1  }
0x11e: {  	[tilespmem:s28+$0x30] =	vst v8  }
0x11f: {  	[tilespmem:s28+$0xFFFFFFC0] =	vst v6  }
0x120: {  	v0 =	vmul.f32 v0, v1;
	[tilespmem:s28+$0x10] =	vst v7  }
0x121: {  	v2 =	vmul.f32 v2, v1;
	[tilespmem:s28+$0xFFFFFFE0] =	vst v5  }
0x122: {  	v63 =	vmul.f32 v3, v1;
	[tilespmem:s28+$0xFFFFFFF0] =	vst v0  }
0x123: {  	s26 =	sadd.s32 $0x1, s26;
	v4 =	vmul.f32 v4, v1;
	[tilespmem:s28+$0x20] =	vst v2  }
0x124: {  	p0 =	sne.s32 s26, $0x51;
	[tilespmem:s28+$0xFFFFFFD0] =	vst v63  }
.Ltmp7:
0x125: {  	[tilespmem:s28+$0x0] =	vst v4;
	(pc) =	sbr.rel @p0 .LBB2_14-.Ltmp7, $4  }
0x126: {  	[spmem:s2] =	stream.indirect.scatter.add.f32 [tilespmem:s23], [sflag:$0x2], $0x80, s21, s21, $0xb8;
	[tilespmem:$0x17D80] =	vst v63  }
0x127: {  	_ =	swait.ge [sflag:s20], $0x4000  }
0x128: {  	[sflag:s20] =	ssyncset.done $0x0  }
0x129: {  	[sflag:s20] =	ssyncadd.s32 $0xFFFFC000  }
0x12a: {  	s4 =	sadd.s32 $0x1, s4  }
0x12b: {  	p0 =	sne.s32 s4, s18  }
.Ltmp8:
0x12c: {  	[bflag:$0x0] =	sbarrier.arrive $0xFFFF;
	(pc) =	sbr.rel @p0 .LBB2_1-.Ltmp8, $4  }
0x12d: {  	[hbm:s17], [sflag:s12] =	dma.local [spmem:s19], $0x2780  }
0x12e: {  	_ =	swait.ge [sflag:s20], $0x2780  }
0x12f: {  	[sflag:s20] =	ssyncset.done $0x0  }
0x130: {  	[sflag:s20] =	ssyncadd.s32 $0xFFFFD880  }
0x131: {  	_ =	sfence.sel $0x180000  }
0x132: {  	[bflag:$0x0] =	sbarrier.arrive $0xFFFF  }
0x133: {  	p0 =	sne.s32 s3, $0x0;
	_ =	strace $0x9000004A  }
0x134: {  	s0 =	sadd.s32 @!p0 $0x100000, s0;
	[bflag:$0x2] =	sbarrier.arrive $0xFFFF  }
0x135: {  	[sflag:s0] =	ssyncadd.tile.s32 @!p0 $0x1;
	_ =	shalt  }
.Lfunc_end2:
_tile_overlayer_lowered:
.L_overlay_start_2:
0x136: {  	(tag) =	ssettag $0x2  }
0x137: {  	s0 =	rddreg [dreg:$0x0];
	s2 =	stileid.u32  }
0x138: {  	s1 =	rddreg [dreg:$0x1];
	p0 =	sne.s32 s2, $0x0  }
0x139: {  	s3 =	rddreg [dreg:$0x2];
	[bflag:$0x3] =	sbarrier.arrive $0xFFFF;
	s2 =	simm.s32 @!p0 $0x1C02  }
0x13a: {  	[timem:s3], [sflag:s2] =	dma.local @!p0 [hbm:s0], s1  }
0x13b: {  	s0 =	simm.s32 @!p0 $0x2  }
0x13c: {  	_ =	swait.ge @!p0 [sflag:s0], s1  }
0x13d: {  	s1 =	ssub.s32 @!p0 $0x0, s1;
	[sflag:s0] =	ssyncset.done @!p0 $0x0  }
0x13e: {  	[sflag:s0] =	ssyncadd.s32 @!p0 s1  }
0x13f: {  	[bflag:$0x3] =	sbarrier.arrive $0xFFFF  }
0x140: {  	_ =	shalt  }

// kernel: kernel.16.cloned.1.call-start
scs
__scs_entry_jumppad:
0x0: {  	(pc) =	sbr.rel $0x88, $3  }
0x1: {  	(tag) =	ssettag $0x0;
	lr =	simm.s32 $0x1  }
0x2: {  	[smem:$0x3F93] =	sst lr;
	_ =	strace $0xD0000000  }
0x3: {  	_ = 	snop  }
0x4: {  	_ = 	snop  }
0x5: {  	_ = 	snop  }
0x6: {  	_ = 	snop  }
0x7: {  	_ = 	snop  }
__scs_overlays_trampoline_lowered:
0x8: {  	[smem:$0x3FA2] =	sst s0  }
0x9: {  	[smem:$0x3FA3] =	sst s1  }
0xa: {  	[smem:$0x3FA4] =	sst s2  }
0xb: {  	[smem:$0x3FA5] =	sst s3  }
0xc: {  	[smem:$0x3FA6] =	sst s4  }
0xd: {  	[smem:$0x3FA7] =	sst s5  }
0xe: {  	[smem:$0x3FA8] =	sst s6  }
0xf: {  	[smem:$0x3FA9] =	sst s7  }
0x10: {  	[smem:$0x3FAA] =	sst s8  }
0x11: {  	[smem:$0x3FAB] =	sst s9;
	s0 =	simm.s32 @!p0 $0x0  }
0x12: {  	s1 =	sld [smem:$0x3F91];
	s0 =	simm.s32 @p0 $0x1  }
0x13: {  	[smem:$0x3FAC] =	sst s0;
	s0 =	simm.s32 @!p1 $0x0  }
0x14: {  	s2 =	sld [smem:$0x3F90];
	s0 =	simm.s32 @p1 $0x1  }
0x15: {  	[smem:$0x3FAD] =	sst s0;
	s0 =	simm.s32 @!p2 $0x0  }
0x16: {  	s3 =	sld [smem:$0x3FDB];
	s0 =	simm.s32 @p2 $0x1  }
0x17: {  	s4 =	simm.s32 $0x1BF5;
	[smem:$0x3FAF] =	sst s0  }
0x18: {  	s0 =	sld [smem:$0x3F92];
	_ =	swait.ge [sflag:s4], $0x0  }
0x19: {  	s7 =	sld [smem:$0x3F93]  }
0x1a: {  	s8 =	sadd.s32 $0xFFFFE003, lr  }
0x1b: {  	s9 =	sadd.s32 $0xFFFFFEF7, lr;
	s5 =	simm.s32 $0xFFFFFFFF;
	p2 =	slt.u32 s8, $0xFFFFF086  }
0x1c: {  	p1 =	slt.u32 s9, $0xF7A;
	s5 =	simm.s32 @!p2 $0x0  }
0x1d: {  	s5 =	simm.s32 @p1 $0x1;
	p0 =	seq.s32 s7, s2  }
0x1e: {  	s7 =	smul.u32 @!p0 $0xF7A, s2;
	p2 =	seq.s32 @!p0 s5, $0x0  }
0x1f: {  	s9 =	smul.u32 $0xF7A, s1;
	s8 =	simm.s32 @!p0 $0x1BF5;
	p2 =	por !p2, p0  }
0x20: {  	[sflag:s8] =	ssyncset.s32 @!p0 $0xFFFFF086;
	s6 =	sadd.s32 @!p0 s3, s7;
	s7 =	simm.s32 @!p0 $0x108  }
0x21: {  	s3 =	sadd.s32 s3, s9;
	s6 =	sadd.s32 @!p0 $0x88, s6;
	s7 =	simm.s32 @p2 $0x1082  }
0x22: {  	[simem:s7], [sflag:s8] =	dma.local @!p0 [hbm:s6], $0xF7A  }
0x23: {  	s9 =	sor.u32 $0xD0000000, s2;
	s6 =	simm.s32 $0x108;
	_ =	swait.ge @!p0 [sflag:s8], $0x0  }
0x24: {  	s3 =	sadd.s32 $0x88, s3;
	s6 =	simm.s32 @!p1 $0x1082;
	[sflag:s4] =	ssyncset.s32 $0xFFFFF086  }
0x25: {  	[simem:s6], [sflag:s4] =	dma.local [hbm:s3], $0xF7A  }
0x26: {  	[smem:$0x3F93] =	sst s1;
	(tag) =	ssettag s2;
	_ =	strace s9  }
0x27: {  	s1 =	sld [smem:$0x3FA3]  }
0x28: {  	s2 =	sld [smem:$0x3FA4]  }
0x29: {  	s4 =	sld [smem:$0x3FA6]  }
0x2a: {  	p0 =	seq.s32 s5, $0x0;
	s5 =	sld [smem:$0x3FA7]  }
0x2b: {  	s6 =	sld [smem:$0x3FA8]  }
0x2c: {  	s7 =	sld [smem:$0x3FA9]  }
0x2d: {  	s3 =	simm.s32 $0x108;
	s8 =	sld [smem:$0x3FAA]  }
0x2e: {  	s3 =	simm.s32 @!p0 $0x1082;
	s9 =	sld [smem:$0x3FAB]  }
0x2f: {  	lr =	sadd.s32 s0, s3;
	s0 =	sld [smem:$0x3FA2]  }
0x30: {  	s3 =	sld [smem:$0x3FA5]  }
0x31: {  	[smem:$0x3FAE] =	sst s10  }
0x32: {  	s10 =	sld [smem:$0x3FAC];
	_ =	sdelay $0x3  }
0x33: {  	p0 =	seq.s32 s10, $0x1;
	s10 =	sld [smem:$0x3FAE];
	_ =	sdelay $0x3  }
0x34: {  	[smem:$0x3FAE] =	sst s10  }
0x35: {  	s10 =	sld [smem:$0x3FAD];
	_ =	sdelay $0x3  }
0x36: {  	p1 =	seq.s32 s10, $0x1;
	s10 =	sld [smem:$0x3FAE];
	_ =	sdelay $0x3  }
0x37: {  	[smem:$0x3FAE] =	sst s10  }
0x38: {  	s10 =	sld [smem:$0x3FAF]  }
0x39: {  	_ = 	snop;
	(pc) =	sbr.ind lr, $3  }
0x3a: {  	_ = 	snop  }
0x3b: {  	_ = 	snop  }
0x3c: {  	p2 =	seq.s32 s10, $0x1;
	s10 =	sld [smem:$0x3FAE]  }
0x3d: {  	_ =	shalt  }
0x3e: {  	_ =	shalt  }
0x3f: {  	_ =	shalt  }
0x40: {  	_ =	shalt  }
0x41: {  	_ =	shalt  }
0x42: {  	_ =	shalt  }
0x43: {  	_ =	shalt  }
0x44: {  	_ =	shalt  }
0x45: {  	_ =	shalt  }
0x46: {  	_ =	shalt  }
0x47: {  	_ =	shalt  }
0x48: {  	_ =	shalt  }
0x49: {  	_ =	shalt  }
0x4a: {  	_ =	shalt  }
0x4b: {  	_ =	shalt  }
0x4c: {  	_ =	shalt  }
0x4d: {  	_ =	shalt  }
0x4e: {  	_ =	shalt  }
0x4f: {  	_ =	shalt  }
0x50: {  	_ =	shalt  }
0x51: {  	_ =	shalt  }
0x52: {  	_ =	shalt  }
0x53: {  	_ =	shalt  }
0x54: {  	_ =	shalt  }
0x55: {  	_ =	shalt  }
0x56: {  	_ =	shalt  }
0x57: {  	_ =	shalt  }
0x58: {  	_ =	shalt  }
0x59: {  	_ =	shalt  }
0x5a: {  	_ =	shalt  }
0x5b: {  	_ =	shalt  }
0x5c: {  	_ =	shalt  }
0x5d: {  	_ =	shalt  }
0x5e: {  	_ =	shalt  }
0x5f: {  	_ =	shalt  }
0x60: {  	_ =	shalt  }
0x61: {  	_ =	shalt  }
0x62: {  	_ =	shalt  }
0x63: {  	_ =	shalt  }
0x64: {  	_ =	shalt  }
0x65: {  	_ =	shalt  }
0x66: {  	_ =	shalt  }
0x67: {  	_ =	shalt  }
0x68: {  	_ =	shalt  }
0x69: {  	_ =	shalt  }
0x6a: {  	_ =	shalt  }
0x6b: {  	_ =	shalt  }
0x6c: {  	_ =	shalt  }
0x6d: {  	_ =	shalt  }
0x6e: {  	_ =	shalt  }
0x6f: {  	_ =	shalt  }
0x70: {  	_ =	shalt  }
0x71: {  	_ =	shalt  }
0x72: {  	_ =	shalt  }
0x73: {  	_ =	shalt  }
0x74: {  	_ =	shalt  }
0x75: {  	_ =	shalt  }
0x76: {  	_ =	shalt  }
0x77: {  	_ =	shalt  }
0x78: {  	_ =	shalt  }
0x79: {  	_ =	shalt  }
0x7a: {  	_ =	shalt  }
0x7b: {  	_ =	shalt  }
0x7c: {  	_ =	shalt  }
0x7d: {  	_ =	shalt  }
0x7e: {  	_ =	shalt  }
0x7f: {  	_ =	shalt  }
0x80: {  	_ =	shalt  }
0x81: {  	_ =	shalt  }
0x82: {  	_ =	shalt  }
0x83: {  	_ =	shalt  }
0x84: {  	_ =	shalt  }
0x85: {  	_ =	shalt  }
0x86: {  	_ =	shalt  }
0x87: {  	_ =	shalt  }
.Lfunc_end0:
.L_simem_size_0:
called_computation.2_lowered:
.L_overlay_start_0:
0x88: {  	s2 =	sld [smem:$0x3FD9]  }
0x89: {  	s3 =	sld [smem:$0x3FFE];
	_ =	sdelay $0x1  }
0x8a: {  	s1 =	srdreg.scid  }
0x8b: {  	s0 =	sand.u32 $0x1, s1  }
0x8c: {  	s14 =	sshll.u32 s0, $0xA;
	s2 =	sadd.s32 s3, s2  }
0x8d: {  	s2 =	sadd.s32 s2, s14  }
0x8e: {  	[smem:$0x3FBA] =	sst s2  }
0x8f: {  	_ = 	snop  }
0x90: {  	s2 =	sld [smem:$0x3FD0];
	_ =	sdelay $0x2  }
0x91: {  	s15 =	simm.s32 $0xA;
	s4 =	simm.s32 $0x10  }
0x92: {  	[smem:s4], [sflag:s15] =	dma.local [hbm:s2], $0x1  }
0x93: {  	_ =	swait.eq [sflag:s15], $0x1  }
0x94: {  	[sflag:s15] =	ssyncset.done $0x0  }
0x95: {  	[sflag:s15] =	ssyncadd.s32 $0xFFFFFFFF  }
0x96: {  	s16 =	sld [smem:$0x10];
	(tm) =	ssettm $0x1  }
0x97: {  	s17 =	sld [smem:$0x3FFB];
	_ =	sdelay $0x3  }
0x98: {  	_ =	strace s17  }
0x99: {  	s3 =	sld [smem:$0x3FFC];
	_ =	sdelay $0x3  }
0x9a: {  	_ =	strace s3  }
0x9b: {  	s3 =	sld [smem:$0x3FFD];
	_ =	sdelay $0x3  }
0x9c: {  	_ =	strace s3  }
0x9d: {  	_ =	strace $0x8FFFFFFF  }
0x9e: {  	s18 =	sld [smem:$0x3FDB];
	_ =	sdelay $0x1  }
0x9f: {  	s19 =	simm.s32 $_scs_section_size  }
0xa0: {  	s5 =	simm.s32 $_size__tile_overlayer_lowered;
	s6 =	simm.s32 $_tile_overlayer_lowered  }
0xa1: {  	s22 =	simm.s32 $0x1BFF;
	s21 =	sshll.u32 s6, $0x1;
	s3 =	sadd.s32 s19, s18  }
0xa2: {  	s7 =	simm.s32 $0x0;
	s20 =	sshll.u32 s5, $0x1;
	s5 =	sadd.s32 s21, s3  }
0xa3: {  	[timem:s7], [sflag:s22] =	dma.local [hbm:s5], s20  }
0xa4: {  	_ =	swait.ge [sflag:s22], s20  }
0xa5: {  	s4 =	ssub.s32 $0x0, s20;
	[sflag:s22] =	ssyncset.done $0x0  }
0xa6: {  	[sflag:s22] =	ssyncadd.s32 s4;
	_ =	sdelay $0x1  }
0xa7: {  	s23 =	simm.s32 $0x1B8B  }
0xa8: {  	_ =	swait.ge [sflag:s23], $0x1  }
0xa9: {  	[sflag:s23] =	ssyncset.done $0x0  }
0xaa: {  	s25 =	simm.s32 $0x1B8E;
	s24 =	sld [smem:$0x3FFE];
	[sflag:s23] =	ssyncadd.s32 $0xFFFFFFFF  }
0xab: {  	s26 =	simm.s32 $execute0_lowered;
	[smem:$0x3FD2] =	sst s25  }
0xac: {  	s5 =	sshll.u32 s26, $0x1;
	_ =	strace $0x8000004C;
	[dreg:$0x1] =	wrdreg $0xFFFFFFFF  }
0xad: {  	s28 =	simm.s32 $_size_execute0_lowered;
	s3 =	sadd.s32 s3, s5;
	[dreg:$0x0] =	wrdreg $0x0  }
0xae: {  	s5 =	sshll.u32 s28, $0x1;
	[dreg:$0x2] =	wrdreg s3  }
0xaf: {  	[dreg:$0x3] =	wrdreg s5  }
0xb0: {  	[dreg:$0x4] =	wrdreg $0xC0  }
0xb1: {  	_ =	task [dreg:s7], $0x5FFFF  }
0xb2: {  	[dreg:$0x1] =	wrdreg $0xFFFFFFFF  }
0xb3: {  	[dreg:$0x0] =	wrdreg $0x60  }
0xb4: {  	[dreg:$0x2] =	wrdreg s24  }
0xb5: {  	[dreg:$0x3] =	wrdreg s16  }
0xb6: {  	[dreg:$0x4] =	wrdreg $0x90800  }
0xb7: {  	[dreg:$0x5] =	wrdreg $0x9  }
0xb8: {  	_ =	task.clear_ibuf [dreg:s7], $0x6FFFF;
	_ =	strace $0x9000004C  }
0xb9: {  	s29 =	simm.s32 $0x9;
	_ =	strace $0x8000004E  }
0xba: {  	_ =	swait.ge [sflag:s29], $0x1  }
0xbb: {  	[sflag:s29] =	ssyncadd.s32 $0xFFFFFFFF  }
0xbc: {  	_ =	strace $0x9000004E  }
0xbd: {  	_ =	sfence  }
0xbe: {  	s30 =	sld [smem:$0x0];
	_ =	sdelay $0x2  }
0xbf: {  	s31 =	sshll.u32 s1, $0xD;
	s1 =	sshrl.u32 s1, $0x2  }
0xc0: {  	s3 =	sand.u32 $0x4000, s31;
	s1 =	sadd.s32 s1, s30  }
0xc1: {  	s0 =	sor.u32 s3, s0;
	s1 =	sshll.u32 s1, $0x11  }
0xc2: {  	s0 =	sor.u32 s1, s0  }
0xc3: {  	s0 =	sadd.s32 $0x8F2B, s0  }
0xc4: {  	[sflag:s0] =	ssyncadd.remote.s32 $0x1  }
0xc5: {  	_ =	sfence.sel $0xFFFF  }
0xc6: {  	[dreg:$0x0] =	wrdreg $0xFFFFFFFF;
	(pc) =	sbr.abs _section_cstart, $3  }
0xc7: {  	[dreg:$0x1] =	wrdreg $0xFFFFFFFF  }
0xc8: {  	_ =	task.clear_ibuf [dreg:s7], $0x2FFFF;
	_ =	strace $0x9FFFFFFF  }
0xc9: {  	(tm) =	ssettm $0x7FFFFFFF  }
tec
execute0_lowered:
.L_overlay_start_1:
0x0: {  	(tag) =	ssettag $0x1  }
0x1: {  	s9 =	rddreg [dreg:$0x0]  }
0x2: {  	s2 =	rddreg [dreg:$0x1]  }
0x3: {  	s3 =	rddreg [dreg:$0x2]  }
0x4: {  	s0 =	rddreg [dreg:$0x3];
	s1 =	stileid.u32  }
0x5: {  	s5 =	srdreg.scid;
	s4 =	simm.s32 $0x0;
	s17 =	simm.s32 $0x4F00  }
0x6: {  	s18 =	simm.s32 $0x4F80;
	s19 =	simm.s32 $0x5000;
	s20 =	simm.s32 $0x80  }
0x7: {  	s21 =	simm.s32 $0x5080;
	s22 =	simm.s32 $0x0;
	s8 =	smul.u32 $0x13C00, s1  }
0x8: {  	s10 =	sand.u32 $0x1, s5;
	[smem:$0x7FF] =	sst s4;
	s5 =	sadd.s32 $0xE200, s9  }
0x9: {  	s6 =	sadd.s32 $0x3200, s9;
	s7 =	sadd.s32 $0x40A00, s9;
	s13 =	smul.u32 $0x4F000, s1  }
0xa: {  	s15 =	sshll.u32 s1, $0x6;
	s11 =	smul.u32 $0x13C000, s10;
	_ =	strace $0x8000004D  }
0xb: {  	s31 =	ssub.s32 $0x2, s10;
	s10 =	sshll.u32 s10, $0x4;
	s15 =	sor.u32 $0x1C01, s15  }
0xc: {  	s12 =	sshrl.u32 s8, $0x3;
	s14 =	sshrl.u32 s31, $0x1;
	s13 =	sshrl.u32 s13, $0x2  }
0xd: {  	s10 =	sor.u32 s1, s10;
	s8 =	sadd.s32 s8, s11;
	s29 =	sadd.s32 s12, s9  }
0xe: {  	s14 =	ssub.s32 s31, s14;
	s16 =	sadd.s32 s13, s3;
	s10 =	smul.u32 $0x2C00, s10  }
0xf: {  	s13 =	simm.s32 $0x1;
	s30 =	sshrl.u32 s8, $0x3;
	s8 =	sadd.s32 $0x41000, s9  }
0x10: {  	s16 =	sshrl.u32 s16, $0x3;
	s12 =	sadd.s32 s30, s9;
	s9 =	sadd.s32 $0xB5C00, s29  }
0x11: {  	s11 =	sadd.s32 $0x4C000, s12;
	s12 =	smax.u32 s14, $0x1;
	s14 =	simm.s32 $0x2780  }
.LBB2_1:
0x12: {  	[tilespmem:s4], [sflag:$0x1] =	stream.linear.gather [hbm4b:s2+s4], $0x2780, $0x38;
	[tilespmem:$0xB800] =	vst v63  }
0x13: {  	_ =	swait.ge [sflag:s13], $0x2780  }
0x14: {  	[sflag:s13] =	ssyncset.done $0x0  }
0x15: {  	[sflag:s13] =	ssyncadd.s32 $0xFFFFD880  }
0x16: {  	[tilespmem:s14], [sflag:$0x1] =	stream.linear.gather [hbm4b:s7+s4], $0x2780, $0x38;
	[tilespmem:$0xB800] =	vst v63  }
0x17: {  	_ =	swait.ge [sflag:s13], $0x2780  }
0x18: {  	[sflag:s13] =	ssyncset.done $0x0  }
0x19: {  	[sflag:s13] =	ssyncadd.s32 $0xFFFFD880  }
0x1a: {  	[spmem:s16], [sflag:s15] =	dma.local [hbm:s9], $0x2780  }
0x1b: {  	_ =	swait.ge [sflag:s13], $0x2780  }
0x1c: {  	[sflag:s13] =	ssyncset.done $0x0  }
0x1d: {  	[sflag:s13] =	ssyncadd.s32 $0xFFFFD880  }
0x1e: {  	s23 =	simm.s32 $0x0;
	[bflag:$0x0] =	sbarrier.arrive $0xFFFF  }
.LBB2_2:
0x1f: {  	s24 =	sshll.u32 s23, $0x7  }
0x20: {  	s25 =	sand.u32 $0x3C00, s24  }
0x21: {  	s24 =	sand.u32 $0x380, s24;
	s25 =	sadd.s32 s10, s25  }
0x22: {  	s24 =	sor.u32 s24, s25  }
0x23: {  	s24 =	sshrl.u32 s24, $0x3  }
0x24: {  	s28 =	simm.s32 $0x0;
	s26 =	sadd.s32 s5, s24  }
0x25: {  	[tilespmem:s17], [sflag:$0x1] =	stream.linear.gather [hbm4b:s26+s28], $0x80, $0x38;
	[tilespmem:$0xB800] =	vst v63  }
0x26: {  	_ =	swait.ge [sflag:s13], $0x80  }
0x27: {  	[sflag:s13] =	ssyncset.done $0x0  }
0x28: {  	s29 =	sadd.s32 s6, s24;
	[sflag:s13] =	ssyncadd.s32 $0xFFFFFF80  }
0x29: {  	[tilespmem:s18], [sflag:$0x1] =	stream.linear.gather [hbm4b:s29+s28], $0x80, $0x38;
	[tilespmem:$0xB800] =	vst v63  }
0x2a: {  	_ =	swait.ge [sflag:s13], $0x80  }
0x2b: {  	[sflag:s13] =	ssyncset.done $0x0  }
0x2c: {  	[sflag:s13] =	ssyncadd.s32 $0xFFFFFF80  }
0x2d: {  	v0 =	vld [tilespmem:$0x4F00]  }
0x2e: {  	v1 =	vld [tilespmem:$0x4F80];
	_ =	sdelay $0x6  }
0x2f: {  	v0 =	vld.idx.msk [tilespmem:v0+s28+$0x0], $0xffff  }
0x30: {  	v1 =	vld.idx.msk [tilespmem:v1+s14+$0x0], $0xffff;
	_ =	sdelay $0x4  }
0x31: {  	v0 =	vadd.f32 v1, v0;
	_ =	sdelay $0x1  }
0x32: {  	v1 =	vmul.f32 $2.000000030e-01, v0  }
0x33: {  	vm0 =	vge.f32 v0, $0.0e+00  }
0x34: {  	v0 =	vsel vm0, v0, v1  }
0x35: {  	v0 =	vmul.f32 $1.442695020e+00, v0;
	_ =	sdelay $0x1  }
0x36: {  	(erf) = vpow2.f32 v0;
	_ =	sdelay $0x2  }
0x37: {  	v0 =	vld [tilespmem:$0x4F10]  }
0x38: {  	v1 =	vld [tilespmem:$0x4F90];
	_ =	sdelay $0x4  }
0x39: {  	v2 =	vpop (erf)  }
0x3a: {  	[tilespmem:$0x5000] =	vst v2  }
0x3b: {  	v0 =	vld.idx.msk [tilespmem:v0+s28+$0x0], $0xffff  }
0x3c: {  	v1 =	vld.idx.msk [tilespmem:v1+s14+$0x0], $0xffff;
	_ =	sdelay $0x4  }
0x3d: {  	v0 =	vadd.f32 v1, v0;
	_ =	sdelay $0x1  }
0x3e: {  	v1 =	vmul.f32 $2.000000030e-01, v0  }
0x3f: {  	vm9 =	vge.f32 v0, $0.0e+00  }
0x40: {  	v0 =	vsel vm9, v0, v1  }
0x41: {  	v0 =	vmul.f32 $1.442695020e+00, v0;
	_ =	sdelay $0x1  }
0x42: {  	(erf) = vpow2.f32 v0;
	_ =	sdelay $0x2  }
0x43: {  	v0 =	vld [tilespmem:$0x4F20]  }
0x44: {  	v1 =	vld [tilespmem:$0x4FA0];
	_ =	sdelay $0x4  }
0x45: {  	v2 =	vpop (erf)  }
0x46: {  	[tilespmem:$0x5010] =	vst v2  }
0x47: {  	v0 =	vld.idx.msk [tilespmem:v0+s28+$0x0], $0xffff  }
0x48: {  	v1 =	vld.idx.msk [tilespmem:v1+s14+$0x0], $0xffff;
	_ =	sdelay $0x4  }
0x49: {  	v0 =	vadd.f32 v1, v0;
	_ =	sdelay $0x1  }
0x4a: {  	v1 =	vmul.f32 $2.000000030e-01, v0  }
0x4b: {  	vm10 =	vge.f32 v0, $0.0e+00  }
0x4c: {  	v0 =	vsel vm10, v0, v1  }
0x4d: {  	v0 =	vmul.f32 $1.442695020e+00, v0;
	_ =	sdelay $0x1  }
0x4e: {  	(erf) = vpow2.f32 v0;
	_ =	sdelay $0x2  }
0x4f: {  	v0 =	vld [tilespmem:$0x4F30]  }
0x50: {  	v1 =	vld [tilespmem:$0x4FB0];
	_ =	sdelay $0x4  }
0x51: {  	v2 =	vpop (erf)  }
0x52: {  	[tilespmem:$0x5020] =	vst v2  }
0x53: {  	v0 =	vld.idx.msk [tilespmem:v0+s28+$0x0], $0xffff  }
0x54: {  	v1 =	vld.idx.msk [tilespmem:v1+s14+$0x0], $0xffff;
	_ =	sdelay $0x4  }
0x55: {  	v0 =	vadd.f32 v1, v0;
	_ =	sdelay $0x1  }
0x56: {  	v1 =	vmul.f32 $2.000000030e-01, v0  }
0x57: {  	vm11 =	vge.f32 v0, $0.0e+00  }
0x58: {  	v0 =	vsel vm11, v0, v1  }
0x59: {  	v0 =	vmul.f32 $1.442695020e+00, v0;
	_ =	sdelay $0x1  }
0x5a: {  	(erf) = vpow2.f32 v0;
	_ =	sdelay $0x2  }
0x5b: {  	v0 =	vld [tilespmem:$0x4F40]  }
0x5c: {  	v1 =	vld [tilespmem:$0x4FC0];
	_ =	sdelay $0x4  }
0x5d: {  	v2 =	vpop (erf)  }
0x5e: {  	[tilespmem:$0x5030] =	vst v2  }
0x5f: {  	v0 =	vld.idx.msk [tilespmem:v0+s28+$0x0], $0xffff  }
0x60: {  	v1 =	vld.idx.msk [tilespmem:v1+s14+$0x0], $0xffff;
	_ =	sdelay $0x4  }
0x61: {  	v0 =	vadd.f32 v1, v0;
	_ =	sdelay $0x1  }
0x62: {  	v1 =	vmul.f32 $2.000000030e-01, v0  }
0x63: {  	vm12 =	vge.f32 v0, $0.0e+00  }
0x64: {  	v0 =	vsel vm12, v0, v1  }
0x65: {  	v0 =	vmul.f32 $1.442695020e+00, v0;
	_ =	sdelay $0x1  }
0x66: {  	(erf) = vpow2.f32 v0;
	_ =	sdelay $0x2  }
0x67: {  	v0 =	vld [tilespmem:$0x4F50]  }
0x68: {  	v1 =	vld [tilespmem:$0x4FD0];
	_ =	sdelay $0x4  }
0x69: {  	v2 =	vpop (erf)  }
0x6a: {  	[tilespmem:$0x5040] =	vst v2  }
0x6b: {  	v0 =	vld.idx.msk [tilespmem:v0+s28+$0x0], $0xffff  }
0x6c: {  	v1 =	vld.idx.msk [tilespmem:v1+s14+$0x0], $0xffff;
	_ =	sdelay $0x4  }
0x6d: {  	v0 =	vadd.f32 v1, v0;
	_ =	sdelay $0x1  }
0x6e: {  	v1 =	vmul.f32 $2.000000030e-01, v0  }
0x6f: {  	vm13 =	vge.f32 v0, $0.0e+00  }
0x70: {  	v0 =	vsel vm13, v0, v1  }
0x71: {  	v0 =	vmul.f32 $1.442695020e+00, v0;
	_ =	sdelay $0x1  }
0x72: {  	(erf) = vpow2.f32 v0;
	_ =	sdelay $0x2  }
0x73: {  	v0 =	vld [tilespmem:$0x4F60]  }
0x74: {  	v1 =	vld [tilespmem:$0x4FE0];
	_ =	sdelay $0x4  }
0x75: {  	v2 =	vpop (erf)  }
0x76: {  	[tilespmem:$0x5050] =	vst v2  }
0x77: {  	v0 =	vld.idx.msk [tilespmem:v0+s28+$0x0], $0xffff  }
0x78: {  	v1 =	vld.idx.msk [tilespmem:v1+s14+$0x0], $0xffff;
	_ =	sdelay $0x4  }
0x79: {  	v0 =	vadd.f32 v1, v0;
	_ =	sdelay $0x1  }
0x7a: {  	v1 =	vmul.f32 $2.000000030e-01, v0  }
0x7b: {  	vm14 =	vge.f32 v0, $0.0e+00  }
0x7c: {  	v0 =	vsel vm14, v0, v1  }
0x7d: {  	v0 =	vmul.f32 $1.442695020e+00, v0;
	_ =	sdelay $0x1  }
0x7e: {  	(erf) = vpow2.f32 v0;
	_ =	sdelay $0x2  }
0x7f: {  	v0 =	vld [tilespmem:$0x4F70]  }
0x80: {  	v1 =	vld [tilespmem:$0x4FF0];
	_ =	sdelay $0x4  }
0x81: {  	v2 =	vpop (erf)  }
0x82: {  	[tilespmem:$0x5060] =	vst v2  }
0x83: {  	v0 =	vld.idx.msk [tilespmem:v0+s28+$0x0], $0xffff  }
0x84: {  	v1 =	vld.idx.msk [tilespmem:v1+s14+$0x0], $0xffff;
	_ =	sdelay $0x4  }
0x85: {  	v0 =	vadd.f32 v1, v0;
	_ =	sdelay $0x1  }
0x86: {  	v1 =	vmul.f32 $2.000000030e-01, v0  }
0x87: {  	vm15 =	vge.f32 v0, $0.0e+00  }
0x88: {  	v0 =	vsel vm15, v0, v1  }
0x89: {  	v0 =	vmul.f32 $1.442695020e+00, v0;
	_ =	sdelay $0x1  }
0x8a: {  	(erf) = vpow2.f32 v0;
	_ =	sdelay $0x5  }
0x8b: {  	v0 =	vmov s28;
	_ =	sdelay $0x2  }
0x8c: {  	v1 =	vpop (erf)  }
0x8d: {  	[tilespmem:$0x5070] =	vst v1  }
0x8e: {  	s30 =	simm.s32 $0x1;
	v0 =	vld.idx.msk [tilespmem:v0+s19+$0x0], $0xffff  }
0x8f: {  	v1 =	vmov s30;
	_ =	sdelay $0x2  }
0x90: {  	s25 =	simm.s32 $0x5080  }
0x91: {  	[tilespmem:s25+$0x0] =	vst v0  }
0x92: {  	s31 =	simm.s32 $0x2;
	v0 =	vld.idx.msk [tilespmem:v1+s19+$0x0], $0xffff  }
0x93: {  	s26 =	simm.s32 $0x3;
	v1 =	vmov s31  }
.LBB2_3:
0x94: {  	p0 =	sne.s32 s26, $0x7F;
	_ =	sdelay $0x1  }
.Ltmp0:
0x95: {  	s25 =	sadd.s32 $0x80, s25;
	(pc) =	sbr.rel @p0 .LBB2_3-.Ltmp0, $3  }
0x96: {  	[tilespmem:s25+$0x0] =	vst v0  }
0x97: {  	v0 =	vld.idx.msk [tilespmem:v1+s19+$0x0], $0xffff;
	_ =	sdelay $0x1  }
0x98: {  	v1 =	vmov s26;
	s26 =	sadd.s32 $0x1, s26  }
0x99: {  	_ =	sdelay $0x1  }
0x9a: {  	s25 =	sadd.s32 $0x80, s25  }
0x9b: {  	[tilespmem:s25+$0x0] =	vst v0  }
0x9c: {  	v0 =	vld.idx.msk [tilespmem:v1+s19+$0x0], $0xffff;
	_ =	sdelay $0x3  }
0x9d: {  	s25 =	sadd.s32 $0x80, s25  }
0x9e: {  	[tilespmem:s25+$0x0] =	vst v0  }
0x9f: {  	[spmem:s3] =	stream.indirect.scatter.add.f32 [tilespmem:s21], [sflag:$0x1], $0x10, s18, s20, $0xb8;
	[tilespmem:$0xB800] =	vst v63  }
0xa0: {  	s23 =	sadd.s32 $0x1, s23;
	_ =	swait.ge [sflag:s13], $0x800  }
0xa1: {  	p0 =	sne.s32 s23, $0x51;
	[sflag:s13] =	ssyncset.done $0x0  }
.Ltmp1:
0xa2: {  	s24 =	sadd.s32 s8, s24;
	[sflag:s13] =	ssyncadd.s32 $0xFFFFF800;
	(pc) =	sbr.rel @p0 .LBB2_2-.Ltmp1, $4  }
0xa3: {  	[hbm4b:s24+s4] =	stream.linear.scatter [tilespmem:s19], [sflag:$0x1], $0x80, $0x38;
	[tilespmem:$0xB800] =	vst v63  }
0xa4: {  	_ =	swait.ge [sflag:s13], $0x80  }
0xa5: {  	[sflag:s13] =	ssyncset.done $0x0  }
0xa6: {  	[sflag:s13] =	ssyncadd.s32 $0xFFFFFF80  }
0xa7: {  	s22 =	sadd.s32 $0x1, s22  }
0xa8: {  	p0 =	sne.s32 s22, s12  }
.Ltmp2:
0xa9: {  	[bflag:$0x0] =	sbarrier.arrive $0xFFFF;
	(pc) =	sbr.rel @p0 .LBB2_1-.Ltmp2, $4  }
0xaa: {  	[hbm:s11], [sflag:s15] =	dma.local [spmem:s16], $0x2780  }
0xab: {  	_ =	swait.ge [sflag:s13], $0x2780  }
0xac: {  	[sflag:s13] =	ssyncset.done $0x0  }
0xad: {  	[sflag:s13] =	ssyncadd.s32 $0xFFFFD880  }
0xae: {  	_ =	sfence.sel $0x180000  }
0xaf: {  	[bflag:$0x0] =	sbarrier.arrive $0xFFFF  }
0xb0: {  	p0 =	sne.s32 s1, $0x0;
	_ =	strace $0x9000004D  }
0xb1: {  	s0 =	sadd.s32 @!p0 $0x100000, s0;
	[bflag:$0x2] =	sbarrier.arrive $0xFFFF  }
0xb2: {  	[sflag:s0] =	ssyncadd.tile.s32 @!p0 $0x1;
	_ =	shalt  }
.Lfunc_end2:
_tile_overlayer_lowered:
.L_overlay_start_2:
0xb3: {  	(tag) =	ssettag $0x2  }
0xb4: {  	s0 =	rddreg [dreg:$0x0];
	s2 =	stileid.u32  }
0xb5: {  	s1 =	rddreg [dreg:$0x1];
	p0 =	sne.s32 s2, $0x0  }
0xb6: {  	s3 =	rddreg [dreg:$0x2];
	[bflag:$0x3] =	sbarrier.arrive $0xFFFF;
	s2 =	simm.s32 @!p0 $0x1C01  }
0xb7: {  	[timem:s3], [sflag:s2] =	dma.local @!p0 [hbm:s0], s1  }
0xb8: {  	s0 =	simm.s32 @!p0 $0x1  }
0xb9: {  	_ =	swait.ge @!p0 [sflag:s0], s1  }
0xba: {  	s1 =	ssub.s32 @!p0 $0x0, s1;
	[sflag:s0] =	ssyncset.done @!p0 $0x0  }
0xbb: {  	[sflag:s0] =	ssyncadd.s32 @!p0 s1  }
0xbc: {  	[bflag:$0x3] =	sbarrier.arrive $0xFFFF  }
0xbd: {  	_ =	shalt  }

// kernel: kernel.19.cloned.1.call-start
scs
__scs_entry_jumppad:
0x0: {  	(pc) =	sbr.rel $0x88, $3  }
0x1: {  	(tag) =	ssettag $0x0;
	lr =	simm.s32 $0x1  }
0x2: {  	[smem:$0x3F93] =	sst lr;
	_ =	strace $0xD0000000  }
0x3: {  	_ = 	snop  }
0x4: {  	_ = 	snop  }
0x5: {  	_ = 	snop  }
0x6: {  	_ = 	snop  }
0x7: {  	_ = 	snop  }
__scs_overlays_trampoline_lowered:
0x8: {  	[smem:$0x3FA2] =	sst s0  }
0x9: {  	[smem:$0x3FA3] =	sst s1  }
0xa: {  	[smem:$0x3FA4] =	sst s2  }
0xb: {  	[smem:$0x3FA5] =	sst s3  }
0xc: {  	[smem:$0x3FA6] =	sst s4  }
0xd: {  	[smem:$0x3FA7] =	sst s5  }
0xe: {  	[smem:$0x3FA8] =	sst s6  }
0xf: {  	[smem:$0x3FA9] =	sst s7  }
0x10: {  	[smem:$0x3FAA] =	sst s8  }
0x11: {  	[smem:$0x3FAB] =	sst s9;
	s0 =	simm.s32 @!p0 $0x0  }
0x12: {  	s1 =	sld [smem:$0x3F91];
	s0 =	simm.s32 @p0 $0x1  }
0x13: {  	[smem:$0x3FAC] =	sst s0;
	s0 =	simm.s32 @!p1 $0x0  }
0x14: {  	s2 =	sld [smem:$0x3F90];
	s0 =	simm.s32 @p1 $0x1  }
0x15: {  	[smem:$0x3FAD] =	sst s0;
	s0 =	simm.s32 @!p2 $0x0  }
0x16: {  	s3 =	sld [smem:$0x3FDB];
	s0 =	simm.s32 @p2 $0x1  }
0x17: {  	s4 =	simm.s32 $0x1BF5;
	[smem:$0x3FAF] =	sst s0  }
0x18: {  	s0 =	sld [smem:$0x3F92];
	_ =	swait.ge [sflag:s4], $0x0  }
0x19: {  	s7 =	sld [smem:$0x3F93]  }
0x1a: {  	s8 =	sadd.s32 $0xFFFFE003, lr  }
0x1b: {  	s9 =	sadd.s32 $0xFFFFFEF7, lr;
	s5 =	simm.s32 $0xFFFFFFFF;
	p2 =	slt.u32 s8, $0xFFFFF086  }
0x1c: {  	p1 =	slt.u32 s9, $0xF7A;
	s5 =	simm.s32 @!p2 $0x0  }
0x1d: {  	s5 =	simm.s32 @p1 $0x1;
	p0 =	seq.s32 s7, s2  }
0x1e: {  	s7 =	smul.u32 @!p0 $0xF7A, s2;
	p2 =	seq.s32 @!p0 s5, $0x0  }
0x1f: {  	s9 =	smul.u32 $0xF7A, s1;
	s8 =	simm.s32 @!p0 $0x1BF5;
	p2 =	por !p2, p0  }
0x20: {  	[sflag:s8] =	ssyncset.s32 @!p0 $0xFFFFF086;
	s6 =	sadd.s32 @!p0 s3, s7;
	s7 =	simm.s32 @!p0 $0x108  }
0x21: {  	s3 =	sadd.s32 s3, s9;
	s6 =	sadd.s32 @!p0 $0x88, s6;
	s7 =	simm.s32 @p2 $0x1082  }
0x22: {  	[simem:s7], [sflag:s8] =	dma.local @!p0 [hbm:s6], $0xF7A  }
0x23: {  	s9 =	sor.u32 $0xD0000000, s2;
	s6 =	simm.s32 $0x108;
	_ =	swait.ge @!p0 [sflag:s8], $0x0  }
0x24: {  	s3 =	sadd.s32 $0x88, s3;
	s6 =	simm.s32 @!p1 $0x1082;
	[sflag:s4] =	ssyncset.s32 $0xFFFFF086  }
0x25: {  	[simem:s6], [sflag:s4] =	dma.local [hbm:s3], $0xF7A  }
0x26: {  	[smem:$0x3F93] =	sst s1;
	(tag) =	ssettag s2;
	_ =	strace s9  }
0x27: {  	s1 =	sld [smem:$0x3FA3]  }
0x28: {  	s2 =	sld [smem:$0x3FA4]  }
0x29: {  	s4 =	sld [smem:$0x3FA6]  }
0x2a: {  	p0 =	seq.s32 s5, $0x0;
	s5 =	sld [smem:$0x3FA7]  }
0x2b: {  	s6 =	sld [smem:$0x3FA8]  }
0x2c: {  	s7 =	sld [smem:$0x3FA9]  }
0x2d: {  	s3 =	simm.s32 $0x108;
	s8 =	sld [smem:$0x3FAA]  }
0x2e: {  	s3 =	simm.s32 @!p0 $0x1082;
	s9 =	sld [smem:$0x3FAB]  }
0x2f: {  	lr =	sadd.s32 s0, s3;
	s0 =	sld [smem:$0x3FA2]  }
0x30: {  	s3 =	sld [smem:$0x3FA5]  }
0x31: {  	[smem:$0x3FAE] =	sst s10  }
0x32: {  	s10 =	sld [smem:$0x3FAC];
	_ =	sdelay $0x3  }
0x33: {  	p0 =	seq.s32 s10, $0x1;
	s10 =	sld [smem:$0x3FAE];
	_ =	sdelay $0x3  }
0x34: {  	[smem:$0x3FAE] =	sst s10  }
0x35: {  	s10 =	sld [smem:$0x3FAD];
	_ =	sdelay $0x3  }
0x36: {  	p1 =	seq.s32 s10, $0x1;
	s10 =	sld [smem:$0x3FAE];
	_ =	sdelay $0x3  }
0x37: {  	[smem:$0x3FAE] =	sst s10  }
0x38: {  	s10 =	sld [smem:$0x3FAF]  }
0x39: {  	_ = 	snop;
	(pc) =	sbr.ind lr, $3  }
0x3a: {  	_ = 	snop  }
0x3b: {  	_ = 	snop  }
0x3c: {  	p2 =	seq.s32 s10, $0x1;
	s10 =	sld [smem:$0x3FAE]  }
0x3d: {  	_ =	shalt  }
0x3e: {  	_ =	shalt  }
0x3f: {  	_ =	shalt  }
0x40: {  	_ =	shalt  }
0x41: {  	_ =	shalt  }
0x42: {  	_ =	shalt  }
0x43: {  	_ =	shalt  }
0x44: {  	_ =	shalt  }
0x45: {  	_ =	shalt  }
0x46: {  	_ =	shalt  }
0x47: {  	_ =	shalt  }
0x48: {  	_ =	shalt  }
0x49: {  	_ =	shalt  }
0x4a: {  	_ =	shalt  }
0x4b: {  	_ =	shalt  }
0x4c: {  	_ =	shalt  }
0x4d: {  	_ =	shalt  }
0x4e: {  	_ =	shalt  }
0x4f: {  	_ =	shalt  }
0x50: {  	_ =	shalt  }
0x51: {  	_ =	shalt  }
0x52: {  	_ =	shalt  }
0x53: {  	_ =	shalt  }
0x54: {  	_ =	shalt  }
0x55: {  	_ =	shalt  }
0x56: {  	_ =	shalt  }
0x57: {  	_ =	shalt  }
0x58: {  	_ =	shalt  }
0x59: {  	_ =	shalt  }
0x5a: {  	_ =	shalt  }
0x5b: {  	_ =	shalt  }
0x5c: {  	_ =	shalt  }
0x5d: {  	_ =	shalt  }
0x5e: {  	_ =	shalt  }
0x5f: {  	_ =	shalt  }
0x60: {  	_ =	shalt  }
0x61: {  	_ =	shalt  }
0x62: {  	_ =	shalt  }
0x63: {  	_ =	shalt  }
0x64: {  	_ =	shalt  }
0x65: {  	_ =	shalt  }
0x66: {  	_ =	shalt  }
0x67: {  	_ =	shalt  }
0x68: {  	_ =	shalt  }
0x69: {  	_ =	shalt  }
0x6a: {  	_ =	shalt  }
0x6b: {  	_ =	shalt  }
0x6c: {  	_ =	shalt  }
0x6d: {  	_ =	shalt  }
0x6e: {  	_ =	shalt  }
0x6f: {  	_ =	shalt  }
0x70: {  	_ =	shalt  }
0x71: {  	_ =	shalt  }
0x72: {  	_ =	shalt  }
0x73: {  	_ =	shalt  }
0x74: {  	_ =	shalt  }
0x75: {  	_ =	shalt  }
0x76: {  	_ =	shalt  }
0x77: {  	_ =	shalt  }
0x78: {  	_ =	shalt  }
0x79: {  	_ =	shalt  }
0x7a: {  	_ =	shalt  }
0x7b: {  	_ =	shalt  }
0x7c: {  	_ =	shalt  }
0x7d: {  	_ =	shalt  }
0x7e: {  	_ =	shalt  }
0x7f: {  	_ =	shalt  }
0x80: {  	_ =	shalt  }
0x81: {  	_ =	shalt  }
0x82: {  	_ =	shalt  }
0x83: {  	_ =	shalt  }
0x84: {  	_ =	shalt  }
0x85: {  	_ =	shalt  }
0x86: {  	_ =	shalt  }
0x87: {  	_ =	shalt  }
.Lfunc_end0:
.L_simem_size_0:
called_computation.3_lowered:
.L_overlay_start_0:
0x88: {  	s2 =	sld [smem:$0x3FD9]  }
0x89: {  	s3 =	sld [smem:$0x3FFE];
	_ =	sdelay $0x1  }
0x8a: {  	s1 =	srdreg.scid  }
0x8b: {  	s0 =	sand.u32 $0x1, s1  }
0x8c: {  	s14 =	sshll.u32 s0, $0xA;
	s2 =	sadd.s32 s3, s2  }
0x8d: {  	s2 =	sadd.s32 s2, s14  }
0x8e: {  	[smem:$0x3FBA] =	sst s2  }
0x8f: {  	_ = 	snop  }
0x90: {  	s2 =	sld [smem:$0x3FD0];
	_ =	sdelay $0x2  }
0x91: {  	s15 =	simm.s32 $0xA;
	s4 =	simm.s32 $0x10  }
0x92: {  	[smem:s4], [sflag:s15] =	dma.local [hbm:s2], $0x1  }
0x93: {  	_ =	swait.eq [sflag:s15], $0x1  }
0x94: {  	[sflag:s15] =	ssyncset.done $0x0  }
0x95: {  	[sflag:s15] =	ssyncadd.s32 $0xFFFFFFFF  }
0x96: {  	s16 =	sld [smem:$0x11];
	(tm) =	ssettm $0x1  }
0x97: {  	s17 =	sld [smem:$0x3FFB];
	_ =	sdelay $0x3  }
0x98: {  	_ =	strace s17  }
0x99: {  	s3 =	sld [smem:$0x3FFC];
	_ =	sdelay $0x3  }
0x9a: {  	_ =	strace s3  }
0x9b: {  	s3 =	sld [smem:$0x3FFD];
	_ =	sdelay $0x3  }
0x9c: {  	_ =	strace s3  }
0x9d: {  	_ =	strace $0x8FFFFFFF  }
0x9e: {  	s18 =	sld [smem:$0x3FDB];
	_ =	sdelay $0x1  }
0x9f: {  	s19 =	simm.s32 $_scs_section_size  }
0xa0: {  	s5 =	simm.s32 $_size__tile_overlayer_lowered;
	s6 =	simm.s32 $_tile_overlayer_lowered  }
0xa1: {  	s22 =	simm.s32 $0x1BFF;
	s21 =	sshll.u32 s6, $0x1;
	s3 =	sadd.s32 s19, s18  }
0xa2: {  	s7 =	simm.s32 $0x0;
	s20 =	sshll.u32 s5, $0x1;
	s5 =	sadd.s32 s21, s3  }
0xa3: {  	[timem:s7], [sflag:s22] =	dma.local [hbm:s5], s20  }
0xa4: {  	_ =	swait.ge [sflag:s22], s20  }
0xa5: {  	s4 =	ssub.s32 $0x0, s20;
	[sflag:s22] =	ssyncset.done $0x0  }
0xa6: {  	[sflag:s22] =	ssyncadd.s32 s4;
	_ =	sdelay $0x1  }
0xa7: {  	s23 =	simm.s32 $0x1B8B  }
0xa8: {  	_ =	swait.ge [sflag:s23], $0x1  }
0xa9: {  	[sflag:s23] =	ssyncset.done $0x0  }
0xaa: {  	s25 =	simm.s32 $0x1B8E;
	s24 =	sld [smem:$0x3FFE];
	[sflag:s23] =	ssyncadd.s32 $0xFFFFFFFF  }
0xab: {  	s26 =	simm.s32 $execute0_lowered;
	[smem:$0x3FD2] =	sst s25  }
0xac: {  	s5 =	sshll.u32 s26, $0x1;
	_ =	strace $0x8000004F;
	[dreg:$0x1] =	wrdreg $0xFFFFFFFF  }
0xad: {  	s28 =	simm.s32 $_size_execute0_lowered;
	s3 =	sadd.s32 s3, s5;
	[dreg:$0x0] =	wrdreg $0x0  }
0xae: {  	s5 =	sshll.u32 s28, $0x1;
	[dreg:$0x2] =	wrdreg s3  }
0xaf: {  	[dreg:$0x3] =	wrdreg s5  }
0xb0: {  	[dreg:$0x4] =	wrdreg $0xC0  }
0xb1: {  	_ =	task [dreg:s7], $0x5FFFF  }
0xb2: {  	[dreg:$0x1] =	wrdreg $0xFFFFFFFF  }
0xb3: {  	[dreg:$0x0] =	wrdreg $0x60  }
0xb4: {  	[dreg:$0x2] =	wrdreg s16  }
0xb5: {  	[dreg:$0x3] =	wrdreg s24  }
0xb6: {  	[dreg:$0x4] =	wrdreg $0x41800  }
0xb7: {  	[dreg:$0x5] =	wrdreg $0x9  }
0xb8: {  	_ =	task.clear_ibuf [dreg:s7], $0x6FFFF;
	_ =	strace $0x9000004F  }
0xb9: {  	s29 =	simm.s32 $0x9;
	_ =	strace $0x80000051  }
0xba: {  	_ =	swait.ge [sflag:s29], $0x1  }
0xbb: {  	[sflag:s29] =	ssyncadd.s32 $0xFFFFFFFF  }
0xbc: {  	_ =	strace $0x90000051  }
0xbd: {  	_ =	sfence  }
0xbe: {  	s30 =	sld [smem:$0x0];
	_ =	sdelay $0x2  }
0xbf: {  	s31 =	sshll.u32 s1, $0xD;
	s1 =	sshrl.u32 s1, $0x2  }
0xc0: {  	s3 =	sand.u32 $0x4000, s31;
	s1 =	sadd.s32 s1, s30  }
0xc1: {  	s0 =	sor.u32 s3, s0;
	s1 =	sshll.u32 s1, $0x11  }
0xc2: {  	s0 =	sor.u32 s1, s0  }
0xc3: {  	s0 =	sadd.s32 $0x8F2B, s0  }
0xc4: {  	[sflag:s0] =	ssyncadd.remote.s32 $0x1  }
0xc5: {  	_ =	sfence.sel $0xFFFF  }
0xc6: {  	[dreg:$0x0] =	wrdreg $0xFFFFFFFF;
	(pc) =	sbr.abs _section_cstart, $3  }
0xc7: {  	[dreg:$0x1] =	wrdreg $0xFFFFFFFF  }
0xc8: {  	_ =	task.clear_ibuf [dreg:s7], $0x2FFFF;
	_ =	strace $0x9FFFFFFF  }
0xc9: {  	(tm) =	ssettm $0x7FFFFFFF  }
tec
execute0_lowered:
.L_overlay_start_1:
0x0: {  	(tag) =	ssettag $0x1  }
0x1: {  	s1 =	rddreg [dreg:$0x0]  }
0x2: {  	s8 =	rddreg [dreg:$0x1]  }
0x3: {  	s3 =	rddreg [dreg:$0x2]  }
0x4: {  	s0 =	rddreg [dreg:$0x3]  }
0x5: {  	s4 =	simm.s32 $0x0;
	s2 =	stileid.u32;
	s5 =	srdreg.scid  }
0x6: {  	s16 =	simm.s32 $0x100;
	s17 =	simm.s32 $0x180;
	s18 =	simm.s32 $0x1  }
0x7: {  	[smem:$0x7FF] =	sst s4;
	s9 =	smul.u32 $0x13C00, s2;
	s10 =	sand.u32 $0x1, s5  }
0x8: {  	s5 =	sadd.s32 $0xE200, s8;
	s6 =	sadd.s32 $0x3200, s8;
	s7 =	sadd.s32 $0x41000, s8  }
0x9: {  	s14 =	smul.u32 $0x4F000, s2;
	s31 =	sshll.u32 s2, $0x6;
	_ =	strace $0x80000050  }
0xa: {  	s11 =	smul.u32 $0x13C000, s10;
	s28 =	ssub.s32 $0x2, s10;
	s29 =	sshll.u32 s10, $0x4  }
0xb: {  	s12 =	sshrl.u32 s9, $0x3;
	s13 =	sshrl.u32 s28, $0x1;
	s10 =	sor.u32 s2, s29  }
0xc: {  	s30 =	sshrl.u32 s14, $0x2;
	s12 =	sadd.s32 s12, s8;
	s9 =	sadd.s32 s9, s11  }
0xd: {  	s13 =	ssub.s32 s28, s13;
	s14 =	sadd.s32 s30, s3;
	s9 =	sshrl.u32 s9, $0x3  }
0xe: {  	s10 =	smul.u32 $0x2C00, s10;
	s15 =	sadd.s32 s9, s8;
	s8 =	sadd.s32 $0x19200, s12  }
0xf: {  	s9 =	sor.u32 $0x1C02, s31;
	s12 =	smax.u32 s13, $0x1;
	s13 =	sshrl.u32 s14, $0x3  }
0x10: {  	s14 =	simm.s32 $0x2;
	s11 =	sadd.s32 $0x9B000, s15;
	s15 =	simm.s32 $0x80  }
.LBB2_1:
0x11: {  	[spmem:s13], [sflag:s9] =	dma.local [hbm:s8], $0x2780  }
0x12: {  	_ =	swait.ge [sflag:s14], $0x2780  }
0x13: {  	[sflag:s14] =	ssyncset.done $0x0  }
0x14: {  	[sflag:s14] =	ssyncadd.s32 $0xFFFFD880  }
0x15: {  	s19 =	simm.s32 $0x0;
	[bflag:$0x0] =	sbarrier.arrive $0xFFFF  }
.LBB2_2:
0x16: {  	s20 =	sshll.u32 s19, $0x7  }
0x17: {  	s21 =	sand.u32 $0x3C00, s20  }
0x18: {  	s20 =	sand.u32 $0x380, s20;
	s21 =	sadd.s32 s10, s21  }
0x19: {  	s20 =	sor.u32 s20, s21  }
0x1a: {  	s20 =	sshrl.u32 s20, $0x3  }
0x1b: {  	s22 =	simm.s32 $0x0;
	s30 =	sadd.s32 s5, s20  }
0x1c: {  	[tilespmem:s22], [sflag:$0x2] =	stream.linear.gather [hbm4b:s30+s22], $0x80, $0x38;
	[tilespmem:$0x17D80] =	vst v63  }
0x1d: {  	_ =	swait.ge [sflag:s14], $0x80  }
0x1e: {  	[sflag:s14] =	ssyncset.done $0x0  }
0x1f: {  	s31 =	sadd.s32 s6, s20;
	[sflag:s14] =	ssyncadd.s32 $0xFFFFFF80  }
0x20: {  	[tilespmem:s15], [sflag:$0x2] =	stream.linear.gather [hbm4b:s31+s22], $0x80, $0x38;
	[tilespmem:$0x17D80] =	vst v63  }
0x21: {  	_ =	swait.ge [sflag:s14], $0x80  }
0x22: {  	[sflag:s14] =	ssyncset.done $0x0  }
0x23: {  	s20 =	sadd.s32 s7, s20;
	[sflag:s14] =	ssyncadd.s32 $0xFFFFFF80  }
0x24: {  	[tilespmem:s16], [sflag:$0x2] =	stream.linear.gather [hbm4b:s20+s22], $0x80, $0x38;
	[tilespmem:$0x17D80] =	vst v63  }
0x25: {  	_ =	swait.ge [sflag:s14], $0x80  }
0x26: {  	[sflag:s14] =	ssyncset.done $0x0  }
0x27: {  	[sflag:s14] =	ssyncadd.s32 $0xFFFFFF80  }
0x28: {  	[tilespmem:s17], [sflag:$0x1] =	stream.indirect.gather [hbm4b:s1+s15], $0x80, s22, s15, $0xb8;
	[tilespmem:$0x17D80] =	vst v63  }
0x29: {  	_ =	swait.ge [sflag:s18], $0x4000  }
0x2a: {  	v0 =	vmov s22;
	[sflag:s18] =	ssyncset.done $0x0  }
0x2b: {  	s20 =	simm.s32 $0x1C0;
	[sflag:s18] =	ssyncadd.s32 $0xFFFFC000  }
0x2c: {  	v4 =	vld [tilespmem:s20+$0x30]  }
0x2d: {  	v7 =	vld [tilespmem:s20+$0x10]  }
0x2e: {  	v5 =	vld [tilespmem:s20+$0xFFFFFFC0]  }
0x2f: {  	v1 =	vld.idx.msk [tilespmem:v0+s16+$0x0], $0xffff  }
0x30: {  	v9 =	vld [tilespmem:s20+$0xFFFFFFE0]  }
0x31: {  	v0 =	vld [tilespmem:s20+$0xFFFFFFF0]  }
0x32: {  	v2 =	vld [tilespmem:s20+$0x20]  }
0x33: {  	v3 =	vld [tilespmem:s20+$0xFFFFFFD0]  }
0x34: {  	v8 =	vmul.f32 v4, v1;
	v4 =	vld [tilespmem:s20+$0x0]  }
0x35: {  	v6 =	vmul.f32 v5, v1  }
0x36: {  	s21 =	simm.s32 $0x1;
	s22 =	simm.s32 $0x1C0;
	v5 =	vmul.f32 v9, v1;
	v7 =	vmul.f32 v7, v1  }
.LBB2_3:
0x37: {  	p0 =	sne.s32 s21, $0x7F  }
0x38: {  	v3 =	vmul.f32 v3, v1;
	v2 =	vmul.f32 v2, v1;
	[tilespmem:s20+$0x30] =	vst v8;
	s22 =	sadd.s32 $0x80, s22;
	s23 =	smov.u32 s21;
	s21 =	sadd.s32 $0x1, s21  }
0x39: {  	[tilespmem:s20+$0xFFFFFFC0] =	vst v6;
	v6 =	vmul.f32 v0, v1;
	v1 =	vmul.f32 v4, v1  }
0x3a: {  	[tilespmem:s20+$0x10] =	vst v7  }
0x3b: {  	v4 =	vmov s23;
	[tilespmem:s20+$0xFFFFFFE0] =	vst v5  }
0x3c: {  	v0 =	vld [tilespmem:s22+$0xFFFFFFF0];
	[tilespmem:s20+$0xFFFFFFF0] =	vst v6  }
0x3d: {  	v5 =	vld [tilespmem:s22+$0x30];
	[tilespmem:s20+$0x0] =	vst v1  }
0x3e: {  	v7 =	vld [tilespmem:s22+$0x10];
	[tilespmem:s20+$0x20] =	vst v2  }
0x3f: {  	v6 =	vld [tilespmem:s22+$0xFFFFFFC0];
	[tilespmem:s20+$0xFFFFFFD0] =	vst v3;
	s20 =	smov.u32 s22  }
0x40: {  	v1 =	vld.idx.msk [tilespmem:v4+s16+$0x0], $0xffff  }
0x41: {  	v9 =	vld [tilespmem:s22+$0xFFFFFFE0]  }
0x42: {  	v2 =	vld [tilespmem:s22+$0x20]  }
.Ltmp0:
0x43: {  	v3 =	vld [tilespmem:s22+$0xFFFFFFD0];
	(pc) =	sbr.rel @p0 .LBB2_3-.Ltmp0, $3  }
0x44: {  	v4 =	vld [tilespmem:s22+$0x0];
	_ =	sdelay $0x1  }
0x45: {  	v6 =	vmul.f32 v6, v1;
	v8 =	vmul.f32 v5, v1  }
0x46: {  	v7 =	vmul.f32 v7, v1;
	v5 =	vmul.f32 v9, v1  }
0x47: {  	[tilespmem:s20+$0x30] =	vst v8  }
0x48: {  	[tilespmem:s20+$0xFFFFFFC0] =	vst v6  }
0x49: {  	v0 =	vmul.f32 v0, v1;
	[tilespmem:s20+$0x10] =	vst v7  }
0x4a: {  	v2 =	vmul.f32 v2, v1;
	[tilespmem:s20+$0xFFFFFFE0] =	vst v5  }
0x4b: {  	v63 =	vmul.f32 v3, v1;
	[tilespmem:s20+$0xFFFFFFF0] =	vst v0  }
0x4c: {  	s19 =	sadd.s32 $0x1, s19;
	v4 =	vmul.f32 v4, v1;
	[tilespmem:s20+$0x20] =	vst v2  }
0x4d: {  	p0 =	sne.s32 s19, $0x51;
	[tilespmem:s20+$0xFFFFFFD0] =	vst v63  }
.Ltmp1:
0x4e: {  	[tilespmem:s20+$0x0] =	vst v4;
	(pc) =	sbr.rel @p0 .LBB2_2-.Ltmp1, $4  }
0x4f: {  	[spmem:s3] =	stream.indirect.scatter.add.f32 [tilespmem:s17], [sflag:$0x2], $0x80, s15, s15, $0xb8;
	[tilespmem:$0x17D80] =	vst v63  }
0x50: {  	_ =	swait.ge [sflag:s14], $0x4000  }
0x51: {  	[sflag:s14] =	ssyncset.done $0x0  }
0x52: {  	[sflag:s14] =	ssyncadd.s32 $0xFFFFC000  }
0x53: {  	s4 =	sadd.s32 $0x1, s4  }
0x54: {  	p0 =	sne.s32 s4, s12  }
.Ltmp2:
0x55: {  	[bflag:$0x0] =	sbarrier.arrive $0xFFFF;
	(pc) =	sbr.rel @p0 .LBB2_1-.Ltmp2, $4  }
0x56: {  	[hbm:s11], [sflag:s9] =	dma.local [spmem:s13], $0x2780  }
0x57: {  	_ =	swait.ge [sflag:s14], $0x2780  }
0x58: {  	[sflag:s14] =	ssyncset.done $0x0  }
0x59: {  	[sflag:s14] =	ssyncadd.s32 $0xFFFFD880  }
0x5a: {  	_ =	sfence.sel $0x180000  }
0x5b: {  	[bflag:$0x0] =	sbarrier.arrive $0xFFFF  }
0x5c: {  	p0 =	sne.s32 s2, $0x0;
	_ =	strace $0x90000050  }
0x5d: {  	s0 =	sadd.s32 @!p0 $0x100000, s0;
	[bflag:$0x2] =	sbarrier.arrive $0xFFFF  }
0x5e: {  	[sflag:s0] =	ssyncadd.tile.s32 @!p0 $0x1;
	_ =	shalt  }
.Lfunc_end2:
_tile_overlayer_lowered:
.L_overlay_start_2:
0x5f: {  	(tag) =	ssettag $0x2  }
0x60: {  	s0 =	rddreg [dreg:$0x0];
	s2 =	stileid.u32  }
0x61: {  	s1 =	rddreg [dreg:$0x1];
	p0 =	sne.s32 s2, $0x0  }
0x62: {  	s3 =	rddreg [dreg:$0x2];
	[bflag:$0x3] =	sbarrier.arrive $0xFFFF;
	s2 =	simm.s32 @!p0 $0x1C02  }
0x63: {  	[timem:s3], [sflag:s2] =	dma.local @!p0 [hbm:s0], s1  }
0x64: {  	s0 =	simm.s32 @!p0 $0x2  }
0x65: {  	_ =	swait.ge @!p0 [sflag:s0], s1  }
0x66: {  	s1 =	ssub.s32 @!p0 $0x0, s1;
	[sflag:s0] =	ssyncset.done @!p0 $0x0  }
0x67: {  	[sflag:s0] =	ssyncadd.s32 @!p0 s1  }
0x68: {  	[bflag:$0x3] =	sbarrier.arrive $0xFFFF  }
0x69: {  	_ =	shalt  }

</sc_bundles>
